<compile_context>
chip_gen: v7x
topology: tpu7x:2x2x1
jax: 0.10.2.dev20260603
libtpu: 0.0.44.dev20260713+nightly
codegen_flags: <defaults>
</compile_context>

<pallas_src>
import functools

import jax
import jax.numpy as jnp
from jax import lax
from jax.experimental import pallas as pl
from jax.experimental.pallas import tpu as pltpu
from jax.experimental.pallas import tpu_sc as plsc

D = 64
NC, NS = 2, 16
NW = NC * NS
SUB = 128
RB1 = 8192
CH_R = 256
L3 = 5
NSEG = 2


def _fuse_body(tab_a, feat_a, tab_b, feat_b, w1t_ref, w2t_ref, out_ref):
    w1t = w1t_ref[...]
    w2t = w2t_ref[...]
    dn = (((0,), (1,)), ((), ()))
    xa = lax.dot_general(tab_a[...], w1t, dn, preferred_element_type=jnp.float32)
    xa = xa + lax.dot_general(feat_a[...], w2t, dn,
                              preferred_element_type=jnp.float32)
    xb = lax.dot_general(tab_b[...], w1t, dn, preferred_element_type=jnp.float32)
    xb = xb + lax.dot_general(feat_b[...], w2t, dn,
                              preferred_element_type=jnp.float32)
    out_ref[...] = jnp.concatenate([xa, xb], axis=1)


def _gather_body(n_chunks, chunks_per_l, B, l0, ids_ref, fused_ref, out_ref,
                 idx0, idx1, rows0, rows1, gs0, gs1, ws0, ws1):
    wid = lax.axis_index("s") * NC + lax.axis_index("c")
    idx = (idx0, idx1)
    rows = (rows0, rows1)
    gsem = (gs0, gs1)
    wsem = (ws0, ws1)
    k_sub = CH_R // SUB
    chunk0 = wid * n_chunks

    def chunk_op(ci, s, drain):
        l_loc = ci // chunks_per_l
        rc = ci % chunks_per_l
        r0 = rc * CH_R
        l = l0 + l_loc
        row_a = (l * B + r0) // SUB
        row_b = (l * B + B // 2 + r0) // SUB
        orow0 = l_loc * (B // 2) + r0

        def _drain_prev():
            for c in range(2):
                pltpu.make_async_copy(
                    rows[s].at[c],
                    out_ref.at[pl.ds(orow0, CH_R), pl.ds(c * D, D)],
                    wsem[s]).wait()

        if drain is None:
            _drain_prev()
        else:
            pl.when(drain)(_drain_prev)

        pltpu.sync_copy(ids_ref.at[pl.ds(row_a, k_sub)],
                        idx[s].at[pl.ds(0, k_sub)])
        pltpu.sync_copy(ids_ref.at[pl.ds(row_b, k_sub)],
                        idx[s].at[pl.ds(k_sub, k_sub)])
        descs = []
        for c in range(2):
            for k in range(k_sub):
                descs.append(pltpu.async_copy(
                    fused_ref.at[idx[s].at[c * k_sub + k]],
                    rows[s].at[c, pl.ds(k * SUB, SUB)], gsem[s]))
        for dd in descs:
            dd.wait()
        for c in range(2):
            pltpu.async_copy(rows[s].at[c],
                             out_ref.at[pl.ds(orow0, CH_R), pl.ds(c * D, D)],
                             wsem[s])

    def step(g, carry):
        for s in range(2):
            chunk_op(chunk0 + 2 * g + s, s, g > 0)
        return carry

    lax.fori_loop(0, n_chunks // 2, step, 0)
    if n_chunks % 2:
        chunk_op(chunk0 + n_chunks - 1, 0, None)
    for s in range(2):
        for c in range(2):
            pltpu.make_async_copy(rows[s].at[c],
                                  out_ref.at[pl.ds(0, CH_R), pl.ds(c * D, D)],
                                  wsem[s]).wait()


def _pe_body(x_ref, pe_ref, o_ref):
    h = x_ref.shape[0] // L3
    for li in range(L3):
        x = x_ref[pl.ds(li * h, h), :]
        ya = x[:, :D].T
        yb = x[:, D:].T
        o_ref[li] = jnp.concatenate([ya, yb], axis=1) + pe_ref[li]


def _pe_body_alias(x_ref, pe_ref, prev_ref, o_ref):
    del prev_ref
    _pe_body(x_ref, pe_ref, o_ref)


def kernel(item_ids, item_table, features, W, b, pe):
    B, L = item_ids.shape
    n_rows = item_table.shape[0] - 1
    TOK = B * L
    chunks_per_l = B // (2 * CH_R)
    seg_l = L // NSEG
    n_chunks = (seg_l * chunks_per_l) // NW
    assert (seg_l * chunks_per_l) % NW == 0 and B % SUB == 0
    assert L % (NSEG * L3) == 0

    tab_t = item_table.T
    feat_t = features.T
    w_t = W.T
    w1_t = w_t[:, :D]
    w2_t = w_t[:, D:]

    n_grid = pl.cdiv(n_rows, 2 * RB1)
    pair = n_grid * RB1
    n_last = (n_rows + 1) // RB1
    b_map = lambda i: (0, jnp.minimum(i + n_grid, n_last))
    fused2 = pl.pallas_call(
        _fuse_body,
        grid=(n_grid,),
        in_specs=[
            pl.BlockSpec((D, RB1), lambda i: (0, i)),
            pl.BlockSpec((D, RB1), lambda i: (0, i)),
            pl.BlockSpec((D, RB1), b_map),
            pl.BlockSpec((D, RB1), b_map),
            pl.BlockSpec((D, D), lambda i: (0, 0)),
            pl.BlockSpec((D, D), lambda i: (0, 0)),
        ],
        out_specs=pl.BlockSpec((RB1, 2 * D), lambda i: (i, 0)),
        out_shape=jax.ShapeDtypeStruct((pair, 2 * D), jnp.float32),
    )(tab_t, feat_t, tab_t, feat_t, w1_t, w2_t)
    fused = fused2.reshape(2 * pair, D)

    ids_l = item_ids.T.astype(jnp.int32)
    idx_l = jnp.where(ids_l < pair, 2 * ids_l, 2 * ids_l - (2 * pair - 1))
    ids2 = idx_l.reshape(TOK // SUB, SUB)
    mesh = plsc.VectorSubcoreMesh(core_axis_name="c", subcore_axis_name="s")
    seg_rows = seg_l * (B // 2)
    gathered = []
    for seg in range(NSEG):
        gathered.append(pl.kernel(
            functools.partial(_gather_body, n_chunks, chunks_per_l, B,
                              seg * seg_l),
            out_type=jax.ShapeDtypeStruct((seg_rows, 2 * D), jnp.float32),
            mesh=mesh,
            compiler_params=pltpu.CompilerParams(use_tc_tiling_on_sc=False),
            scratch_types=[
                pltpu.VMEM((2 * (CH_R // SUB), SUB), jnp.int32),
                pltpu.VMEM((2 * (CH_R // SUB), SUB), jnp.int32),
                pltpu.VMEM((2, CH_R, D), jnp.float32),
                pltpu.VMEM((2, CH_R, D), jnp.float32),
                pltpu.SemaphoreType.DMA,
                pltpu.SemaphoreType.DMA,
                pltpu.SemaphoreType.DMA,
                pltpu.SemaphoreType.DMA,
            ],
        )(ids2, fused))

    pe_3 = (pe.reshape(L, D) + b[None, :])[:, :, None]
    seg_steps = seg_l // L3
    out_phys = None
    for seg in range(NSEG):
        off = seg * seg_steps
        in_specs = [
            pl.BlockSpec((L3 * (B // 2), 2 * D), lambda i: (i, 0)),
            pl.BlockSpec((L3, D, 1), lambda i, off=off: (i + off, 0, 0)),
        ]
        args = [gathered[seg], pe_3]
        body = _pe_body
        aliases = {}
        if seg > 0:
            in_specs.append(pl.BlockSpec(memory_space=pltpu.MemorySpace.HBM))
            args.append(out_phys)
            body = _pe_body_alias
            aliases = {2: 0}
        out_phys = pl.pallas_call(
            body,
            grid=(seg_steps,),
            in_specs=in_specs,
            out_specs=pl.BlockSpec((L3, D, B), lambda i, off=off: (i + off, 0, 0)),
            out_shape=jax.ShapeDtypeStruct((L, D, B), jnp.float32),
            input_output_aliases=aliases,
        )(*args)
    return jnp.transpose(out_phys, (2, 0, 1))

# --- scband reference (transcript-rebuilt; emitter-appended) ---
"""Pipeline reference for scband-item-encoding-1589137900326 (READ-ONLY COPY).

The authoritative reference and input builder live on the scoring server;
editing this copy changes nothing except your own understanding.
"""

import jax, jax.numpy as jnp
import numpy as np
import math

N_ITEMS = 1000000
D = 64        # embedding_d
FEAT = 64     # per-item feature dim
B = 4096
L = 200       # hist_len == maxlen
MAXLEN = 200

def _sin_pe(maxlen, d):
    pe = np.zeros((maxlen, d), dtype=np.float32)
    pos = np.arange(0, maxlen, dtype=np.float32)[:, None]
    div = np.exp(np.arange(0, d, 2, dtype=np.float32) * (-math.log(10000.0) / d))
    pe[:, 0::2] = np.sin(pos * div)
    pe[:, 1::2] = np.cos(pos * div)
    return jnp.asarray(pe)[None]  # (1, maxlen, d)

def setup_inputs(seed: int = 0) -> dict:
    key = jax.random.key(seed)
    k1, k2, k3, k4 = jax.random.split(key, 4)
    item_ids = jax.random.randint(k1, (B, L), 0, N_ITEMS)
    # nn.Embedding(n_items+1, D, padding_idx=0): row 0 is zero
    item_table = jax.random.normal(k2, (N_ITEMS + 1, D), dtype=jnp.float32) * 0.02
    item_table = item_table.at[0].set(0.0)
    # Features buffer (fixed, non-learned) registered in __init__
    features = jax.random.normal(k3, (N_ITEMS + 1, FEAT), dtype=jnp.float32)
    # context/feature fusion linear: (D + FEAT) -> D
    W = jax.random.normal(k4, (D + FEAT, D), dtype=jnp.float32) * 0.02
    b = jnp.zeros((D,), dtype=jnp.float32)
    pe = _sin_pe(MAXLEN, D)
    return {"item_ids": item_ids, "item_table": item_table, "features": features, "W": W, "b": b, "pe": pe}

def reference(item_ids, item_table, features, W, b, pe):
    # embedding lookup with padding_idx=0 semantics
    mask = (item_ids != 0)[..., None]
    emb = jnp.where(mask, jnp.take(item_table, item_ids, axis=0), 0.0)   # (B, L, D)
    feat = jnp.take(features, item_ids, axis=0)                          # (B, L, FEAT)
    x = jnp.concatenate([emb, feat], axis=-1)                            # (B, L, D+FEAT)
    x = x @ W + b                                                        # (B, L, D)
    # SinPositionalEncoding, additive mode (position_concatenation=False)
    x = x + pe[:, : x.shape[1], :]
    return x

if __name__ == "__main__":
    import jax
    _d = setup_inputs()
    print(jax.jit(kernel)(*tuple(_d.values())))

</pallas_src>

<mosaic_0001>
#map = affine_map<(d0, d1) -> (0, 0)>
module attributes {stable_mosaic.version = 14 : i64} {
  func.func @_gather_body(%arg0: i32, %arg1: i32, %arg2: memref<6400x128xi32, #tpu.memory_space<hbm>>, %arg3: memref<1015808x64xf32, #tpu.memory_space<hbm>>, %arg4: memref<204800x128xf32, #tpu.memory_space<hbm>>, %arg5: memref<4x128xi32, #tpu.memory_space<vmem>>, %arg6: memref<4x128xi32, #tpu.memory_space<vmem>>, %arg7: memref<2x256x64xf32, #tpu.memory_space<vmem>>, %arg8: memref<2x256x64xf32, #tpu.memory_space<vmem>>, %arg9: memref<!tpu.dma_semaphore, #tpu.memory_space<semaphore_mem>>, %arg10: memref<!tpu.dma_semaphore, #tpu.memory_space<semaphore_mem>>, %arg11: memref<!tpu.dma_semaphore, #tpu.memory_space<semaphore_mem>>, %arg12: memref<!tpu.dma_semaphore, #tpu.memory_space<semaphore_mem>>) attributes {dimension_semantics = [#tpu.dimension_semantics<core_parallel>, #tpu.dimension_semantics<subcore_parallel>], iteration_bounds = array<i64: 2, 16>, scalar_prefetch = 0 : i64, scratch_operands = 8 : i64, tpu.core_type = #tpu.core_type<sc_vector_subcore>, window_params = [{transform_indices = #map}, {transform_indices = #map}, {transform_indices = #map}]} {
    %mul3A = arith.constant 2 : i32
    %mul3A_0 = arith.muli %arg1, %mul3A : i32
    %add3A = arith.addi %mul3A_0, %arg0 : i32
    %mul3A_1 = arith.constant 25 : i32
    %mul3A_2 = arith.muli %add3A, %mul3A_1 : i32
    %scan3A = arith.constant 0 : i32
    %scan3A_3 = arith.constant 0 : i32
    %scan3A_4 = arith.constant 12 : i32
    %scan3A_5 = arith.addi %scan3A_3, %scan3A_4 : i32
    %scan3A_6 = arith.constant 1 : i32
    scf.for %scan3A_311 = %scan3A_3 to %scan3A_5 step %scan3A_6  : i32 {
      %mul3A_312 = arith.constant 2 : i32
      %mul3A_313 = arith.muli %mul3A_312, %scan3A_311 : i32
      %add3A_314 = arith.addi %mul3A_2, %mul3A_313 : i32
      %add3A_315 = arith.constant 0 : i32
      %add3A_316 = arith.addi %add3A_314, %add3A_315 : i32
      %gt3A = arith.constant 0 : i32
      %gt3A_317 = arith.cmpi sgt, %scan3A_311, %gt3A : i32
      %jit3A_318 = arith.constant 8 : i32
      %div3A_319 = arith.divsi %add3A_316, %jit3A_318 : i32
      %sign3A_320 = arith.constant 0 : i32
      %sign3A_321 = arith.cmpi sgt, %add3A_316, %sign3A_320 : i32
      %sign3A_322 = arith.extui %sign3A_321 : i1 to i32
      %sign3A_323 = arith.constant 0 : i32
      %sign3A_324 = arith.cmpi slt, %add3A_316, %sign3A_323 : i32
      %sign3A_325 = arith.extui %sign3A_324 : i1 to i32
      %sign3A_326 = arith.subi %sign3A_322, %sign3A_325 : i32
      %sign3A_327 = arith.constant 0 : i32
      %sign3A_328 = arith.cmpi sgt, %jit3A_318, %sign3A_327 : i32
      %sign3A_329 = arith.extui %sign3A_328 : i1 to i32
      %sign3A_330 = arith.constant 0 : i32
      %sign3A_331 = arith.cmpi slt, %jit3A_318, %sign3A_330 : i32
      %sign3A_332 = arith.extui %sign3A_331 : i1 to i32
      %sign3A_333 = arith.subi %sign3A_329, %sign3A_332 : i32
      %ne3A_334 = arith.cmpi ne, %sign3A_326, %sign3A_333 : i32
      %rem3A_335 = arith.remsi %add3A_316, %jit3A_318 : i32
      %ne3A_336 = arith.constant 0 : i32
      %ne3A_337 = arith.cmpi ne, %rem3A_335, %ne3A_336 : i32
      %and3A_338 = arith.andi %ne3A_334, %ne3A_337 : i1
      %sub3A_339 = arith.constant 1 : i32
      %sub3A_340 = arith.subi %div3A_319, %sub3A_339 : i32
      %select_n3A_341 = arith.select %and3A_338, %sub3A_340, %div3A_319 : i32
      %jit3A_342 = arith.constant 8 : i32
      %eq3A_343 = arith.constant 0 : i32
      %eq3A_344 = arith.cmpi eq, %jit3A_342, %eq3A_343 : i32
      %jit3A_345 = arith.constant 1 : i32
      %select_n3A_346 = arith.select %eq3A_344, %jit3A_345, %jit3A_342 : i32
      %rem3A_347 = arith.remsi %add3A_316, %select_n3A_346 : i32
      %ne3A_348 = arith.constant 0 : i32
      %ne3A_349 = arith.cmpi ne, %rem3A_347, %ne3A_348 : i32
      %lt3A_350 = arith.constant 0 : i32
      %lt3A_351 = arith.cmpi slt, %rem3A_347, %lt3A_350 : i32
      %lt3A_352 = arith.constant 0 : i32
      %lt3A_353 = arith.cmpi slt, %select_n3A_346, %lt3A_352 : i32
      %ne3A_354 = arith.xori %lt3A_351, %lt3A_353 : i1
      %and3A_355 = arith.andi %ne3A_354, %ne3A_349 : i1
      %add3A_356 = arith.addi %rem3A_347, %select_n3A_346 : i32
      %select_n3A_357 = arith.select %and3A_355, %add3A_356, %rem3A_347 : i32
      %mul3A_358 = arith.constant 256 : i32
      %mul3A_359 = arith.muli %select_n3A_357, %mul3A_358 : i32
      %add3A_360 = arith.constant 0 : i32
      %add3A_361 = arith.addi %add3A_360, %select_n3A_341 : i32
      %mul3A_362 = arith.constant 4096 : i32
      %mul3A_363 = arith.muli %add3A_361, %mul3A_362 : i32
      %add3A_364 = arith.addi %mul3A_363, %mul3A_359 : i32
      %jit3A_365 = arith.constant 128 : i32
      %div3A_366 = arith.divsi %add3A_364, %jit3A_365 : i32
      %sign3A_367 = arith.constant 0 : i32
      %sign3A_368 = arith.cmpi sgt, %add3A_364, %sign3A_367 : i32
      %sign3A_369 = arith.extui %sign3A_368 : i1 to i32
      %sign3A_370 = arith.constant 0 : i32
      %sign3A_371 = arith.cmpi slt, %add3A_364, %sign3A_370 : i32
      %sign3A_372 = arith.extui %sign3A_371 : i1 to i32
      %sign3A_373 = arith.subi %sign3A_369, %sign3A_372 : i32
      %sign3A_374 = arith.constant 0 : i32
      %sign3A_375 = arith.cmpi sgt, %jit3A_365, %sign3A_374 : i32
      %sign3A_376 = arith.extui %sign3A_375 : i1 to i32
      %sign3A_377 = arith.constant 0 : i32
      %sign3A_378 = arith.cmpi slt, %jit3A_365, %sign3A_377 : i32
      %sign3A_379 = arith.extui %sign3A_378 : i1 to i32
      %sign3A_380 = arith.subi %sign3A_376, %sign3A_379 : i32
      %ne3A_381 = arith.cmpi ne, %sign3A_373, %sign3A_380 : i32
      %rem3A_382 = arith.remsi %add3A_364, %jit3A_365 : i32
      %ne3A_383 = arith.constant 0 : i32
      %ne3A_384 = arith.cmpi ne, %rem3A_382, %ne3A_383 : i32
      %and3A_385 = arith.andi %ne3A_381, %ne3A_384 : i1
      %sub3A_386 = arith.constant 1 : i32
      %sub3A_387 = arith.subi %div3A_366, %sub3A_386 : i32
      %select_n3A_388 = arith.select %and3A_385, %sub3A_387, %div3A_366 : i32
      %mul3A_389 = arith.constant 4096 : i32
      %mul3A_390 = arith.muli %add3A_361, %mul3A_389 : i32
      %add3A_391 = arith.constant 2048 : i32
      %add3A_392 = arith.addi %mul3A_390, %add3A_391 : i32
      %add3A_393 = arith.addi %add3A_392, %mul3A_359 : i32
      %jit3A_394 = arith.constant 128 : i32
      %div3A_395 = arith.divsi %add3A_393, %jit3A_394 : i32
      %sign3A_396 = arith.constant 0 : i32
      %sign3A_397 = arith.cmpi sgt, %add3A_393, %sign3A_396 : i32
      %sign3A_398 = arith.extui %sign3A_397 : i1 to i32
      %sign3A_399 = arith.constant 0 : i32
      %sign3A_400 = arith.cmpi slt, %add3A_393, %sign3A_399 : i32
      %sign3A_401 = arith.extui %sign3A_400 : i1 to i32
      %sign3A_402 = arith.subi %sign3A_398, %sign3A_401 : i32
      %sign3A_403 = arith.constant 0 : i32
      %sign3A_404 = arith.cmpi sgt, %jit3A_394, %sign3A_403 : i32
      %sign3A_405 = arith.extui %sign3A_404 : i1 to i32
      %sign3A_406 = arith.constant 0 : i32
      %sign3A_407 = arith.cmpi slt, %jit3A_394, %sign3A_406 : i32
      %sign3A_408 = arith.extui %sign3A_407 : i1 to i32
      %sign3A_409 = arith.subi %sign3A_405, %sign3A_408 : i32
      %ne3A_410 = arith.cmpi ne, %sign3A_402, %sign3A_409 : i32
      %rem3A_411 = arith.remsi %add3A_393, %jit3A_394 : i32
      %ne3A_412 = arith.constant 0 : i32
      %ne3A_413 = arith.cmpi ne, %rem3A_411, %ne3A_412 : i32
      %and3A_414 = arith.andi %ne3A_410, %ne3A_413 : i1
      %sub3A_415 = arith.constant 1 : i32
      %sub3A_416 = arith.subi %div3A_395, %sub3A_415 : i32
      %select_n3A_417 = arith.select %and3A_414, %sub3A_416, %div3A_395 : i32
      %mul3A_418 = arith.constant 2048 : i32
      %mul3A_419 = arith.muli %select_n3A_341, %mul3A_418 : i32
      %add3A_420 = arith.addi %mul3A_419, %mul3A_359 : i32
      %convert_element_type3A = arith.extui %gt3A_317 : i1 to i32
      %cond3A = arith.constant 0 : i32
      %cond3A_421 = arith.cmpi ne, %convert_element_type3A, %cond3A : i32
      scf.if %cond3A_421 {
        %dma_wait3A_779 = arith.constant 0 : i32
        %dma_wait3A_780 = arith.constant 0 : i32
        %dma_wait3A_781 = arith.constant 0 : i32
        %dma_wait3A_782 = tpu.memref_slice %arg7[%dma_wait3A_779, %dma_wait3A_780, %dma_wait3A_781] : memref<2x256x64xf32, #tpu.memory_space<vmem>> -> memref<1x256x64xf32, #tpu.memory_space<vmem>>
        %dma_wait3A_783 = tpu.memref_squeeze %dma_wait3A_782 : memref<1x256x64xf32, #tpu.memory_space<vmem>> -> memref<256x64xf32, #tpu.memory_space<vmem>>
        %dma_wait3A_784 = arith.constant 0 : i32
        %dma_wait3A_785 = tpu.memref_slice %arg4[%add3A_420, %dma_wait3A_784] : memref<204800x128xf32, #tpu.memory_space<hbm>> -> memref<256x64xf32, #tpu.memory_space<hbm>>
        %dma_wait3A_786 = arith.constant 0 : i32
        %dma_wait3A_787 = tpu.memref_slice %arg4[%add3A_420, %dma_wait3A_786] : memref<204800x128xf32, #tpu.memory_space<hbm>> -> memref<256x64xf32, #tpu.memory_space<hbm>>
        %dma_wait3A_788 = arith.constant 0 : i32
        %dma_wait3A_789 = arith.constant 0 : i32
        %dma_wait3A_790 = tpu.memref_slice %arg7[%dma_wait3A_779, %dma_wait3A_788, %dma_wait3A_789] : memref<2x256x64xf32, #tpu.memory_space<vmem>> -> memref<1x256x64xf32, #tpu.memory_space<vmem>>
        %dma_wait3A_791 = tpu.memref_squeeze %dma_wait3A_790 : memref<1x256x64xf32, #tpu.memory_space<vmem>> -> memref<256x64xf32, #tpu.memory_space<vmem>>
        tpu.wait_dma2 semaphore(%arg11 : memref<!tpu.dma_semaphore, #tpu.memory_space<semaphore_mem>>) src(%dma_wait3A_791 : memref<256x64xf32, #tpu.memory_space<vmem>>) dst(%dma_wait3A_787 : memref<256x64xf32, #tpu.memory_space<hbm>>)
        %dma_wait3A_792 = arith.constant 1 : i32
        %dma_wait3A_793 = arith.constant 0 : i32
        %dma_wait3A_794 = arith.constant 0 : i32
        %dma_wait3A_795 = tpu.memref_slice %arg7[%dma_wait3A_792, %dma_wait3A_793, %dma_wait3A_794] : memref<2x256x64xf32, #tpu.memory_space<vmem>> -> memref<1x256x64xf32, #tpu.memory_space<vmem>>
        %dma_wait3A_796 = tpu.memref_squeeze %dma_wait3A_795 : memref<1x256x64xf32, #tpu.memory_space<vmem>> -> memref<256x64xf32, #tpu.memory_space<vmem>>
        %dma_wait3A_797 = arith.constant 64 : i32
        %dma_wait3A_798 = tpu.memref_slice %arg4[%add3A_420, %dma_wait3A_797] : memref<204800x128xf32, #tpu.memory_space<hbm>> -> memref<256x64xf32, #tpu.memory_space<hbm>>
        %dma_wait3A_799 = arith.constant 64 : i32
        %dma_wait3A_800 = tpu.memref_slice %arg4[%add3A_420, %dma_wait3A_799] : memref<204800x128xf32, #tpu.memory_space<hbm>> -> memref<256x64xf32, #tpu.memory_space<hbm>>
        %dma_wait3A_801 = arith.constant 0 : i32
        %dma_wait3A_802 = arith.constant 0 : i32
        %dma_wait3A_803 = tpu.memref_slice %arg7[%dma_wait3A_792, %dma_wait3A_801, %dma_wait3A_802] : memref<2x256x64xf32, #tpu.memory_space<vmem>> -> memref<1x256x64xf32, #tpu.memory_space<vmem>>
        %dma_wait3A_804 = tpu.memref_squeeze %dma_wait3A_803 : memref<1x256x64xf32, #tpu.memory_space<vmem>> -> memref<256x64xf32, #tpu.memory_space<vmem>>
        tpu.wait_dma2 semaphore(%arg11 : memref<!tpu.dma_semaphore, #tpu.memory_space<semaphore_mem>>) src(%dma_wait3A_804 : memref<256x64xf32, #tpu.memory_space<vmem>>) dst(%dma_wait3A_800 : memref<256x64xf32, #tpu.memory_space<hbm>>)
      } else {
      }
      "tpu.region"() ({
        %run_scoped3A = tpu.sem_alloc : memref<!tpu.dma_semaphore, #tpu.memory_space<semaphore_mem>>
        %dma_start3A_779 = arith.constant 0 : i32
        %dma_start3A_780 = arith.constant 0 : i32
        %dma_start3A_781 = tpu.memref_slice %arg5[%dma_start3A_779, %dma_start3A_780] : memref<4x128xi32, #tpu.memory_space<vmem>> -> memref<2x128xi32, #tpu.memory_space<vmem>>
        %dma_start3A_782 = arith.constant 0 : i32
        %dma_start3A_783 = tpu.memref_slice %arg2[%select_n3A_388, %dma_start3A_782] : memref<6400x128xi32, #tpu.memory_space<hbm>> -> memref<2x128xi32, #tpu.memory_space<hbm>>
        %dma_start3A_784 = arith.constant 0 : i32
        %dma_start3A_785 = arith.constant 0 : i32
        %dma_start3A_786 = tpu.memref_slice %arg5[%dma_start3A_784, %dma_start3A_785] : memref<4x128xi32, #tpu.memory_space<vmem>> -> memref<2x128xi32, #tpu.memory_space<vmem>>
        %dma_start3A_787 = arith.constant 0 : i32
        %dma_start3A_788 = tpu.memref_slice %arg2[%select_n3A_388, %dma_start3A_787] : memref<6400x128xi32, #tpu.memory_space<hbm>> -> memref<2x128xi32, #tpu.memory_space<hbm>>
        tpu.enqueue_dma source(%dma_start3A_788 : memref<2x128xi32, #tpu.memory_space<hbm>>) target(%dma_start3A_786 : memref<2x128xi32, #tpu.memory_space<vmem>>) target_semaphore(%run_scoped3A : memref<!tpu.dma_semaphore, #tpu.memory_space<semaphore_mem>>)
        %dma_wait3A_789 = arith.constant 0 : i32
        %dma_wait3A_790 = arith.constant 0 : i32
        %dma_wait3A_791 = tpu.memref_slice %arg5[%dma_wait3A_789, %dma_wait3A_790] : memref<4x128xi32, #tpu.memory_space<vmem>> -> memref<2x128xi32, #tpu.memory_space<vmem>>
        %dma_wait3A_792 = arith.constant 0 : i32
        %dma_wait3A_793 = tpu.memref_slice %arg2[%select_n3A_388, %dma_wait3A_792] : memref<6400x128xi32, #tpu.memory_space<hbm>> -> memref<2x128xi32, #tpu.memory_space<hbm>>
        %dma_wait3A_794 = arith.constant 0 : i32
        %dma_wait3A_795 = arith.constant 0 : i32
        %dma_wait3A_796 = tpu.memref_slice %arg5[%dma_wait3A_794, %dma_wait3A_795] : memref<4x128xi32, #tpu.memory_space<vmem>> -> memref<2x128xi32, #tpu.memory_space<vmem>>
        %dma_wait3A_797 = arith.constant 0 : i32
        %dma_wait3A_798 = tpu.memref_slice %arg2[%select_n3A_388, %dma_wait3A_797] : memref<6400x128xi32, #tpu.memory_space<hbm>> -> memref<2x128xi32, #tpu.memory_space<hbm>>
        tpu.wait_dma2 semaphore(%run_scoped3A : memref<!tpu.dma_semaphore, #tpu.memory_space<semaphore_mem>>) src(%dma_wait3A_798 : memref<2x128xi32, #tpu.memory_space<hbm>>) dst(%dma_wait3A_796 : memref<2x128xi32, #tpu.memory_space<vmem>>)
        tpu.yield
      }) : () -> ()
      "tpu.region"() ({
        %run_scoped3A = tpu.sem_alloc : memref<!tpu.dma_semaphore, #tpu.memory_space<semaphore_mem>>
        %dma_start3A_779 = arith.constant 2 : i32
        %dma_start3A_780 = arith.constant 0 : i32
        %dma_start3A_781 = tpu.memref_slice %arg5[%dma_start3A_779, %dma_start3A_780] : memref<4x128xi32, #tpu.memory_space<vmem>> -> memref<2x128xi32, #tpu.memory_space<vmem>>
        %dma_start3A_782 = arith.constant 0 : i32
        %dma_start3A_783 = tpu.memref_slice %arg2[%select_n3A_417, %dma_start3A_782] : memref<6400x128xi32, #tpu.memory_space<hbm>> -> memref<2x128xi32, #tpu.memory_space<hbm>>
        %dma_start3A_784 = arith.constant 2 : i32
        %dma_start3A_785 = arith.constant 0 : i32
        %dma_start3A_786 = tpu.memref_slice %arg5[%dma_start3A_784, %dma_start3A_785] : memref<4x128xi32, #tpu.memory_space<vmem>> -> memref<2x128xi32, #tpu.memory_space<vmem>>
        %dma_start3A_787 = arith.constant 0 : i32
        %dma_start3A_788 = tpu.memref_slice %arg2[%select_n3A_417, %dma_start3A_787] : memref<6400x128xi32, #tpu.memory_space<hbm>> -> memref<2x128xi32, #tpu.memory_space<hbm>>
        tpu.enqueue_dma source(%dma_start3A_788 : memref<2x128xi32, #tpu.memory_space<hbm>>) target(%dma_start3A_786 : memref<2x128xi32, #tpu.memory_space<vmem>>) target_semaphore(%run_scoped3A : memref<!tpu.dma_semaphore, #tpu.memory_space<semaphore_mem>>)
        %dma_wait3A_789 = arith.constant 2 : i32
        %dma_wait3A_790 = arith.constant 0 : i32
        %dma_wait3A_791 = tpu.memref_slice %arg5[%dma_wait3A_789, %dma_wait3A_790] : memref<4x128xi32, #tpu.memory_space<vmem>> -> memref<2x128xi32, #tpu.memory_space<vmem>>
        %dma_wait3A_792 = arith.constant 0 : i32
        %dma_wait3A_793 = tpu.memref_slice %arg2[%select_n3A_417, %dma_wait3A_792] : memref<6400x128xi32, #tpu.memory_space<hbm>> -> memref<2x128xi32, #tpu.memory_space<hbm>>
        %dma_wait3A_794 = arith.constant 2 : i32
        %dma_wait3A_795 = arith.constant 0 : i32
        %dma_wait3A_796 = tpu.memref_slice %arg5[%dma_wait3A_794, %dma_wait3A_795] : memref<4x128xi32, #tpu.memory_space<vmem>> -> memref<2x128xi32, #tpu.memory_space<vmem>>
        %dma_wait3A_797 = arith.constant 0 : i32
        %dma_wait3A_798 = tpu.memref_slice %arg2[%select_n3A_417, %dma_wait3A_797] : memref<6400x128xi32, #tpu.memory_space<hbm>> -> memref<2x128xi32, #tpu.memory_space<hbm>>
        tpu.wait_dma2 semaphore(%run_scoped3A : memref<!tpu.dma_semaphore, #tpu.memory_space<semaphore_mem>>) src(%dma_wait3A_798 : memref<2x128xi32, #tpu.memory_space<hbm>>) dst(%dma_wait3A_796 : memref<2x128xi32, #tpu.memory_space<vmem>>)
        tpu.yield
      }) : () -> ()
      %dma_start3A_422 = arith.constant 0 : i32
      %dma_start3A_423 = arith.constant 0 : i32
      %dma_start3A_424 = arith.constant 0 : i32
      %dma_start3A_425 = arith.constant 0 : i32
      %dma_start3A_426 = tpu.memref_slice %arg7[%dma_start3A_423, %dma_start3A_424, %dma_start3A_425] : memref<2x256x64xf32, #tpu.memory_space<vmem>> -> memref<1x128x64xf32, #tpu.memory_space<vmem>>
      %dma_start3A_427 = tpu.memref_squeeze %dma_start3A_426 : memref<1x128x64xf32, #tpu.memory_space<vmem>> -> memref<128x64xf32, #tpu.memory_space<vmem>>
      %dma_start3A_428 = arith.constant 0 : i32
      %dma_start3A_429 = tpu.memref_slice %arg5[%dma_start3A_422, %dma_start3A_428] : memref<4x128xi32, #tpu.memory_space<vmem>> -> memref<1x128xi32, #tpu.memory_space<vmem>>
      %dma_start3A_430 = tpu.memref_squeeze %dma_start3A_429 : memref<1x128xi32, #tpu.memory_space<vmem>> -> memref<128xi32, #tpu.memory_space<vmem>>
      %dma_start3A_431 = arith.constant 0 : i32
      %dma_start3A_432 = arith.constant 0 : i32
      %dma_start3A_433 = tpu.memref_slice %arg3[%dma_start3A_431, %dma_start3A_432] : memref<1015808x64xf32, #tpu.memory_space<hbm>> -> memref<1015808x64xf32, #tpu.memory_space<hbm>>
      tpu.enqueue_indirect_dma source(%dma_start3A_433 : memref<1015808x64xf32, #tpu.memory_space<hbm>>) target(%dma_start3A_427 : memref<128x64xf32, #tpu.memory_space<vmem>>) offsets(%dma_start3A_430 : memref<128xi32, #tpu.memory_space<vmem>>) semaphore(%arg9 : memref<!tpu.dma_semaphore, #tpu.memory_space<semaphore_mem>>)
      %dma_start3A_434 = arith.constant 1 : i32
      %dma_start3A_435 = arith.constant 0 : i32
      %dma_start3A_436 = arith.constant 128 : i32
      %dma_start3A_437 = arith.constant 0 : i32
      %dma_start3A_438 = tpu.memref_slice %arg7[%dma_start3A_435, %dma_start3A_436, %dma_start3A_437] : memref<2x256x64xf32, #tpu.memory_space<vmem>> -> memref<1x128x64xf32, #tpu.memory_space<vmem>>
      %dma_start3A_439 = tpu.memref_squeeze %dma_start3A_438 : memref<1x128x64xf32, #tpu.memory_space<vmem>> -> memref<128x64xf32, #tpu.memory_space<vmem>>
      %dma_start3A_440 = arith.constant 0 : i32
      %dma_start3A_441 = tpu.memref_slice %arg5[%dma_start3A_434, %dma_start3A_440] : memref<4x128xi32, #tpu.memory_space<vmem>> -> memref<1x128xi32, #tpu.memory_space<vmem>>
      %dma_start3A_442 = tpu.memref_squeeze %dma_start3A_441 : memref<1x128xi32, #tpu.memory_space<vmem>> -> memref<128xi32, #tpu.memory_space<vmem>>
      %dma_start3A_443 = arith.constant 0 : i32
      %dma_start3A_444 = arith.constant 0 : i32
      %dma_start3A_445 = tpu.memref_slice %arg3[%dma_start3A_443, %dma_start3A_444] : memref<1015808x64xf32, #tpu.memory_space<hbm>> -> memref<1015808x64xf32, #tpu.memory_space<hbm>>
      tpu.enqueue_indirect_dma source(%dma_start3A_445 : memref<1015808x64xf32, #tpu.memory_space<hbm>>) target(%dma_start3A_439 : memref<128x64xf32, #tpu.memory_space<vmem>>) offsets(%dma_start3A_442 : memref<128xi32, #tpu.memory_space<vmem>>) semaphore(%arg9 : memref<!tpu.dma_semaphore, #tpu.memory_space<semaphore_mem>>)
      %dma_start3A_446 = arith.constant 2 : i32
      %dma_start3A_447 = arith.constant 1 : i32
      %dma_start3A_448 = arith.constant 0 : i32
      %dma_start3A_449 = arith.constant 0 : i32
      %dma_start3A_450 = tpu.memref_slice %arg7[%dma_start3A_447, %dma_start3A_448, %dma_start3A_449] : memref<2x256x64xf32, #tpu.memory_space<vmem>> -> memref<1x128x64xf32, #tpu.memory_space<vmem>>
      %dma_start3A_451 = tpu.memref_squeeze %dma_start3A_450 : memref<1x128x64xf32, #tpu.memory_space<vmem>> -> memref<128x64xf32, #tpu.memory_space<vmem>>
      %dma_start3A_452 = arith.constant 0 : i32
      %dma_start3A_453 = tpu.memref_slice %arg5[%dma_start3A_446, %dma_start3A_452] : memref<4x128xi32, #tpu.memory_space<vmem>> -> memref<1x128xi32, #tpu.memory_space<vmem>>
      %dma_start3A_454 = tpu.memref_squeeze %dma_start3A_453 : memref<1x128xi32, #tpu.memory_space<vmem>> -> memref<128xi32, #tpu.memory_space<vmem>>
      %dma_start3A_455 = arith.constant 0 : i32
      %dma_start3A_456 = arith.constant 0 : i32
      %dma_start3A_457 = tpu.memref_slice %arg3[%dma_start3A_455, %dma_start3A_456] : memref<1015808x64xf32, #tpu.memory_space<hbm>> -> memref<1015808x64xf32, #tpu.memory_space<hbm>>
      tpu.enqueue_indirect_dma source(%dma_start3A_457 : memref<1015808x64xf32, #tpu.memory_space<hbm>>) target(%dma_start3A_451 : memref<128x64xf32, #tpu.memory_space<vmem>>) offsets(%dma_start3A_454 : memref<128xi32, #tpu.memory_space<vmem>>) semaphore(%arg9 : memref<!tpu.dma_semaphore, #tpu.memory_space<semaphore_mem>>)
      %dma_start3A_458 = arith.constant 3 : i32
      %dma_start3A_459 = arith.constant 1 : i32
      %dma_start3A_460 = arith.constant 128 : i32
      %dma_start3A_461 = arith.constant 0 : i32
      %dma_start3A_462 = tpu.memref_slice %arg7[%dma_start3A_459, %dma_start3A_460, %dma_start3A_461] : memref<2x256x64xf32, #tpu.memory_space<vmem>> -> memref<1x128x64xf32, #tpu.memory_space<vmem>>
      %dma_start3A_463 = tpu.memref_squeeze %dma_start3A_462 : memref<1x128x64xf32, #tpu.memory_space<vmem>> -> memref<128x64xf32, #tpu.memory_space<vmem>>
      %dma_start3A_464 = arith.constant 0 : i32
      %dma_start3A_465 = tpu.memref_slice %arg5[%dma_start3A_458, %dma_start3A_464] : memref<4x128xi32, #tpu.memory_space<vmem>> -> memref<1x128xi32, #tpu.memory_space<vmem>>
      %dma_start3A_466 = tpu.memref_squeeze %dma_start3A_465 : memref<1x128xi32, #tpu.memory_space<vmem>> -> memref<128xi32, #tpu.memory_space<vmem>>
      %dma_start3A_467 = arith.constant 0 : i32
      %dma_start3A_468 = arith.constant 0 : i32
      %dma_start3A_469 = tpu.memref_slice %arg3[%dma_start3A_467, %dma_start3A_468] : memref<1015808x64xf32, #tpu.memory_space<hbm>> -> memref<1015808x64xf32, #tpu.memory_space<hbm>>
      tpu.enqueue_indirect_dma source(%dma_start3A_469 : memref<1015808x64xf32, #tpu.memory_space<hbm>>) target(%dma_start3A_463 : memref<128x64xf32, #tpu.memory_space<vmem>>) offsets(%dma_start3A_466 : memref<128xi32, #tpu.memory_space<vmem>>) semaphore(%arg9 : memref<!tpu.dma_semaphore, #tpu.memory_space<semaphore_mem>>)
      %dma_wait3A_470 = arith.constant 0 : i32
      %dma_wait3A_471 = arith.constant 0 : i32
      %dma_wait3A_472 = arith.constant 0 : i32
      %dma_wait3A_473 = arith.constant 0 : i32
      %dma_wait3A_474 = tpu.memref_slice %arg7[%dma_wait3A_471, %dma_wait3A_472, %dma_wait3A_473] : memref<2x256x64xf32, #tpu.memory_space<vmem>> -> memref<1x128x64xf32, #tpu.memory_space<vmem>>
      %dma_wait3A_475 = tpu.memref_squeeze %dma_wait3A_474 : memref<1x128x64xf32, #tpu.memory_space<vmem>> -> memref<128x64xf32, #tpu.memory_space<vmem>>
      %dma_wait3A_476 = arith.constant 0 : i32
      %dma_wait3A_477 = tpu.memref_slice %arg5[%dma_wait3A_470, %dma_wait3A_476] : memref<4x128xi32, #tpu.memory_space<vmem>> -> memref<1x128xi32, #tpu.memory_space<vmem>>
      %dma_wait3A_478 = tpu.memref_squeeze %dma_wait3A_477 : memref<1x128xi32, #tpu.memory_space<vmem>> -> memref<128xi32, #tpu.memory_space<vmem>>
      %dma_wait3A_479 = arith.constant 0 : i32
      %dma_wait3A_480 = arith.constant 0 : i32
      %dma_wait3A_481 = tpu.memref_slice %arg3[%dma_wait3A_479, %dma_wait3A_480] : memref<1015808x64xf32, #tpu.memory_space<hbm>> -> memref<1015808x64xf32, #tpu.memory_space<hbm>>
      tpu.wait_indirect_dma semaphore(%arg9 : memref<!tpu.dma_semaphore, #tpu.memory_space<semaphore_mem>>) src(%dma_wait3A_481 : memref<1015808x64xf32, #tpu.memory_space<hbm>>) dst(%dma_wait3A_475 : memref<128x64xf32, #tpu.memory_space<vmem>>)
      %dma_wait3A_482 = arith.constant 1 : i32
      %dma_wait3A_483 = arith.constant 0 : i32
      %dma_wait3A_484 = arith.constant 128 : i32
      %dma_wait3A_485 = arith.constant 0 : i32
      %dma_wait3A_486 = tpu.memref_slice %arg7[%dma_wait3A_483, %dma_wait3A_484, %dma_wait3A_485] : memref<2x256x64xf32, #tpu.memory_space<vmem>> -> memref<1x128x64xf32, #tpu.memory_space<vmem>>
      %dma_wait3A_487 = tpu.memref_squeeze %dma_wait3A_486 : memref<1x128x64xf32, #tpu.memory_space<vmem>> -> memref<128x64xf32, #tpu.memory_space<vmem>>
      %dma_wait3A_488 = arith.constant 0 : i32
      %dma_wait3A_489 = tpu.memref_slice %arg5[%dma_wait3A_482, %dma_wait3A_488] : memref<4x128xi32, #tpu.memory_space<vmem>> -> memref<1x128xi32, #tpu.memory_space<vmem>>
      %dma_wait3A_490 = tpu.memref_squeeze %dma_wait3A_489 : memref<1x128xi32, #tpu.memory_space<vmem>> -> memref<128xi32, #tpu.memory_space<vmem>>
      %dma_wait3A_491 = arith.constant 0 : i32
      %dma_wait3A_492 = arith.constant 0 : i32
      %dma_wait3A_493 = tpu.memref_slice %arg3[%dma_wait3A_491, %dma_wait3A_492] : memref<1015808x64xf32, #tpu.memory_space<hbm>> -> memref<1015808x64xf32, #tpu.memory_space<hbm>>
      tpu.wait_indirect_dma semaphore(%arg9 : memref<!tpu.dma_semaphore, #tpu.memory_space<semaphore_mem>>) src(%dma_wait3A_493 : memref<1015808x64xf32, #tpu.memory_space<hbm>>) dst(%dma_wait3A_487 : memref<128x64xf32, #tpu.memory_space<vmem>>)
      %dma_wait3A_494 = arith.constant 2 : i32
      %dma_wait3A_495 = arith.constant 1 : i32
      %dma_wait3A_496 = arith.constant 0 : i32
      %dma_wait3A_497 = arith.constant 0 : i32
      %dma_wait3A_498 = tpu.memref_slice %arg7[%dma_wait3A_495, %dma_wait3A_496, %dma_wait3A_497] : memref<2x256x64xf32, #tpu.memory_space<vmem>> -> memref<1x128x64xf32, #tpu.memory_space<vmem>>
      %dma_wait3A_499 = tpu.memref_squeeze %dma_wait3A_498 : memref<1x128x64xf32, #tpu.memory_space<vmem>> -> memref<128x64xf32, #tpu.memory_space<vmem>>
      %dma_wait3A_500 = arith.constant 0 : i32
      %dma_wait3A_501 = tpu.memref_slice %arg5[%dma_wait3A_494, %dma_wait3A_500] : memref<4x128xi32, #tpu.memory_space<vmem>> -> memref<1x128xi32, #tpu.memory_space<vmem>>
      %dma_wait3A_502 = tpu.memref_squeeze %dma_wait3A_501 : memref<1x128xi32, #tpu.memory_space<vmem>> -> memref<128xi32, #tpu.memory_space<vmem>>
      %dma_wait3A_503 = arith.constant 0 : i32
      %dma_wait3A_504 = arith.constant 0 : i32
      %dma_wait3A_505 = tpu.memref_slice %arg3[%dma_wait3A_503, %dma_wait3A_504] : memref<1015808x64xf32, #tpu.memory_space<hbm>> -> memref<1015808x64xf32, #tpu.memory_space<hbm>>
      tpu.wait_indirect_dma semaphore(%arg9 : memref<!tpu.dma_semaphore, #tpu.memory_space<semaphore_mem>>) src(%dma_wait3A_505 : memref<1015808x64xf32, #tpu.memory_space<hbm>>) dst(%dma_wait3A_499 : memref<128x64xf32, #tpu.memory_space<vmem>>)
      %dma_wait3A_506 = arith.constant 3 : i32
      %dma_wait3A_507 = arith.constant 1 : i32
      %dma_wait3A_508 = arith.constant 128 : i32
      %dma_wait3A_509 = arith.constant 0 : i32
      %dma_wait3A_510 = tpu.memref_slice %arg7[%dma_wait3A_507, %dma_wait3A_508, %dma_wait3A_509] : memref<2x256x64xf32, #tpu.memory_space<vmem>> -> memref<1x128x64xf32, #tpu.memory_space<vmem>>
      %dma_wait3A_511 = tpu.memref_squeeze %dma_wait3A_510 : memref<1x128x64xf32, #tpu.memory_space<vmem>> -> memref<128x64xf32, #tpu.memory_space<vmem>>
      %dma_wait3A_512 = arith.constant 0 : i32
      %dma_wait3A_513 = tpu.memref_slice %arg5[%dma_wait3A_506, %dma_wait3A_512] : memref<4x128xi32, #tpu.memory_space<vmem>> -> memref<1x128xi32, #tpu.memory_space<vmem>>
      %dma_wait3A_514 = tpu.memref_squeeze %dma_wait3A_513 : memref<1x128xi32, #tpu.memory_space<vmem>> -> memref<128xi32, #tpu.memory_space<vmem>>
      %dma_wait3A_515 = arith.constant 0 : i32
      %dma_wait3A_516 = arith.constant 0 : i32
      %dma_wait3A_517 = tpu.memref_slice %arg3[%dma_wait3A_515, %dma_wait3A_516] : memref<1015808x64xf32, #tpu.memory_space<hbm>> -> memref<1015808x64xf32, #tpu.memory_space<hbm>>
      tpu.wait_indirect_dma semaphore(%arg9 : memref<!tpu.dma_semaphore, #tpu.memory_space<semaphore_mem>>) src(%dma_wait3A_517 : memref<1015808x64xf32, #tpu.memory_space<hbm>>) dst(%dma_wait3A_511 : memref<128x64xf32, #tpu.memory_space<vmem>>)
      %dma_start3A_518 = arith.constant 0 : i32
      %dma_start3A_519 = arith.constant 0 : i32
      %dma_start3A_520 = arith.constant 0 : i32
      %dma_start3A_521 = tpu.memref_slice %arg7[%dma_start3A_518, %dma_start3A_519, %dma_start3A_520] : memref<2x256x64xf32, #tpu.memory_space<vmem>> -> memref<1x256x64xf32, #tpu.memory_space<vmem>>
      %dma_start3A_522 = tpu.memref_squeeze %dma_start3A_521 : memref<1x256x64xf32, #tpu.memory_space<vmem>> -> memref<256x64xf32, #tpu.memory_space<vmem>>
      %dma_start3A_523 = arith.constant 0 : i32
      %dma_start3A_524 = tpu.memref_slice %arg4[%add3A_420, %dma_start3A_523] : memref<204800x128xf32, #tpu.memory_space<hbm>> -> memref<256x64xf32, #tpu.memory_space<hbm>>
      %dma_start3A_525 = arith.constant 0 : i32
      %dma_start3A_526 = tpu.memref_slice %arg4[%add3A_420, %dma_start3A_525] : memref<204800x128xf32, #tpu.memory_space<hbm>> -> memref<256x64xf32, #tpu.memory_space<hbm>>
      %dma_start3A_527 = arith.constant 0 : i32
      %dma_start3A_528 = arith.constant 0 : i32
      %dma_start3A_529 = tpu.memref_slice %arg7[%dma_start3A_518, %dma_start3A_527, %dma_start3A_528] : memref<2x256x64xf32, #tpu.memory_space<vmem>> -> memref<1x256x64xf32, #tpu.memory_space<vmem>>
      %dma_start3A_530 = tpu.memref_squeeze %dma_start3A_529 : memref<1x256x64xf32, #tpu.memory_space<vmem>> -> memref<256x64xf32, #tpu.memory_space<vmem>>
      tpu.enqueue_dma source(%dma_start3A_530 : memref<256x64xf32, #tpu.memory_space<vmem>>) target(%dma_start3A_526 : memref<256x64xf32, #tpu.memory_space<hbm>>) target_semaphore(%arg11 : memref<!tpu.dma_semaphore, #tpu.memory_space<semaphore_mem>>)
      %dma_start3A_531 = arith.constant 1 : i32
      %dma_start3A_532 = arith.constant 0 : i32
      %dma_start3A_533 = arith.constant 0 : i32
      %dma_start3A_534 = tpu.memref_slice %arg7[%dma_start3A_531, %dma_start3A_532, %dma_start3A_533] : memref<2x256x64xf32, #tpu.memory_space<vmem>> -> memref<1x256x64xf32, #tpu.memory_space<vmem>>
      %dma_start3A_535 = tpu.memref_squeeze %dma_start3A_534 : memref<1x256x64xf32, #tpu.memory_space<vmem>> -> memref<256x64xf32, #tpu.memory_space<vmem>>
      %dma_start3A_536 = arith.constant 64 : i32
      %dma_start3A_537 = tpu.memref_slice %arg4[%add3A_420, %dma_start3A_536] : memref<204800x128xf32, #tpu.memory_space<hbm>> -> memref<256x64xf32, #tpu.memory_space<hbm>>
      %dma_start3A_538 = arith.constant 64 : i32
      %dma_start3A_539 = tpu.memref_slice %arg4[%add3A_420, %dma_start3A_538] : memref<204800x128xf32, #tpu.memory_space<hbm>> -> memref<256x64xf32, #tpu.memory_space<hbm>>
      %dma_start3A_540 = arith.constant 0 : i32
      %dma_start3A_541 = arith.constant 0 : i32
      %dma_start3A_542 = tpu.memref_slice %arg7[%dma_start3A_531, %dma_start3A_540, %dma_start3A_541] : memref<2x256x64xf32, #tpu.memory_space<vmem>> -> memref<1x256x64xf32, #tpu.memory_space<vmem>>
      %dma_start3A_543 = tpu.memref_squeeze %dma_start3A_542 : memref<1x256x64xf32, #tpu.memory_space<vmem>> -> memref<256x64xf32, #tpu.memory_space<vmem>>
      tpu.enqueue_dma source(%dma_start3A_543 : memref<256x64xf32, #tpu.memory_space<vmem>>) target(%dma_start3A_539 : memref<256x64xf32, #tpu.memory_space<hbm>>) target_semaphore(%arg11 : memref<!tpu.dma_semaphore, #tpu.memory_space<semaphore_mem>>)
      %mul3A_544 = arith.constant 2 : i32
      %mul3A_545 = arith.muli %mul3A_544, %scan3A_311 : i32
      %add3A_546 = arith.addi %mul3A_2, %mul3A_545 : i32
      %add3A_547 = arith.constant 1 : i32
      %add3A_548 = arith.addi %add3A_546, %add3A_547 : i32
      %gt3A_549 = arith.constant 0 : i32
      %gt3A_550 = arith.cmpi sgt, %scan3A_311, %gt3A_549 : i32
      %jit3A_551 = arith.constant 8 : i32
      %div3A_552 = arith.divsi %add3A_548, %jit3A_551 : i32
      %sign3A_553 = arith.constant 0 : i32
      %sign3A_554 = arith.cmpi sgt, %add3A_548, %sign3A_553 : i32
      %sign3A_555 = arith.extui %sign3A_554 : i1 to i32
      %sign3A_556 = arith.constant 0 : i32
      %sign3A_557 = arith.cmpi slt, %add3A_548, %sign3A_556 : i32
      %sign3A_558 = arith.extui %sign3A_557 : i1 to i32
      %sign3A_559 = arith.subi %sign3A_555, %sign3A_558 : i32
      %sign3A_560 = arith.constant 0 : i32
      %sign3A_561 = arith.cmpi sgt, %jit3A_551, %sign3A_560 : i32
      %sign3A_562 = arith.extui %sign3A_561 : i1 to i32
      %sign3A_563 = arith.constant 0 : i32
      %sign3A_564 = arith.cmpi slt, %jit3A_551, %sign3A_563 : i32
      %sign3A_565 = arith.extui %sign3A_564 : i1 to i32
      %sign3A_566 = arith.subi %sign3A_562, %sign3A_565 : i32
      %ne3A_567 = arith.cmpi ne, %sign3A_559, %sign3A_566 : i32
      %rem3A_568 = arith.remsi %add3A_548, %jit3A_551 : i32
      %ne3A_569 = arith.constant 0 : i32
      %ne3A_570 = arith.cmpi ne, %rem3A_568, %ne3A_569 : i32
      %and3A_571 = arith.andi %ne3A_567, %ne3A_570 : i1
      %sub3A_572 = arith.constant 1 : i32
      %sub3A_573 = arith.subi %div3A_552, %sub3A_572 : i32
      %select_n3A_574 = arith.select %and3A_571, %sub3A_573, %div3A_552 : i32
      %jit3A_575 = arith.constant 8 : i32
      %eq3A_576 = arith.constant 0 : i32
      %eq3A_577 = arith.cmpi eq, %jit3A_575, %eq3A_576 : i32
      %jit3A_578 = arith.constant 1 : i32
      %select_n3A_579 = arith.select %eq3A_577, %jit3A_578, %jit3A_575 : i32
      %rem3A_580 = arith.remsi %add3A_548, %select_n3A_579 : i32
      %ne3A_581 = arith.constant 0 : i32
      %ne3A_582 = arith.cmpi ne, %rem3A_580, %ne3A_581 : i32
      %lt3A_583 = arith.constant 0 : i32
      %lt3A_584 = arith.cmpi slt, %rem3A_580, %lt3A_583 : i32
      %lt3A_585 = arith.constant 0 : i32
      %lt3A_586 = arith.cmpi slt, %select_n3A_579, %lt3A_585 : i32
      %ne3A_587 = arith.xori %lt3A_584, %lt3A_586 : i1
      %and3A_588 = arith.andi %ne3A_587, %ne3A_582 : i1
      %add3A_589 = arith.addi %rem3A_580, %select_n3A_579 : i32
      %select_n3A_590 = arith.select %and3A_588, %add3A_589, %rem3A_580 : i32
      %mul3A_591 = arith.constant 256 : i32
      %mul3A_592 = arith.muli %select_n3A_590, %mul3A_591 : i32
      %add3A_593 = arith.constant 0 : i32
      %add3A_594 = arith.addi %add3A_593, %select_n3A_574 : i32
      %mul3A_595 = arith.constant 4096 : i32
      %mul3A_596 = arith.muli %add3A_594, %mul3A_595 : i32
      %add3A_597 = arith.addi %mul3A_596, %mul3A_592 : i32
      %jit3A_598 = arith.constant 128 : i32
      %div3A_599 = arith.divsi %add3A_597, %jit3A_598 : i32
      %sign3A_600 = arith.constant 0 : i32
      %sign3A_601 = arith.cmpi sgt, %add3A_597, %sign3A_600 : i32
      %sign3A_602 = arith.extui %sign3A_601 : i1 to i32
      %sign3A_603 = arith.constant 0 : i32
      %sign3A_604 = arith.cmpi slt, %add3A_597, %sign3A_603 : i32
      %sign3A_605 = arith.extui %sign3A_604 : i1 to i32
      %sign3A_606 = arith.subi %sign3A_602, %sign3A_605 : i32
      %sign3A_607 = arith.constant 0 : i32
      %sign3A_608 = arith.cmpi sgt, %jit3A_598, %sign3A_607 : i32
      %sign3A_609 = arith.extui %sign3A_608 : i1 to i32
      %sign3A_610 = arith.constant 0 : i32
      %sign3A_611 = arith.cmpi slt, %jit3A_598, %sign3A_610 : i32
      %sign3A_612 = arith.extui %sign3A_611 : i1 to i32
      %sign3A_613 = arith.subi %sign3A_609, %sign3A_612 : i32
      %ne3A_614 = arith.cmpi ne, %sign3A_606, %sign3A_613 : i32
      %rem3A_615 = arith.remsi %add3A_597, %jit3A_598 : i32
      %ne3A_616 = arith.constant 0 : i32
      %ne3A_617 = arith.cmpi ne, %rem3A_615, %ne3A_616 : i32
      %and3A_618 = arith.andi %ne3A_614, %ne3A_617 : i1
      %sub3A_619 = arith.constant 1 : i32
      %sub3A_620 = arith.subi %div3A_599, %sub3A_619 : i32
      %select_n3A_621 = arith.select %and3A_618, %sub3A_620, %div3A_599 : i32
      %mul3A_622 = arith.constant 4096 : i32
      %mul3A_623 = arith.muli %add3A_594, %mul3A_622 : i32
      %add3A_624 = arith.constant 2048 : i32
      %add3A_625 = arith.addi %mul3A_623, %add3A_624 : i32
      %add3A_626 = arith.addi %add3A_625, %mul3A_592 : i32
      %jit3A_627 = arith.constant 128 : i32
      %div3A_628 = arith.divsi %add3A_626, %jit3A_627 : i32
      %sign3A_629 = arith.constant 0 : i32
      %sign3A_630 = arith.cmpi sgt, %add3A_626, %sign3A_629 : i32
      %sign3A_631 = arith.extui %sign3A_630 : i1 to i32
      %sign3A_632 = arith.constant 0 : i32
      %sign3A_633 = arith.cmpi slt, %add3A_626, %sign3A_632 : i32
      %sign3A_634 = arith.extui %sign3A_633 : i1 to i32
      %sign3A_635 = arith.subi %sign3A_631, %sign3A_634 : i32
      %sign3A_636 = arith.constant 0 : i32
      %sign3A_637 = arith.cmpi sgt, %jit3A_627, %sign3A_636 : i32
      %sign3A_638 = arith.extui %sign3A_637 : i1 to i32
      %sign3A_639 = arith.constant 0 : i32
      %sign3A_640 = arith.cmpi slt, %jit3A_627, %sign3A_639 : i32
      %sign3A_641 = arith.extui %sign3A_640 : i1 to i32
      %sign3A_642 = arith.subi %sign3A_638, %sign3A_641 : i32
      %ne3A_643 = arith.cmpi ne, %sign3A_635, %sign3A_642 : i32
      %rem3A_644 = arith.remsi %add3A_626, %jit3A_627 : i32
      %ne3A_645 = arith.constant 0 : i32
      %ne3A_646 = arith.cmpi ne, %rem3A_644, %ne3A_645 : i32
      %and3A_647 = arith.andi %ne3A_643, %ne3A_646 : i1
      %sub3A_648 = arith.constant 1 : i32
      %sub3A_649 = arith.subi %div3A_628, %sub3A_648 : i32
      %select_n3A_650 = arith.select %and3A_647, %sub3A_649, %div3A_628 : i32
      %mul3A_651 = arith.constant 2048 : i32
      %mul3A_652 = arith.muli %select_n3A_574, %mul3A_651 : i32
      %add3A_653 = arith.addi %mul3A_652, %mul3A_592 : i32
      %convert_element_type3A_654 = arith.extui %gt3A_550 : i1 to i32
      %cond3A_655 = arith.constant 0 : i32
      %cond3A_656 = arith.cmpi ne, %convert_element_type3A_654, %cond3A_655 : i32
      scf.if %cond3A_656 {
        %dma_wait3A_779 = arith.constant 0 : i32
        %dma_wait3A_780 = arith.constant 0 : i32
        %dma_wait3A_781 = arith.constant 0 : i32
        %dma_wait3A_782 = tpu.memref_slice %arg8[%dma_wait3A_779, %dma_wait3A_780, %dma_wait3A_781] : memref<2x256x64xf32, #tpu.memory_space<vmem>> -> memref<1x256x64xf32, #tpu.memory_space<vmem>>
        %dma_wait3A_783 = tpu.memref_squeeze %dma_wait3A_782 : memref<1x256x64xf32, #tpu.memory_space<vmem>> -> memref<256x64xf32, #tpu.memory_space<vmem>>
        %dma_wait3A_784 = arith.constant 0 : i32
        %dma_wait3A_785 = tpu.memref_slice %arg4[%add3A_653, %dma_wait3A_784] : memref<204800x128xf32, #tpu.memory_space<hbm>> -> memref<256x64xf32, #tpu.memory_space<hbm>>
        %dma_wait3A_786 = arith.constant 0 : i32
        %dma_wait3A_787 = tpu.memref_slice %arg4[%add3A_653, %dma_wait3A_786] : memref<204800x128xf32, #tpu.memory_space<hbm>> -> memref<256x64xf32, #tpu.memory_space<hbm>>
        %dma_wait3A_788 = arith.constant 0 : i32
        %dma_wait3A_789 = arith.constant 0 : i32
        %dma_wait3A_790 = tpu.memref_slice %arg8[%dma_wait3A_779, %dma_wait3A_788, %dma_wait3A_789] : memref<2x256x64xf32, #tpu.memory_space<vmem>> -> memref<1x256x64xf32, #tpu.memory_space<vmem>>
        %dma_wait3A_791 = tpu.memref_squeeze %dma_wait3A_790 : memref<1x256x64xf32, #tpu.memory_space<vmem>> -> memref<256x64xf32, #tpu.memory_space<vmem>>
        tpu.wait_dma2 semaphore(%arg12 : memref<!tpu.dma_semaphore, #tpu.memory_space<semaphore_mem>>) src(%dma_wait3A_791 : memref<256x64xf32, #tpu.memory_space<vmem>>) dst(%dma_wait3A_787 : memref<256x64xf32, #tpu.memory_space<hbm>>)
        %dma_wait3A_792 = arith.constant 1 : i32
        %dma_wait3A_793 = arith.constant 0 : i32
        %dma_wait3A_794 = arith.constant 0 : i32
        %dma_wait3A_795 = tpu.memref_slice %arg8[%dma_wait3A_792, %dma_wait3A_793, %dma_wait3A_794] : memref<2x256x64xf32, #tpu.memory_space<vmem>> -> memref<1x256x64xf32, #tpu.memory_space<vmem>>
        %dma_wait3A_796 = tpu.memref_squeeze %dma_wait3A_795 : memref<1x256x64xf32, #tpu.memory_space<vmem>> -> memref<256x64xf32, #tpu.memory_space<vmem>>
        %dma_wait3A_797 = arith.constant 64 : i32
        %dma_wait3A_798 = tpu.memref_slice %arg4[%add3A_653, %dma_wait3A_797] : memref<204800x128xf32, #tpu.memory_space<hbm>> -> memref<256x64xf32, #tpu.memory_space<hbm>>
        %dma_wait3A_799 = arith.constant 64 : i32
        %dma_wait3A_800 = tpu.memref_slice %arg4[%add3A_653, %dma_wait3A_799] : memref<204800x128xf32, #tpu.memory_space<hbm>> -> memref<256x64xf32, #tpu.memory_space<hbm>>
        %dma_wait3A_801 = arith.constant 0 : i32
        %dma_wait3A_802 = arith.constant 0 : i32
        %dma_wait3A_803 = tpu.memref_slice %arg8[%dma_wait3A_792, %dma_wait3A_801, %dma_wait3A_802] : memref<2x256x64xf32, #tpu.memory_space<vmem>> -> memref<1x256x64xf32, #tpu.memory_space<vmem>>
        %dma_wait3A_804 = tpu.memref_squeeze %dma_wait3A_803 : memref<1x256x64xf32, #tpu.memory_space<vmem>> -> memref<256x64xf32, #tpu.memory_space<vmem>>
        tpu.wait_dma2 semaphore(%arg12 : memref<!tpu.dma_semaphore, #tpu.memory_space<semaphore_mem>>) src(%dma_wait3A_804 : memref<256x64xf32, #tpu.memory_space<vmem>>) dst(%dma_wait3A_800 : memref<256x64xf32, #tpu.memory_space<hbm>>)
      } else {
      }
      "tpu.region"() ({
        %run_scoped3A = tpu.sem_alloc : memref<!tpu.dma_semaphore, #tpu.memory_space<semaphore_mem>>
        %dma_start3A_779 = arith.constant 0 : i32
        %dma_start3A_780 = arith.constant 0 : i32
        %dma_start3A_781 = tpu.memref_slice %arg6[%dma_start3A_779, %dma_start3A_780] : memref<4x128xi32, #tpu.memory_space<vmem>> -> memref<2x128xi32, #tpu.memory_space<vmem>>
        %dma_start3A_782 = arith.constant 0 : i32
        %dma_start3A_783 = tpu.memref_slice %arg2[%select_n3A_621, %dma_start3A_782] : memref<6400x128xi32, #tpu.memory_space<hbm>> -> memref<2x128xi32, #tpu.memory_space<hbm>>
        %dma_start3A_784 = arith.constant 0 : i32
        %dma_start3A_785 = arith.constant 0 : i32
        %dma_start3A_786 = tpu.memref_slice %arg6[%dma_start3A_784, %dma_start3A_785] : memref<4x128xi32, #tpu.memory_space<vmem>> -> memref<2x128xi32, #tpu.memory_space<vmem>>
        %dma_start3A_787 = arith.constant 0 : i32
        %dma_start3A_788 = tpu.memref_slice %arg2[%select_n3A_621, %dma_start3A_787] : memref<6400x128xi32, #tpu.memory_space<hbm>> -> memref<2x128xi32, #tpu.memory_space<hbm>>
        tpu.enqueue_dma source(%dma_start3A_788 : memref<2x128xi32, #tpu.memory_space<hbm>>) target(%dma_start3A_786 : memref<2x128xi32, #tpu.memory_space<vmem>>) target_semaphore(%run_scoped3A : memref<!tpu.dma_semaphore, #tpu.memory_space<semaphore_mem>>)
        %dma_wait3A_789 = arith.constant 0 : i32
        %dma_wait3A_790 = arith.constant 0 : i32
        %dma_wait3A_791 = tpu.memref_slice %arg6[%dma_wait3A_789, %dma_wait3A_790] : memref<4x128xi32, #tpu.memory_space<vmem>> -> memref<2x128xi32, #tpu.memory_space<vmem>>
        %dma_wait3A_792 = arith.constant 0 : i32
        %dma_wait3A_793 = tpu.memref_slice %arg2[%select_n3A_621, %dma_wait3A_792] : memref<6400x128xi32, #tpu.memory_space<hbm>> -> memref<2x128xi32, #tpu.memory_space<hbm>>
        %dma_wait3A_794 = arith.constant 0 : i32
        %dma_wait3A_795 = arith.constant 0 : i32
        %dma_wait3A_796 = tpu.memref_slice %arg6[%dma_wait3A_794, %dma_wait3A_795] : memref<4x128xi32, #tpu.memory_space<vmem>> -> memref<2x128xi32, #tpu.memory_space<vmem>>
        %dma_wait3A_797 = arith.constant 0 : i32
        %dma_wait3A_798 = tpu.memref_slice %arg2[%select_n3A_621, %dma_wait3A_797] : memref<6400x128xi32, #tpu.memory_space<hbm>> -> memref<2x128xi32, #tpu.memory_space<hbm>>
        tpu.wait_dma2 semaphore(%run_scoped3A : memref<!tpu.dma_semaphore, #tpu.memory_space<semaphore_mem>>) src(%dma_wait3A_798 : memref<2x128xi32, #tpu.memory_space<hbm>>) dst(%dma_wait3A_796 : memref<2x128xi32, #tpu.memory_space<vmem>>)
        tpu.yield
      }) : () -> ()
      "tpu.region"() ({
        %run_scoped3A = tpu.sem_alloc : memref<!tpu.dma_semaphore, #tpu.memory_space<semaphore_mem>>
        %dma_start3A_779 = arith.constant 2 : i32
        %dma_start3A_780 = arith.constant 0 : i32
        %dma_start3A_781 = tpu.memref_slice %arg6[%dma_start3A_779, %dma_start3A_780] : memref<4x128xi32, #tpu.memory_space<vmem>> -> memref<2x128xi32, #tpu.memory_space<vmem>>
        %dma_start3A_782 = arith.constant 0 : i32
        %dma_start3A_783 = tpu.memref_slice %arg2[%select_n3A_650, %dma_start3A_782] : memref<6400x128xi32, #tpu.memory_space<hbm>> -> memref<2x128xi32, #tpu.memory_space<hbm>>
        %dma_start3A_784 = arith.constant 2 : i32
        %dma_start3A_785 = arith.constant 0 : i32
        %dma_start3A_786 = tpu.memref_slice %arg6[%dma_start3A_784, %dma_start3A_785] : memref<4x128xi32, #tpu.memory_space<vmem>> -> memref<2x128xi32, #tpu.memory_space<vmem>>
        %dma_start3A_787 = arith.constant 0 : i32
        %dma_start3A_788 = tpu.memref_slice %arg2[%select_n3A_650, %dma_start3A_787] : memref<6400x128xi32, #tpu.memory_space<hbm>> -> memref<2x128xi32, #tpu.memory_space<hbm>>
        tpu.enqueue_dma source(%dma_start3A_788 : memref<2x128xi32, #tpu.memory_space<hbm>>) target(%dma_start3A_786 : memref<2x128xi32, #tpu.memory_space<vmem>>) target_semaphore(%run_scoped3A : memref<!tpu.dma_semaphore, #tpu.memory_space<semaphore_mem>>)
        %dma_wait3A_789 = arith.constant 2 : i32
        %dma_wait3A_790 = arith.constant 0 : i32
        %dma_wait3A_791 = tpu.memref_slice %arg6[%dma_wait3A_789, %dma_wait3A_790] : memref<4x128xi32, #tpu.memory_space<vmem>> -> memref<2x128xi32, #tpu.memory_space<vmem>>
        %dma_wait3A_792 = arith.constant 0 : i32
        %dma_wait3A_793 = tpu.memref_slice %arg2[%select_n3A_650, %dma_wait3A_792] : memref<6400x128xi32, #tpu.memory_space<hbm>> -> memref<2x128xi32, #tpu.memory_space<hbm>>
        %dma_wait3A_794 = arith.constant 2 : i32
        %dma_wait3A_795 = arith.constant 0 : i32
        %dma_wait3A_796 = tpu.memref_slice %arg6[%dma_wait3A_794, %dma_wait3A_795] : memref<4x128xi32, #tpu.memory_space<vmem>> -> memref<2x128xi32, #tpu.memory_space<vmem>>
        %dma_wait3A_797 = arith.constant 0 : i32
        %dma_wait3A_798 = tpu.memref_slice %arg2[%select_n3A_650, %dma_wait3A_797] : memref<6400x128xi32, #tpu.memory_space<hbm>> -> memref<2x128xi32, #tpu.memory_space<hbm>>
        tpu.wait_dma2 semaphore(%run_scoped3A : memref<!tpu.dma_semaphore, #tpu.memory_space<semaphore_mem>>) src(%dma_wait3A_798 : memref<2x128xi32, #tpu.memory_space<hbm>>) dst(%dma_wait3A_796 : memref<2x128xi32, #tpu.memory_space<vmem>>)
        tpu.yield
      }) : () -> ()
      %dma_start3A_657 = arith.constant 0 : i32
      %dma_start3A_658 = arith.constant 0 : i32
      %dma_start3A_659 = arith.constant 0 : i32
      %dma_start3A_660 = arith.constant 0 : i32
      %dma_start3A_661 = tpu.memref_slice %arg8[%dma_start3A_658, %dma_start3A_659, %dma_start3A_660] : memref<2x256x64xf32, #tpu.memory_space<vmem>> -> memref<1x128x64xf32, #tpu.memory_space<vmem>>
      %dma_start3A_662 = tpu.memref_squeeze %dma_start3A_661 : memref<1x128x64xf32, #tpu.memory_space<vmem>> -> memref<128x64xf32, #tpu.memory_space<vmem>>
      %dma_start3A_663 = arith.constant 0 : i32
      %dma_start3A_664 = tpu.memref_slice %arg6[%dma_start3A_657, %dma_start3A_663] : memref<4x128xi32, #tpu.memory_space<vmem>> -> memref<1x128xi32, #tpu.memory_space<vmem>>
      %dma_start3A_665 = tpu.memref_squeeze %dma_start3A_664 : memref<1x128xi32, #tpu.memory_space<vmem>> -> memref<128xi32, #tpu.memory_space<vmem>>
      %dma_start3A_666 = arith.constant 0 : i32
      %dma_start3A_667 = arith.constant 0 : i32
      %dma_start3A_668 = tpu.memref_slice %arg3[%dma_start3A_666, %dma_start3A_667] : memref<1015808x64xf32, #tpu.memory_space<hbm>> -> memref<1015808x64xf32, #tpu.memory_space<hbm>>
      tpu.enqueue_indirect_dma source(%dma_start3A_668 : memref<1015808x64xf32, #tpu.memory_space<hbm>>) target(%dma_start3A_662 : memref<128x64xf32, #tpu.memory_space<vmem>>) offsets(%dma_start3A_665 : memref<128xi32, #tpu.memory_space<vmem>>) semaphore(%arg10 : memref<!tpu.dma_semaphore, #tpu.memory_space<semaphore_mem>>)
      %dma_start3A_669 = arith.constant 1 : i32
      %dma_start3A_670 = arith.constant 0 : i32
      %dma_start3A_671 = arith.constant 128 : i32
      %dma_start3A_672 = arith.constant 0 : i32
      %dma_start3A_673 = tpu.memref_slice %arg8[%dma_start3A_670, %dma_start3A_671, %dma_start3A_672] : memref<2x256x64xf32, #tpu.memory_space<vmem>> -> memref<1x128x64xf32, #tpu.memory_space<vmem>>
      %dma_start3A_674 = tpu.memref_squeeze %dma_start3A_673 : memref<1x128x64xf32, #tpu.memory_space<vmem>> -> memref<128x64xf32, #tpu.memory_space<vmem>>
      %dma_start3A_675 = arith.constant 0 : i32
      %dma_start3A_676 = tpu.memref_slice %arg6[%dma_start3A_669, %dma_start3A_675] : memref<4x128xi32, #tpu.memory_space<vmem>> -> memref<1x128xi32, #tpu.memory_space<vmem>>
      %dma_start3A_677 = tpu.memref_squeeze %dma_start3A_676 : memref<1x128xi32, #tpu.memory_space<vmem>> -> memref<128xi32, #tpu.memory_space<vmem>>
      %dma_start3A_678 = arith.constant 0 : i32
      %dma_start3A_679 = arith.constant 0 : i32
      %dma_start3A_680 = tpu.memref_slice %arg3[%dma_start3A_678, %dma_start3A_679] : memref<1015808x64xf32, #tpu.memory_space<hbm>> -> memref<1015808x64xf32, #tpu.memory_space<hbm>>
      tpu.enqueue_indirect_dma source(%dma_start3A_680 : memref<1015808x64xf32, #tpu.memory_space<hbm>>) target(%dma_start3A_674 : memref<128x64xf32, #tpu.memory_space<vmem>>) offsets(%dma_start3A_677 : memref<128xi32, #tpu.memory_space<vmem>>) semaphore(%arg10 : memref<!tpu.dma_semaphore, #tpu.memory_space<semaphore_mem>>)
      %dma_start3A_681 = arith.constant 2 : i32
      %dma_start3A_682 = arith.constant 1 : i32
      %dma_start3A_683 = arith.constant 0 : i32
      %dma_start3A_684 = arith.constant 0 : i32
      %dma_start3A_685 = tpu.memref_slice %arg8[%dma_start3A_682, %dma_start3A_683, %dma_start3A_684] : memref<2x256x64xf32, #tpu.memory_space<vmem>> -> memref<1x128x64xf32, #tpu.memory_space<vmem>>
      %dma_start3A_686 = tpu.memref_squeeze %dma_start3A_685 : memref<1x128x64xf32, #tpu.memory_space<vmem>> -> memref<128x64xf32, #tpu.memory_space<vmem>>
      %dma_start3A_687 = arith.constant 0 : i32
      %dma_start3A_688 = tpu.memref_slice %arg6[%dma_start3A_681, %dma_start3A_687] : memref<4x128xi32, #tpu.memory_space<vmem>> -> memref<1x128xi32, #tpu.memory_space<vmem>>
      %dma_start3A_689 = tpu.memref_squeeze %dma_start3A_688 : memref<1x128xi32, #tpu.memory_space<vmem>> -> memref<128xi32, #tpu.memory_space<vmem>>
      %dma_start3A_690 = arith.constant 0 : i32
      %dma_start3A_691 = arith.constant 0 : i32
      %dma_start3A_692 = tpu.memref_slice %arg3[%dma_start3A_690, %dma_start3A_691] : memref<1015808x64xf32, #tpu.memory_space<hbm>> -> memref<1015808x64xf32, #tpu.memory_space<hbm>>
      tpu.enqueue_indirect_dma source(%dma_start3A_692 : memref<1015808x64xf32, #tpu.memory_space<hbm>>) target(%dma_start3A_686 : memref<128x64xf32, #tpu.memory_space<vmem>>) offsets(%dma_start3A_689 : memref<128xi32, #tpu.memory_space<vmem>>) semaphore(%arg10 : memref<!tpu.dma_semaphore, #tpu.memory_space<semaphore_mem>>)
      %dma_start3A_693 = arith.constant 3 : i32
      %dma_start3A_694 = arith.constant 1 : i32
      %dma_start3A_695 = arith.constant 128 : i32
      %dma_start3A_696 = arith.constant 0 : i32
      %dma_start3A_697 = tpu.memref_slice %arg8[%dma_start3A_694, %dma_start3A_695, %dma_start3A_696] : memref<2x256x64xf32, #tpu.memory_space<vmem>> -> memref<1x128x64xf32, #tpu.memory_space<vmem>>
      %dma_start3A_698 = tpu.memref_squeeze %dma_start3A_697 : memref<1x128x64xf32, #tpu.memory_space<vmem>> -> memref<128x64xf32, #tpu.memory_space<vmem>>
      %dma_start3A_699 = arith.constant 0 : i32
      %dma_start3A_700 = tpu.memref_slice %arg6[%dma_start3A_693, %dma_start3A_699] : memref<4x128xi32, #tpu.memory_space<vmem>> -> memref<1x128xi32, #tpu.memory_space<vmem>>
      %dma_start3A_701 = tpu.memref_squeeze %dma_start3A_700 : memref<1x128xi32, #tpu.memory_space<vmem>> -> memref<128xi32, #tpu.memory_space<vmem>>
      %dma_start3A_702 = arith.constant 0 : i32
      %dma_start3A_703 = arith.constant 0 : i32
      %dma_start3A_704 = tpu.memref_slice %arg3[%dma_start3A_702, %dma_start3A_703] : memref<1015808x64xf32, #tpu.memory_space<hbm>> -> memref<1015808x64xf32, #tpu.memory_space<hbm>>
      tpu.enqueue_indirect_dma source(%dma_start3A_704 : memref<1015808x64xf32, #tpu.memory_space<hbm>>) target(%dma_start3A_698 : memref<128x64xf32, #tpu.memory_space<vmem>>) offsets(%dma_start3A_701 : memref<128xi32, #tpu.memory_space<vmem>>) semaphore(%arg10 : memref<!tpu.dma_semaphore, #tpu.memory_space<semaphore_mem>>)
      %dma_wait3A_705 = arith.constant 0 : i32
      %dma_wait3A_706 = arith.constant 0 : i32
      %dma_wait3A_707 = arith.constant 0 : i32
      %dma_wait3A_708 = arith.constant 0 : i32
      %dma_wait3A_709 = tpu.memref_slice %arg8[%dma_wait3A_706, %dma_wait3A_707, %dma_wait3A_708] : memref<2x256x64xf32, #tpu.memory_space<vmem>> -> memref<1x128x64xf32, #tpu.memory_space<vmem>>
      %dma_wait3A_710 = tpu.memref_squeeze %dma_wait3A_709 : memref<1x128x64xf32, #tpu.memory_space<vmem>> -> memref<128x64xf32, #tpu.memory_space<vmem>>
      %dma_wait3A_711 = arith.constant 0 : i32
      %dma_wait3A_712 = tpu.memref_slice %arg6[%dma_wait3A_705, %dma_wait3A_711] : memref<4x128xi32, #tpu.memory_space<vmem>> -> memref<1x128xi32, #tpu.memory_space<vmem>>
      %dma_wait3A_713 = tpu.memref_squeeze %dma_wait3A_712 : memref<1x128xi32, #tpu.memory_space<vmem>> -> memref<128xi32, #tpu.memory_space<vmem>>
      %dma_wait3A_714 = arith.constant 0 : i32
      %dma_wait3A_715 = arith.constant 0 : i32
      %dma_wait3A_716 = tpu.memref_slice %arg3[%dma_wait3A_714, %dma_wait3A_715] : memref<1015808x64xf32, #tpu.memory_space<hbm>> -> memref<1015808x64xf32, #tpu.memory_space<hbm>>
      tpu.wait_indirect_dma semaphore(%arg10 : memref<!tpu.dma_semaphore, #tpu.memory_space<semaphore_mem>>) src(%dma_wait3A_716 : memref<1015808x64xf32, #tpu.memory_space<hbm>>) dst(%dma_wait3A_710 : memref<128x64xf32, #tpu.memory_space<vmem>>)
      %dma_wait3A_717 = arith.constant 1 : i32
      %dma_wait3A_718 = arith.constant 0 : i32
      %dma_wait3A_719 = arith.constant 128 : i32
      %dma_wait3A_720 = arith.constant 0 : i32
      %dma_wait3A_721 = tpu.memref_slice %arg8[%dma_wait3A_718, %dma_wait3A_719, %dma_wait3A_720] : memref<2x256x64xf32, #tpu.memory_space<vmem>> -> memref<1x128x64xf32, #tpu.memory_space<vmem>>
      %dma_wait3A_722 = tpu.memref_squeeze %dma_wait3A_721 : memref<1x128x64xf32, #tpu.memory_space<vmem>> -> memref<128x64xf32, #tpu.memory_space<vmem>>
      %dma_wait3A_723 = arith.constant 0 : i32
      %dma_wait3A_724 = tpu.memref_slice %arg6[%dma_wait3A_717, %dma_wait3A_723] : memref<4x128xi32, #tpu.memory_space<vmem>> -> memref<1x128xi32, #tpu.memory_space<vmem>>
      %dma_wait3A_725 = tpu.memref_squeeze %dma_wait3A_724 : memref<1x128xi32, #tpu.memory_space<vmem>> -> memref<128xi32, #tpu.memory_space<vmem>>
      %dma_wait3A_726 = arith.constant 0 : i32
      %dma_wait3A_727 = arith.constant 0 : i32
      %dma_wait3A_728 = tpu.memref_slice %arg3[%dma_wait3A_726, %dma_wait3A_727] : memref<1015808x64xf32, #tpu.memory_space<hbm>> -> memref<1015808x64xf32, #tpu.memory_space<hbm>>
      tpu.wait_indirect_dma semaphore(%arg10 : memref<!tpu.dma_semaphore, #tpu.memory_space<semaphore_mem>>) src(%dma_wait3A_728 : memref<1015808x64xf32, #tpu.memory_space<hbm>>) dst(%dma_wait3A_722 : memref<128x64xf32, #tpu.memory_space<vmem>>)
      %dma_wait3A_729 = arith.constant 2 : i32
      %dma_wait3A_730 = arith.constant 1 : i32
      %dma_wait3A_731 = arith.constant 0 : i32
      %dma_wait3A_732 = arith.constant 0 : i32
      %dma_wait3A_733 = tpu.memref_slice %arg8[%dma_wait3A_730, %dma_wait3A_731, %dma_wait3A_732] : memref<2x256x64xf32, #tpu.memory_space<vmem>> -> memref<1x128x64xf32, #tpu.memory_space<vmem>>
      %dma_wait3A_734 = tpu.memref_squeeze %dma_wait3A_733 : memref<1x128x64xf32, #tpu.memory_space<vmem>> -> memref<128x64xf32, #tpu.memory_space<vmem>>
      %dma_wait3A_735 = arith.constant 0 : i32
      %dma_wait3A_736 = tpu.memref_slice %arg6[%dma_wait3A_729, %dma_wait3A_735] : memref<4x128xi32, #tpu.memory_space<vmem>> -> memref<1x128xi32, #tpu.memory_space<vmem>>
      %dma_wait3A_737 = tpu.memref_squeeze %dma_wait3A_736 : memref<1x128xi32, #tpu.memory_space<vmem>> -> memref<128xi32, #tpu.memory_space<vmem>>
      %dma_wait3A_738 = arith.constant 0 : i32
      %dma_wait3A_739 = arith.constant 0 : i32
      %dma_wait3A_740 = tpu.memref_slice %arg3[%dma_wait3A_738, %dma_wait3A_739] : memref<1015808x64xf32, #tpu.memory_space<hbm>> -> memref<1015808x64xf32, #tpu.memory_space<hbm>>
      tpu.wait_indirect_dma semaphore(%arg10 : memref<!tpu.dma_semaphore, #tpu.memory_space<semaphore_mem>>) src(%dma_wait3A_740 : memref<1015808x64xf32, #tpu.memory_space<hbm>>) dst(%dma_wait3A_734 : memref<128x64xf32, #tpu.memory_space<vmem>>)
      %dma_wait3A_741 = arith.constant 3 : i32
      %dma_wait3A_742 = arith.constant 1 : i32
      %dma_wait3A_743 = arith.constant 128 : i32
      %dma_wait3A_744 = arith.constant 0 : i32
      %dma_wait3A_745 = tpu.memref_slice %arg8[%dma_wait3A_742, %dma_wait3A_743, %dma_wait3A_744] : memref<2x256x64xf32, #tpu.memory_space<vmem>> -> memref<1x128x64xf32, #tpu.memory_space<vmem>>
      %dma_wait3A_746 = tpu.memref_squeeze %dma_wait3A_745 : memref<1x128x64xf32, #tpu.memory_space<vmem>> -> memref<128x64xf32, #tpu.memory_space<vmem>>
      %dma_wait3A_747 = arith.constant 0 : i32
      %dma_wait3A_748 = tpu.memref_slice %arg6[%dma_wait3A_741, %dma_wait3A_747] : memref<4x128xi32, #tpu.memory_space<vmem>> -> memref<1x128xi32, #tpu.memory_space<vmem>>
      %dma_wait3A_749 = tpu.memref_squeeze %dma_wait3A_748 : memref<1x128xi32, #tpu.memory_space<vmem>> -> memref<128xi32, #tpu.memory_space<vmem>>
      %dma_wait3A_750 = arith.constant 0 : i32
      %dma_wait3A_751 = arith.constant 0 : i32
      %dma_wait3A_752 = tpu.memref_slice %arg3[%dma_wait3A_750, %dma_wait3A_751] : memref<1015808x64xf32, #tpu.memory_space<hbm>> -> memref<1015808x64xf32, #tpu.memory_space<hbm>>
      tpu.wait_indirect_dma semaphore(%arg10 : memref<!tpu.dma_semaphore, #tpu.memory_space<semaphore_mem>>) src(%dma_wait3A_752 : memref<1015808x64xf32, #tpu.memory_space<hbm>>) dst(%dma_wait3A_746 : memref<128x64xf32, #tpu.memory_space<vmem>>)
      %dma_start3A_753 = arith.constant 0 : i32
      %dma_start3A_754 = arith.constant 0 : i32
      %dma_start3A_755 = arith.constant 0 : i32
      %dma_start3A_756 = tpu.memref_slice %arg8[%dma_start3A_753, %dma_start3A_754, %dma_start3A_755] : memref<2x256x64xf32, #tpu.memory_space<vmem>> -> memref<1x256x64xf32, #tpu.memory_space<vmem>>
      %dma_start3A_757 = tpu.memref_squeeze %dma_start3A_756 : memref<1x256x64xf32, #tpu.memory_space<vmem>> -> memref<256x64xf32, #tpu.memory_space<vmem>>
      %dma_start3A_758 = arith.constant 0 : i32
      %dma_start3A_759 = tpu.memref_slice %arg4[%add3A_653, %dma_start3A_758] : memref<204800x128xf32, #tpu.memory_space<hbm>> -> memref<256x64xf32, #tpu.memory_space<hbm>>
      %dma_start3A_760 = arith.constant 0 : i32
      %dma_start3A_761 = tpu.memref_slice %arg4[%add3A_653, %dma_start3A_760] : memref<204800x128xf32, #tpu.memory_space<hbm>> -> memref<256x64xf32, #tpu.memory_space<hbm>>
      %dma_start3A_762 = arith.constant 0 : i32
      %dma_start3A_763 = arith.constant 0 : i32
      %dma_start3A_764 = tpu.memref_slice %arg8[%dma_start3A_753, %dma_start3A_762, %dma_start3A_763] : memref<2x256x64xf32, #tpu.memory_space<vmem>> -> memref<1x256x64xf32, #tpu.memory_space<vmem>>
      %dma_start3A_765 = tpu.memref_squeeze %dma_start3A_764 : memref<1x256x64xf32, #tpu.memory_space<vmem>> -> memref<256x64xf32, #tpu.memory_space<vmem>>
      tpu.enqueue_dma source(%dma_start3A_765 : memref<256x64xf32, #tpu.memory_space<vmem>>) target(%dma_start3A_761 : memref<256x64xf32, #tpu.memory_space<hbm>>) target_semaphore(%arg12 : memref<!tpu.dma_semaphore, #tpu.memory_space<semaphore_mem>>)
      %dma_start3A_766 = arith.constant 1 : i32
      %dma_start3A_767 = arith.constant 0 : i32
      %dma_start3A_768 = arith.constant 0 : i32
      %dma_start3A_769 = tpu.memref_slice %arg8[%dma_start3A_766, %dma_start3A_767, %dma_start3A_768] : memref<2x256x64xf32, #tpu.memory_space<vmem>> -> memref<1x256x64xf32, #tpu.memory_space<vmem>>
      %dma_start3A_770 = tpu.memref_squeeze %dma_start3A_769 : memref<1x256x64xf32, #tpu.memory_space<vmem>> -> memref<256x64xf32, #tpu.memory_space<vmem>>
      %dma_start3A_771 = arith.constant 64 : i32
      %dma_start3A_772 = tpu.memref_slice %arg4[%add3A_653, %dma_start3A_771] : memref<204800x128xf32, #tpu.memory_space<hbm>> -> memref<256x64xf32, #tpu.memory_space<hbm>>
      %dma_start3A_773 = arith.constant 64 : i32
      %dma_start3A_774 = tpu.memref_slice %arg4[%add3A_653, %dma_start3A_773] : memref<204800x128xf32, #tpu.memory_space<hbm>> -> memref<256x64xf32, #tpu.memory_space<hbm>>
      %dma_start3A_775 = arith.constant 0 : i32
      %dma_start3A_776 = arith.constant 0 : i32
      %dma_start3A_777 = tpu.memref_slice %arg8[%dma_start3A_766, %dma_start3A_775, %dma_start3A_776] : memref<2x256x64xf32, #tpu.memory_space<vmem>> -> memref<1x256x64xf32, #tpu.memory_space<vmem>>
      %dma_start3A_778 = tpu.memref_squeeze %dma_start3A_777 : memref<1x256x64xf32, #tpu.memory_space<vmem>> -> memref<256x64xf32, #tpu.memory_space<vmem>>
      tpu.enqueue_dma source(%dma_start3A_778 : memref<256x64xf32, #tpu.memory_space<vmem>>) target(%dma_start3A_774 : memref<256x64xf32, #tpu.memory_space<hbm>>) target_semaphore(%arg12 : memref<!tpu.dma_semaphore, #tpu.memory_space<semaphore_mem>>)
    }
    %scan3A_7 = arith.constant 12 : i32
    %add3A_8 = arith.constant 25 : i32
    %add3A_9 = arith.addi %mul3A_2, %add3A_8 : i32
    %sub3A = arith.constant 1 : i32
    %sub3A_10 = arith.subi %add3A_9, %sub3A : i32
    %jit3A = arith.constant 8 : i32
    %div3A = arith.divsi %sub3A_10, %jit3A : i32
    %sign3A = arith.constant 0 : i32
    %sign3A_11 = arith.cmpi sgt, %sub3A_10, %sign3A : i32
    %sign3A_12 = arith.extui %sign3A_11 : i1 to i32
    %sign3A_13 = arith.constant 0 : i32
    %sign3A_14 = arith.cmpi slt, %sub3A_10, %sign3A_13 : i32
    %sign3A_15 = arith.extui %sign3A_14 : i1 to i32
    %sign3A_16 = arith.subi %sign3A_12, %sign3A_15 : i32
    %sign3A_17 = arith.constant 0 : i32
    %sign3A_18 = arith.cmpi sgt, %jit3A, %sign3A_17 : i32
    %sign3A_19 = arith.extui %sign3A_18 : i1 to i32
    %sign3A_20 = arith.constant 0 : i32
    %sign3A_21 = arith.cmpi slt, %jit3A, %sign3A_20 : i32
    %sign3A_22 = arith.extui %sign3A_21 : i1 to i32
    %sign3A_23 = arith.subi %sign3A_19, %sign3A_22 : i32
    %ne3A = arith.cmpi ne, %sign3A_16, %sign3A_23 : i32
    %rem3A = arith.remsi %sub3A_10, %jit3A : i32
    %ne3A_24 = arith.constant 0 : i32
    %ne3A_25 = arith.cmpi ne, %rem3A, %ne3A_24 : i32
    %and3A = arith.andi %ne3A, %ne3A_25 : i1
    %sub3A_26 = arith.constant 1 : i32
    %sub3A_27 = arith.subi %div3A, %sub3A_26 : i32
    %select_n3A = arith.select %and3A, %sub3A_27, %div3A : i32
    %jit3A_28 = arith.constant 8 : i32
    %eq3A = arith.constant 0 : i32
    %eq3A_29 = arith.cmpi eq, %jit3A_28, %eq3A : i32
    %jit3A_30 = arith.constant 1 : i32
    %select_n3A_31 = arith.select %eq3A_29, %jit3A_30, %jit3A_28 : i32
    %rem3A_32 = arith.remsi %sub3A_10, %select_n3A_31 : i32
    %ne3A_33 = arith.constant 0 : i32
    %ne3A_34 = arith.cmpi ne, %rem3A_32, %ne3A_33 : i32
    %lt3A = arith.constant 0 : i32
    %lt3A_35 = arith.cmpi slt, %rem3A_32, %lt3A : i32
    %lt3A_36 = arith.constant 0 : i32
    %lt3A_37 = arith.cmpi slt, %select_n3A_31, %lt3A_36 : i32
    %ne3A_38 = arith.xori %lt3A_35, %lt3A_37 : i1
    %and3A_39 = arith.andi %ne3A_38, %ne3A_34 : i1
    %add3A_40 = arith.addi %rem3A_32, %select_n3A_31 : i32
    %select_n3A_41 = arith.select %and3A_39, %add3A_40, %rem3A_32 : i32
    %mul3A_42 = arith.constant 256 : i32
    %mul3A_43 = arith.muli %select_n3A_41, %mul3A_42 : i32
    %add3A_44 = arith.constant 0 : i32
    %add3A_45 = arith.addi %add3A_44, %select_n3A : i32
    %mul3A_46 = arith.constant 4096 : i32
    %mul3A_47 = arith.muli %add3A_45, %mul3A_46 : i32
    %add3A_48 = arith.addi %mul3A_47, %mul3A_43 : i32
    %jit3A_49 = arith.constant 128 : i32
    %div3A_50 = arith.divsi %add3A_48, %jit3A_49 : i32
    %sign3A_51 = arith.constant 0 : i32
    %sign3A_52 = arith.cmpi sgt, %add3A_48, %sign3A_51 : i32
    %sign3A_53 = arith.extui %sign3A_52 : i1 to i32
    %sign3A_54 = arith.constant 0 : i32
    %sign3A_55 = arith.cmpi slt, %add3A_48, %sign3A_54 : i32
    %sign3A_56 = arith.extui %sign3A_55 : i1 to i32
    %sign3A_57 = arith.subi %sign3A_53, %sign3A_56 : i32
    %sign3A_58 = arith.constant 0 : i32
    %sign3A_59 = arith.cmpi sgt, %jit3A_49, %sign3A_58 : i32
    %sign3A_60 = arith.extui %sign3A_59 : i1 to i32
    %sign3A_61 = arith.constant 0 : i32
    %sign3A_62 = arith.cmpi slt, %jit3A_49, %sign3A_61 : i32
    %sign3A_63 = arith.extui %sign3A_62 : i1 to i32
    %sign3A_64 = arith.subi %sign3A_60, %sign3A_63 : i32
    %ne3A_65 = arith.cmpi ne, %sign3A_57, %sign3A_64 : i32
    %rem3A_66 = arith.remsi %add3A_48, %jit3A_49 : i32
    %ne3A_67 = arith.constant 0 : i32
    %ne3A_68 = arith.cmpi ne, %rem3A_66, %ne3A_67 : i32
    %and3A_69 = arith.andi %ne3A_65, %ne3A_68 : i1
    %sub3A_70 = arith.constant 1 : i32
    %sub3A_71 = arith.subi %div3A_50, %sub3A_70 : i32
    %select_n3A_72 = arith.select %and3A_69, %sub3A_71, %div3A_50 : i32
    %mul3A_73 = arith.constant 4096 : i32
    %mul3A_74 = arith.muli %add3A_45, %mul3A_73 : i32
    %add3A_75 = arith.constant 2048 : i32
    %add3A_76 = arith.addi %mul3A_74, %add3A_75 : i32
    %add3A_77 = arith.addi %add3A_76, %mul3A_43 : i32
    %jit3A_78 = arith.constant 128 : i32
    %div3A_79 = arith.divsi %add3A_77, %jit3A_78 : i32
    %sign3A_80 = arith.constant 0 : i32
    %sign3A_81 = arith.cmpi sgt, %add3A_77, %sign3A_80 : i32
    %sign3A_82 = arith.extui %sign3A_81 : i1 to i32
    %sign3A_83 = arith.constant 0 : i32
    %sign3A_84 = arith.cmpi slt, %add3A_77, %sign3A_83 : i32
    %sign3A_85 = arith.extui %sign3A_84 : i1 to i32
    %sign3A_86 = arith.subi %sign3A_82, %sign3A_85 : i32
    %sign3A_87 = arith.constant 0 : i32
    %sign3A_88 = arith.cmpi sgt, %jit3A_78, %sign3A_87 : i32
    %sign3A_89 = arith.extui %sign3A_88 : i1 to i32
    %sign3A_90 = arith.constant 0 : i32
    %sign3A_91 = arith.cmpi slt, %jit3A_78, %sign3A_90 : i32
    %sign3A_92 = arith.extui %sign3A_91 : i1 to i32
    %sign3A_93 = arith.subi %sign3A_89, %sign3A_92 : i32
    %ne3A_94 = arith.cmpi ne, %sign3A_86, %sign3A_93 : i32
    %rem3A_95 = arith.remsi %add3A_77, %jit3A_78 : i32
    %ne3A_96 = arith.constant 0 : i32
    %ne3A_97 = arith.cmpi ne, %rem3A_95, %ne3A_96 : i32
    %and3A_98 = arith.andi %ne3A_94, %ne3A_97 : i1
    %sub3A_99 = arith.constant 1 : i32
    %sub3A_100 = arith.subi %div3A_79, %sub3A_99 : i32
    %select_n3A_101 = arith.select %and3A_98, %sub3A_100, %div3A_79 : i32
    %mul3A_102 = arith.constant 2048 : i32
    %mul3A_103 = arith.muli %select_n3A, %mul3A_102 : i32
    %add3A_104 = arith.addi %mul3A_103, %mul3A_43 : i32
    %dma_wait3A = arith.constant 0 : i32
    %dma_wait3A_105 = arith.constant 0 : i32
    %dma_wait3A_106 = arith.constant 0 : i32
    %dma_wait3A_107 = tpu.memref_slice %arg7[%dma_wait3A, %dma_wait3A_105, %dma_wait3A_106] : memref<2x256x64xf32, #tpu.memory_space<vmem>> -> memref<1x256x64xf32, #tpu.memory_space<vmem>>
    %dma_wait3A_108 = tpu.memref_squeeze %dma_wait3A_107 : memref<1x256x64xf32, #tpu.memory_space<vmem>> -> memref<256x64xf32, #tpu.memory_space<vmem>>
    %dma_wait3A_109 = arith.constant 0 : i32
    %dma_wait3A_110 = tpu.memref_slice %arg4[%add3A_104, %dma_wait3A_109] : memref<204800x128xf32, #tpu.memory_space<hbm>> -> memref<256x64xf32, #tpu.memory_space<hbm>>
    %dma_wait3A_111 = arith.constant 0 : i32
    %dma_wait3A_112 = tpu.memref_slice %arg4[%add3A_104, %dma_wait3A_111] : memref<204800x128xf32, #tpu.memory_space<hbm>> -> memref<256x64xf32, #tpu.memory_space<hbm>>
    %dma_wait3A_113 = arith.constant 0 : i32
    %dma_wait3A_114 = arith.constant 0 : i32
    %dma_wait3A_115 = tpu.memref_slice %arg7[%dma_wait3A, %dma_wait3A_113, %dma_wait3A_114] : memref<2x256x64xf32, #tpu.memory_space<vmem>> -> memref<1x256x64xf32, #tpu.memory_space<vmem>>
    %dma_wait3A_116 = tpu.memref_squeeze %dma_wait3A_115 : memref<1x256x64xf32, #tpu.memory_space<vmem>> -> memref<256x64xf32, #tpu.memory_space<vmem>>
    tpu.wait_dma2 semaphore(%arg11 : memref<!tpu.dma_semaphore, #tpu.memory_space<semaphore_mem>>) src(%dma_wait3A_116 : memref<256x64xf32, #tpu.memory_space<vmem>>) dst(%dma_wait3A_112 : memref<256x64xf32, #tpu.memory_space<hbm>>)
    %dma_wait3A_117 = arith.constant 1 : i32
    %dma_wait3A_118 = arith.constant 0 : i32
    %dma_wait3A_119 = arith.constant 0 : i32
    %dma_wait3A_120 = tpu.memref_slice %arg7[%dma_wait3A_117, %dma_wait3A_118, %dma_wait3A_119] : memref<2x256x64xf32, #tpu.memory_space<vmem>> -> memref<1x256x64xf32, #tpu.memory_space<vmem>>
    %dma_wait3A_121 = tpu.memref_squeeze %dma_wait3A_120 : memref<1x256x64xf32, #tpu.memory_space<vmem>> -> memref<256x64xf32, #tpu.memory_space<vmem>>
    %dma_wait3A_122 = arith.constant 64 : i32
    %dma_wait3A_123 = tpu.memref_slice %arg4[%add3A_104, %dma_wait3A_122] : memref<204800x128xf32, #tpu.memory_space<hbm>> -> memref<256x64xf32, #tpu.memory_space<hbm>>
    %dma_wait3A_124 = arith.constant 64 : i32
    %dma_wait3A_125 = tpu.memref_slice %arg4[%add3A_104, %dma_wait3A_124] : memref<204800x128xf32, #tpu.memory_space<hbm>> -> memref<256x64xf32, #tpu.memory_space<hbm>>
    %dma_wait3A_126 = arith.constant 0 : i32
    %dma_wait3A_127 = arith.constant 0 : i32
    %dma_wait3A_128 = tpu.memref_slice %arg7[%dma_wait3A_117, %dma_wait3A_126, %dma_wait3A_127] : memref<2x256x64xf32, #tpu.memory_space<vmem>> -> memref<1x256x64xf32, #tpu.memory_space<vmem>>
    %dma_wait3A_129 = tpu.memref_squeeze %dma_wait3A_128 : memref<1x256x64xf32, #tpu.memory_space<vmem>> -> memref<256x64xf32, #tpu.memory_space<vmem>>
    tpu.wait_dma2 semaphore(%arg11 : memref<!tpu.dma_semaphore, #tpu.memory_space<semaphore_mem>>) src(%dma_wait3A_129 : memref<256x64xf32, #tpu.memory_space<vmem>>) dst(%dma_wait3A_125 : memref<256x64xf32, #tpu.memory_space<hbm>>)
    "tpu.region"() ({
      %run_scoped3A = tpu.sem_alloc : memref<!tpu.dma_semaphore, #tpu.memory_space<semaphore_mem>>
      %dma_start3A_311 = arith.constant 0 : i32
      %dma_start3A_312 = arith.constant 0 : i32
      %dma_start3A_313 = tpu.memref_slice %arg5[%dma_start3A_311, %dma_start3A_312] : memref<4x128xi32, #tpu.memory_space<vmem>> -> memref<2x128xi32, #tpu.memory_space<vmem>>
      %dma_start3A_314 = arith.constant 0 : i32
      %dma_start3A_315 = tpu.memref_slice %arg2[%select_n3A_72, %dma_start3A_314] : memref<6400x128xi32, #tpu.memory_space<hbm>> -> memref<2x128xi32, #tpu.memory_space<hbm>>
      %dma_start3A_316 = arith.constant 0 : i32
      %dma_start3A_317 = arith.constant 0 : i32
      %dma_start3A_318 = tpu.memref_slice %arg5[%dma_start3A_316, %dma_start3A_317] : memref<4x128xi32, #tpu.memory_space<vmem>> -> memref<2x128xi32, #tpu.memory_space<vmem>>
      %dma_start3A_319 = arith.constant 0 : i32
      %dma_start3A_320 = tpu.memref_slice %arg2[%select_n3A_72, %dma_start3A_319] : memref<6400x128xi32, #tpu.memory_space<hbm>> -> memref<2x128xi32, #tpu.memory_space<hbm>>
      tpu.enqueue_dma source(%dma_start3A_320 : memref<2x128xi32, #tpu.memory_space<hbm>>) target(%dma_start3A_318 : memref<2x128xi32, #tpu.memory_space<vmem>>) target_semaphore(%run_scoped3A : memref<!tpu.dma_semaphore, #tpu.memory_space<semaphore_mem>>)
      %dma_wait3A_321 = arith.constant 0 : i32
      %dma_wait3A_322 = arith.constant 0 : i32
      %dma_wait3A_323 = tpu.memref_slice %arg5[%dma_wait3A_321, %dma_wait3A_322] : memref<4x128xi32, #tpu.memory_space<vmem>> -> memref<2x128xi32, #tpu.memory_space<vmem>>
      %dma_wait3A_324 = arith.constant 0 : i32
      %dma_wait3A_325 = tpu.memref_slice %arg2[%select_n3A_72, %dma_wait3A_324] : memref<6400x128xi32, #tpu.memory_space<hbm>> -> memref<2x128xi32, #tpu.memory_space<hbm>>
      %dma_wait3A_326 = arith.constant 0 : i32
      %dma_wait3A_327 = arith.constant 0 : i32
      %dma_wait3A_328 = tpu.memref_slice %arg5[%dma_wait3A_326, %dma_wait3A_327] : memref<4x128xi32, #tpu.memory_space<vmem>> -> memref<2x128xi32, #tpu.memory_space<vmem>>
      %dma_wait3A_329 = arith.constant 0 : i32
      %dma_wait3A_330 = tpu.memref_slice %arg2[%select_n3A_72, %dma_wait3A_329] : memref<6400x128xi32, #tpu.memory_space<hbm>> -> memref<2x128xi32, #tpu.memory_space<hbm>>
      tpu.wait_dma2 semaphore(%run_scoped3A : memref<!tpu.dma_semaphore, #tpu.memory_space<semaphore_mem>>) src(%dma_wait3A_330 : memref<2x128xi32, #tpu.memory_space<hbm>>) dst(%dma_wait3A_328 : memref<2x128xi32, #tpu.memory_space<vmem>>)
      tpu.yield
    }) : () -> ()
    "tpu.region"() ({
      %run_scoped3A = tpu.sem_alloc : memref<!tpu.dma_semaphore, #tpu.memory_space<semaphore_mem>>
      %dma_start3A_311 = arith.constant 2 : i32
      %dma_start3A_312 = arith.constant 0 : i32
      %dma_start3A_313 = tpu.memref_slice %arg5[%dma_start3A_311, %dma_start3A_312] : memref<4x128xi32, #tpu.memory_space<vmem>> -> memref<2x128xi32, #tpu.memory_space<vmem>>
      %dma_start3A_314 = arith.constant 0 : i32
      %dma_start3A_315 = tpu.memref_slice %arg2[%select_n3A_101, %dma_start3A_314] : memref<6400x128xi32, #tpu.memory_space<hbm>> -> memref<2x128xi32, #tpu.memory_space<hbm>>
      %dma_start3A_316 = arith.constant 2 : i32
      %dma_start3A_317 = arith.constant 0 : i32
      %dma_start3A_318 = tpu.memref_slice %arg5[%dma_start3A_316, %dma_start3A_317] : memref<4x128xi32, #tpu.memory_space<vmem>> -> memref<2x128xi32, #tpu.memory_space<vmem>>
      %dma_start3A_319 = arith.constant 0 : i32
      %dma_start3A_320 = tpu.memref_slice %arg2[%select_n3A_101, %dma_start3A_319] : memref<6400x128xi32, #tpu.memory_space<hbm>> -> memref<2x128xi32, #tpu.memory_space<hbm>>
      tpu.enqueue_dma source(%dma_start3A_320 : memref<2x128xi32, #tpu.memory_space<hbm>>) target(%dma_start3A_318 : memref<2x128xi32, #tpu.memory_space<vmem>>) target_semaphore(%run_scoped3A : memref<!tpu.dma_semaphore, #tpu.memory_space<semaphore_mem>>)
      %dma_wait3A_321 = arith.constant 2 : i32
      %dma_wait3A_322 = arith.constant 0 : i32
      %dma_wait3A_323 = tpu.memref_slice %arg5[%dma_wait3A_321, %dma_wait3A_322] : memref<4x128xi32, #tpu.memory_space<vmem>> -> memref<2x128xi32, #tpu.memory_space<vmem>>
      %dma_wait3A_324 = arith.constant 0 : i32
      %dma_wait3A_325 = tpu.memref_slice %arg2[%select_n3A_101, %dma_wait3A_324] : memref<6400x128xi32, #tpu.memory_space<hbm>> -> memref<2x128xi32, #tpu.memory_space<hbm>>
      %dma_wait3A_326 = arith.constant 2 : i32
      %dma_wait3A_327 = arith.constant 0 : i32
      %dma_wait3A_328 = tpu.memref_slice %arg5[%dma_wait3A_326, %dma_wait3A_327] : memref<4x128xi32, #tpu.memory_space<vmem>> -> memref<2x128xi32, #tpu.memory_space<vmem>>
      %dma_wait3A_329 = arith.constant 0 : i32
      %dma_wait3A_330 = tpu.memref_slice %arg2[%select_n3A_101, %dma_wait3A_329] : memref<6400x128xi32, #tpu.memory_space<hbm>> -> memref<2x128xi32, #tpu.memory_space<hbm>>
      tpu.wait_dma2 semaphore(%run_scoped3A : memref<!tpu.dma_semaphore, #tpu.memory_space<semaphore_mem>>) src(%dma_wait3A_330 : memref<2x128xi32, #tpu.memory_space<hbm>>) dst(%dma_wait3A_328 : memref<2x128xi32, #tpu.memory_space<vmem>>)
      tpu.yield
    }) : () -> ()
    %dma_start3A = arith.constant 0 : i32
    %dma_start3A_130 = arith.constant 0 : i32
    %dma_start3A_131 = arith.constant 0 : i32
    %dma_start3A_132 = arith.constant 0 : i32
    %dma_start3A_133 = tpu.memref_slice %arg7[%dma_start3A_130, %dma_start3A_131, %dma_start3A_132] : memref<2x256x64xf32, #tpu.memory_space<vmem>> -> memref<1x128x64xf32, #tpu.memory_space<vmem>>
    %dma_start3A_134 = tpu.memref_squeeze %dma_start3A_133 : memref<1x128x64xf32, #tpu.memory_space<vmem>> -> memref<128x64xf32, #tpu.memory_space<vmem>>
    %dma_start3A_135 = arith.constant 0 : i32
    %dma_start3A_136 = tpu.memref_slice %arg5[%dma_start3A, %dma_start3A_135] : memref<4x128xi32, #tpu.memory_space<vmem>> -> memref<1x128xi32, #tpu.memory_space<vmem>>
    %dma_start3A_137 = tpu.memref_squeeze %dma_start3A_136 : memref<1x128xi32, #tpu.memory_space<vmem>> -> memref<128xi32, #tpu.memory_space<vmem>>
    %dma_start3A_138 = arith.constant 0 : i32
    %dma_start3A_139 = arith.constant 0 : i32
    %dma_start3A_140 = tpu.memref_slice %arg3[%dma_start3A_138, %dma_start3A_139] : memref<1015808x64xf32, #tpu.memory_space<hbm>> -> memref<1015808x64xf32, #tpu.memory_space<hbm>>
    tpu.enqueue_indirect_dma source(%dma_start3A_140 : memref<1015808x64xf32, #tpu.memory_space<hbm>>) target(%dma_start3A_134 : memref<128x64xf32, #tpu.memory_space<vmem>>) offsets(%dma_start3A_137 : memref<128xi32, #tpu.memory_space<vmem>>) semaphore(%arg9 : memref<!tpu.dma_semaphore, #tpu.memory_space<semaphore_mem>>)
    %dma_start3A_141 = arith.constant 1 : i32
    %dma_start3A_142 = arith.constant 0 : i32
    %dma_start3A_143 = arith.constant 128 : i32
    %dma_start3A_144 = arith.constant 0 : i32
    %dma_start3A_145 = tpu.memref_slice %arg7[%dma_start3A_142, %dma_start3A_143, %dma_start3A_144] : memref<2x256x64xf32, #tpu.memory_space<vmem>> -> memref<1x128x64xf32, #tpu.memory_space<vmem>>
    %dma_start3A_146 = tpu.memref_squeeze %dma_start3A_145 : memref<1x128x64xf32, #tpu.memory_space<vmem>> -> memref<128x64xf32, #tpu.memory_space<vmem>>
    %dma_start3A_147 = arith.constant 0 : i32
    %dma_start3A_148 = tpu.memref_slice %arg5[%dma_start3A_141, %dma_start3A_147] : memref<4x128xi32, #tpu.memory_space<vmem>> -> memref<1x128xi32, #tpu.memory_space<vmem>>
    %dma_start3A_149 = tpu.memref_squeeze %dma_start3A_148 : memref<1x128xi32, #tpu.memory_space<vmem>> -> memref<128xi32, #tpu.memory_space<vmem>>
    %dma_start3A_150 = arith.constant 0 : i32
    %dma_start3A_151 = arith.constant 0 : i32
    %dma_start3A_152 = tpu.memref_slice %arg3[%dma_start3A_150, %dma_start3A_151] : memref<1015808x64xf32, #tpu.memory_space<hbm>> -> memref<1015808x64xf32, #tpu.memory_space<hbm>>
    tpu.enqueue_indirect_dma source(%dma_start3A_152 : memref<1015808x64xf32, #tpu.memory_space<hbm>>) target(%dma_start3A_146 : memref<128x64xf32, #tpu.memory_space<vmem>>) offsets(%dma_start3A_149 : memref<128xi32, #tpu.memory_space<vmem>>) semaphore(%arg9 : memref<!tpu.dma_semaphore, #tpu.memory_space<semaphore_mem>>)
    %dma_start3A_153 = arith.constant 2 : i32
    %dma_start3A_154 = arith.constant 1 : i32
    %dma_start3A_155 = arith.constant 0 : i32
    %dma_start3A_156 = arith.constant 0 : i32
    %dma_start3A_157 = tpu.memref_slice %arg7[%dma_start3A_154, %dma_start3A_155, %dma_start3A_156] : memref<2x256x64xf32, #tpu.memory_space<vmem>> -> memref<1x128x64xf32, #tpu.memory_space<vmem>>
    %dma_start3A_158 = tpu.memref_squeeze %dma_start3A_157 : memref<1x128x64xf32, #tpu.memory_space<vmem>> -> memref<128x64xf32, #tpu.memory_space<vmem>>
    %dma_start3A_159 = arith.constant 0 : i32
    %dma_start3A_160 = tpu.memref_slice %arg5[%dma_start3A_153, %dma_start3A_159] : memref<4x128xi32, #tpu.memory_space<vmem>> -> memref<1x128xi32, #tpu.memory_space<vmem>>
    %dma_start3A_161 = tpu.memref_squeeze %dma_start3A_160 : memref<1x128xi32, #tpu.memory_space<vmem>> -> memref<128xi32, #tpu.memory_space<vmem>>
    %dma_start3A_162 = arith.constant 0 : i32
    %dma_start3A_163 = arith.constant 0 : i32
    %dma_start3A_164 = tpu.memref_slice %arg3[%dma_start3A_162, %dma_start3A_163] : memref<1015808x64xf32, #tpu.memory_space<hbm>> -> memref<1015808x64xf32, #tpu.memory_space<hbm>>
    tpu.enqueue_indirect_dma source(%dma_start3A_164 : memref<1015808x64xf32, #tpu.memory_space<hbm>>) target(%dma_start3A_158 : memref<128x64xf32, #tpu.memory_space<vmem>>) offsets(%dma_start3A_161 : memref<128xi32, #tpu.memory_space<vmem>>) semaphore(%arg9 : memref<!tpu.dma_semaphore, #tpu.memory_space<semaphore_mem>>)
    %dma_start3A_165 = arith.constant 3 : i32
    %dma_start3A_166 = arith.constant 1 : i32
    %dma_start3A_167 = arith.constant 128 : i32
    %dma_start3A_168 = arith.constant 0 : i32
    %dma_start3A_169 = tpu.memref_slice %arg7[%dma_start3A_166, %dma_start3A_167, %dma_start3A_168] : memref<2x256x64xf32, #tpu.memory_space<vmem>> -> memref<1x128x64xf32, #tpu.memory_space<vmem>>
    %dma_start3A_170 = tpu.memref_squeeze %dma_start3A_169 : memref<1x128x64xf32, #tpu.memory_space<vmem>> -> memref<128x64xf32, #tpu.memory_space<vmem>>
    %dma_start3A_171 = arith.constant 0 : i32
    %dma_start3A_172 = tpu.memref_slice %arg5[%dma_start3A_165, %dma_start3A_171] : memref<4x128xi32, #tpu.memory_space<vmem>> -> memref<1x128xi32, #tpu.memory_space<vmem>>
    %dma_start3A_173 = tpu.memref_squeeze %dma_start3A_172 : memref<1x128xi32, #tpu.memory_space<vmem>> -> memref<128xi32, #tpu.memory_space<vmem>>
    %dma_start3A_174 = arith.constant 0 : i32
    %dma_start3A_175 = arith.constant 0 : i32
    %dma_start3A_176 = tpu.memref_slice %arg3[%dma_start3A_174, %dma_start3A_175] : memref<1015808x64xf32, #tpu.memory_space<hbm>> -> memref<1015808x64xf32, #tpu.memory_space<hbm>>
    tpu.enqueue_indirect_dma source(%dma_start3A_176 : memref<1015808x64xf32, #tpu.memory_space<hbm>>) target(%dma_start3A_170 : memref<128x64xf32, #tpu.memory_space<vmem>>) offsets(%dma_start3A_173 : memref<128xi32, #tpu.memory_space<vmem>>) semaphore(%arg9 : memref<!tpu.dma_semaphore, #tpu.memory_space<semaphore_mem>>)
    %dma_wait3A_177 = arith.constant 0 : i32
    %dma_wait3A_178 = arith.constant 0 : i32
    %dma_wait3A_179 = arith.constant 0 : i32
    %dma_wait3A_180 = arith.constant 0 : i32
    %dma_wait3A_181 = tpu.memref_slice %arg7[%dma_wait3A_178, %dma_wait3A_179, %dma_wait3A_180] : memref<2x256x64xf32, #tpu.memory_space<vmem>> -> memref<1x128x64xf32, #tpu.memory_space<vmem>>
    %dma_wait3A_182 = tpu.memref_squeeze %dma_wait3A_181 : memref<1x128x64xf32, #tpu.memory_space<vmem>> -> memref<128x64xf32, #tpu.memory_space<vmem>>
    %dma_wait3A_183 = arith.constant 0 : i32
    %dma_wait3A_184 = tpu.memref_slice %arg5[%dma_wait3A_177, %dma_wait3A_183] : memref<4x128xi32, #tpu.memory_space<vmem>> -> memref<1x128xi32, #tpu.memory_space<vmem>>
    %dma_wait3A_185 = tpu.memref_squeeze %dma_wait3A_184 : memref<1x128xi32, #tpu.memory_space<vmem>> -> memref<128xi32, #tpu.memory_space<vmem>>
    %dma_wait3A_186 = arith.constant 0 : i32
    %dma_wait3A_187 = arith.constant 0 : i32
    %dma_wait3A_188 = tpu.memref_slice %arg3[%dma_wait3A_186, %dma_wait3A_187] : memref<1015808x64xf32, #tpu.memory_space<hbm>> -> memref<1015808x64xf32, #tpu.memory_space<hbm>>
    tpu.wait_indirect_dma semaphore(%arg9 : memref<!tpu.dma_semaphore, #tpu.memory_space<semaphore_mem>>) src(%dma_wait3A_188 : memref<1015808x64xf32, #tpu.memory_space<hbm>>) dst(%dma_wait3A_182 : memref<128x64xf32, #tpu.memory_space<vmem>>)
    %dma_wait3A_189 = arith.constant 1 : i32
    %dma_wait3A_190 = arith.constant 0 : i32
    %dma_wait3A_191 = arith.constant 128 : i32
    %dma_wait3A_192 = arith.constant 0 : i32
    %dma_wait3A_193 = tpu.memref_slice %arg7[%dma_wait3A_190, %dma_wait3A_191, %dma_wait3A_192] : memref<2x256x64xf32, #tpu.memory_space<vmem>> -> memref<1x128x64xf32, #tpu.memory_space<vmem>>
    %dma_wait3A_194 = tpu.memref_squeeze %dma_wait3A_193 : memref<1x128x64xf32, #tpu.memory_space<vmem>> -> memref<128x64xf32, #tpu.memory_space<vmem>>
    %dma_wait3A_195 = arith.constant 0 : i32
    %dma_wait3A_196 = tpu.memref_slice %arg5[%dma_wait3A_189, %dma_wait3A_195] : memref<4x128xi32, #tpu.memory_space<vmem>> -> memref<1x128xi32, #tpu.memory_space<vmem>>
    %dma_wait3A_197 = tpu.memref_squeeze %dma_wait3A_196 : memref<1x128xi32, #tpu.memory_space<vmem>> -> memref<128xi32, #tpu.memory_space<vmem>>
    %dma_wait3A_198 = arith.constant 0 : i32
    %dma_wait3A_199 = arith.constant 0 : i32
    %dma_wait3A_200 = tpu.memref_slice %arg3[%dma_wait3A_198, %dma_wait3A_199] : memref<1015808x64xf32, #tpu.memory_space<hbm>> -> memref<1015808x64xf32, #tpu.memory_space<hbm>>
    tpu.wait_indirect_dma semaphore(%arg9 : memref<!tpu.dma_semaphore, #tpu.memory_space<semaphore_mem>>) src(%dma_wait3A_200 : memref<1015808x64xf32, #tpu.memory_space<hbm>>) dst(%dma_wait3A_194 : memref<128x64xf32, #tpu.memory_space<vmem>>)
    %dma_wait3A_201 = arith.constant 2 : i32
    %dma_wait3A_202 = arith.constant 1 : i32
    %dma_wait3A_203 = arith.constant 0 : i32
    %dma_wait3A_204 = arith.constant 0 : i32
    %dma_wait3A_205 = tpu.memref_slice %arg7[%dma_wait3A_202, %dma_wait3A_203, %dma_wait3A_204] : memref<2x256x64xf32, #tpu.memory_space<vmem>> -> memref<1x128x64xf32, #tpu.memory_space<vmem>>
    %dma_wait3A_206 = tpu.memref_squeeze %dma_wait3A_205 : memref<1x128x64xf32, #tpu.memory_space<vmem>> -> memref<128x64xf32, #tpu.memory_space<vmem>>
    %dma_wait3A_207 = arith.constant 0 : i32
    %dma_wait3A_208 = tpu.memref_slice %arg5[%dma_wait3A_201, %dma_wait3A_207] : memref<4x128xi32, #tpu.memory_space<vmem>> -> memref<1x128xi32, #tpu.memory_space<vmem>>
    %dma_wait3A_209 = tpu.memref_squeeze %dma_wait3A_208 : memref<1x128xi32, #tpu.memory_space<vmem>> -> memref<128xi32, #tpu.memory_space<vmem>>
    %dma_wait3A_210 = arith.constant 0 : i32
    %dma_wait3A_211 = arith.constant 0 : i32
    %dma_wait3A_212 = tpu.memref_slice %arg3[%dma_wait3A_210, %dma_wait3A_211] : memref<1015808x64xf32, #tpu.memory_space<hbm>> -> memref<1015808x64xf32, #tpu.memory_space<hbm>>
    tpu.wait_indirect_dma semaphore(%arg9 : memref<!tpu.dma_semaphore, #tpu.memory_space<semaphore_mem>>) src(%dma_wait3A_212 : memref<1015808x64xf32, #tpu.memory_space<hbm>>) dst(%dma_wait3A_206 : memref<128x64xf32, #tpu.memory_space<vmem>>)
    %dma_wait3A_213 = arith.constant 3 : i32
    %dma_wait3A_214 = arith.constant 1 : i32
    %dma_wait3A_215 = arith.constant 128 : i32
    %dma_wait3A_216 = arith.constant 0 : i32
    %dma_wait3A_217 = tpu.memref_slice %arg7[%dma_wait3A_214, %dma_wait3A_215, %dma_wait3A_216] : memref<2x256x64xf32, #tpu.memory_space<vmem>> -> memref<1x128x64xf32, #tpu.memory_space<vmem>>
    %dma_wait3A_218 = tpu.memref_squeeze %dma_wait3A_217 : memref<1x128x64xf32, #tpu.memory_space<vmem>> -> memref<128x64xf32, #tpu.memory_space<vmem>>
    %dma_wait3A_219 = arith.constant 0 : i32
    %dma_wait3A_220 = tpu.memref_slice %arg5[%dma_wait3A_213, %dma_wait3A_219] : memref<4x128xi32, #tpu.memory_space<vmem>> -> memref<1x128xi32, #tpu.memory_space<vmem>>
    %dma_wait3A_221 = tpu.memref_squeeze %dma_wait3A_220 : memref<1x128xi32, #tpu.memory_space<vmem>> -> memref<128xi32, #tpu.memory_space<vmem>>
    %dma_wait3A_222 = arith.constant 0 : i32
    %dma_wait3A_223 = arith.constant 0 : i32
    %dma_wait3A_224 = tpu.memref_slice %arg3[%dma_wait3A_222, %dma_wait3A_223] : memref<1015808x64xf32, #tpu.memory_space<hbm>> -> memref<1015808x64xf32, #tpu.memory_space<hbm>>
    tpu.wait_indirect_dma semaphore(%arg9 : memref<!tpu.dma_semaphore, #tpu.memory_space<semaphore_mem>>) src(%dma_wait3A_224 : memref<1015808x64xf32, #tpu.memory_space<hbm>>) dst(%dma_wait3A_218 : memref<128x64xf32, #tpu.memory_space<vmem>>)
    %dma_start3A_225 = arith.constant 0 : i32
    %dma_start3A_226 = arith.constant 0 : i32
    %dma_start3A_227 = arith.constant 0 : i32
    %dma_start3A_228 = tpu.memref_slice %arg7[%dma_start3A_225, %dma_start3A_226, %dma_start3A_227] : memref<2x256x64xf32, #tpu.memory_space<vmem>> -> memref<1x256x64xf32, #tpu.memory_space<vmem>>
    %dma_start3A_229 = tpu.memref_squeeze %dma_start3A_228 : memref<1x256x64xf32, #tpu.memory_space<vmem>> -> memref<256x64xf32, #tpu.memory_space<vmem>>
    %dma_start3A_230 = arith.constant 0 : i32
    %dma_start3A_231 = tpu.memref_slice %arg4[%add3A_104, %dma_start3A_230] : memref<204800x128xf32, #tpu.memory_space<hbm>> -> memref<256x64xf32, #tpu.memory_space<hbm>>
    %dma_start3A_232 = arith.constant 0 : i32
    %dma_start3A_233 = tpu.memref_slice %arg4[%add3A_104, %dma_start3A_232] : memref<204800x128xf32, #tpu.memory_space<hbm>> -> memref<256x64xf32, #tpu.memory_space<hbm>>
    %dma_start3A_234 = arith.constant 0 : i32
    %dma_start3A_235 = arith.constant 0 : i32
    %dma_start3A_236 = tpu.memref_slice %arg7[%dma_start3A_225, %dma_start3A_234, %dma_start3A_235] : memref<2x256x64xf32, #tpu.memory_space<vmem>> -> memref<1x256x64xf32, #tpu.memory_space<vmem>>
    %dma_start3A_237 = tpu.memref_squeeze %dma_start3A_236 : memref<1x256x64xf32, #tpu.memory_space<vmem>> -> memref<256x64xf32, #tpu.memory_space<vmem>>
    tpu.enqueue_dma source(%dma_start3A_237 : memref<256x64xf32, #tpu.memory_space<vmem>>) target(%dma_start3A_233 : memref<256x64xf32, #tpu.memory_space<hbm>>) target_semaphore(%arg11 : memref<!tpu.dma_semaphore, #tpu.memory_space<semaphore_mem>>)
    %dma_start3A_238 = arith.constant 1 : i32
    %dma_start3A_239 = arith.constant 0 : i32
    %dma_start3A_240 = arith.constant 0 : i32
    %dma_start3A_241 = tpu.memref_slice %arg7[%dma_start3A_238, %dma_start3A_239, %dma_start3A_240] : memref<2x256x64xf32, #tpu.memory_space<vmem>> -> memref<1x256x64xf32, #tpu.memory_space<vmem>>
    %dma_start3A_242 = tpu.memref_squeeze %dma_start3A_241 : memref<1x256x64xf32, #tpu.memory_space<vmem>> -> memref<256x64xf32, #tpu.memory_space<vmem>>
    %dma_start3A_243 = arith.constant 64 : i32
    %dma_start3A_244 = tpu.memref_slice %arg4[%add3A_104, %dma_start3A_243] : memref<204800x128xf32, #tpu.memory_space<hbm>> -> memref<256x64xf32, #tpu.memory_space<hbm>>
    %dma_start3A_245 = arith.constant 64 : i32
    %dma_start3A_246 = tpu.memref_slice %arg4[%add3A_104, %dma_start3A_245] : memref<204800x128xf32, #tpu.memory_space<hbm>> -> memref<256x64xf32, #tpu.memory_space<hbm>>
    %dma_start3A_247 = arith.constant 0 : i32
    %dma_start3A_248 = arith.constant 0 : i32
    %dma_start3A_249 = tpu.memref_slice %arg7[%dma_start3A_238, %dma_start3A_247, %dma_start3A_248] : memref<2x256x64xf32, #tpu.memory_space<vmem>> -> memref<1x256x64xf32, #tpu.memory_space<vmem>>
    %dma_start3A_250 = tpu.memref_squeeze %dma_start3A_249 : memref<1x256x64xf32, #tpu.memory_space<vmem>> -> memref<256x64xf32, #tpu.memory_space<vmem>>
    tpu.enqueue_dma source(%dma_start3A_250 : memref<256x64xf32, #tpu.memory_space<vmem>>) target(%dma_start3A_246 : memref<256x64xf32, #tpu.memory_space<hbm>>) target_semaphore(%arg11 : memref<!tpu.dma_semaphore, #tpu.memory_space<semaphore_mem>>)
    %dma_wait3A_251 = arith.constant 0 : i32
    %dma_wait3A_252 = arith.constant 0 : i32
    %dma_wait3A_253 = arith.constant 0 : i32
    %dma_wait3A_254 = tpu.memref_slice %arg7[%dma_wait3A_251, %dma_wait3A_252, %dma_wait3A_253] : memref<2x256x64xf32, #tpu.memory_space<vmem>> -> memref<1x256x64xf32, #tpu.memory_space<vmem>>
    %dma_wait3A_255 = tpu.memref_squeeze %dma_wait3A_254 : memref<1x256x64xf32, #tpu.memory_space<vmem>> -> memref<256x64xf32, #tpu.memory_space<vmem>>
    %dma_wait3A_256 = arith.constant 0 : i32
    %dma_wait3A_257 = arith.constant 0 : i32
    %dma_wait3A_258 = tpu.memref_slice %arg4[%dma_wait3A_256, %dma_wait3A_257] : memref<204800x128xf32, #tpu.memory_space<hbm>> -> memref<256x64xf32, #tpu.memory_space<hbm>>
    %dma_wait3A_259 = arith.constant 0 : i32
    %dma_wait3A_260 = arith.constant 0 : i32
    %dma_wait3A_261 = tpu.memref_slice %arg4[%dma_wait3A_259, %dma_wait3A_260] : memref<204800x128xf32, #tpu.memory_space<hbm>> -> memref<256x64xf32, #tpu.memory_space<hbm>>
    %dma_wait3A_262 = arith.constant 0 : i32
    %dma_wait3A_263 = arith.constant 0 : i32
    %dma_wait3A_264 = tpu.memref_slice %arg7[%dma_wait3A_251, %dma_wait3A_262, %dma_wait3A_263] : memref<2x256x64xf32, #tpu.memory_space<vmem>> -> memref<1x256x64xf32, #tpu.memory_space<vmem>>
    %dma_wait3A_265 = tpu.memref_squeeze %dma_wait3A_264 : memref<1x256x64xf32, #tpu.memory_space<vmem>> -> memref<256x64xf32, #tpu.memory_space<vmem>>
    tpu.wait_dma2 semaphore(%arg11 : memref<!tpu.dma_semaphore, #tpu.memory_space<semaphore_mem>>) src(%dma_wait3A_265 : memref<256x64xf32, #tpu.memory_space<vmem>>) dst(%dma_wait3A_261 : memref<256x64xf32, #tpu.memory_space<hbm>>)
    %dma_wait3A_266 = arith.constant 1 : i32
    %dma_wait3A_267 = arith.constant 0 : i32
    %dma_wait3A_268 = arith.constant 0 : i32
    %dma_wait3A_269 = tpu.memref_slice %arg7[%dma_wait3A_266, %dma_wait3A_267, %dma_wait3A_268] : memref<2x256x64xf32, #tpu.memory_space<vmem>> -> memref<1x256x64xf32, #tpu.memory_space<vmem>>
    %dma_wait3A_270 = tpu.memref_squeeze %dma_wait3A_269 : memref<1x256x64xf32, #tpu.memory_space<vmem>> -> memref<256x64xf32, #tpu.memory_space<vmem>>
    %dma_wait3A_271 = arith.constant 0 : i32
    %dma_wait3A_272 = arith.constant 64 : i32
    %dma_wait3A_273 = tpu.memref_slice %arg4[%dma_wait3A_271, %dma_wait3A_272] : memref<204800x128xf32, #tpu.memory_space<hbm>> -> memref<256x64xf32, #tpu.memory_space<hbm>>
    %dma_wait3A_274 = arith.constant 0 : i32
    %dma_wait3A_275 = arith.constant 64 : i32
    %dma_wait3A_276 = tpu.memref_slice %arg4[%dma_wait3A_274, %dma_wait3A_275] : memref<204800x128xf32, #tpu.memory_space<hbm>> -> memref<256x64xf32, #tpu.memory_space<hbm>>
    %dma_wait3A_277 = arith.constant 0 : i32
    %dma_wait3A_278 = arith.constant 0 : i32
    %dma_wait3A_279 = tpu.memref_slice %arg7[%dma_wait3A_266, %dma_wait3A_277, %dma_wait3A_278] : memref<2x256x64xf32, #tpu.memory_space<vmem>> -> memref<1x256x64xf32, #tpu.memory_space<vmem>>
    %dma_wait3A_280 = tpu.memref_squeeze %dma_wait3A_279 : memref<1x256x64xf32, #tpu.memory_space<vmem>> -> memref<256x64xf32, #tpu.memory_space<vmem>>
    tpu.wait_dma2 semaphore(%arg11 : memref<!tpu.dma_semaphore, #tpu.memory_space<semaphore_mem>>) src(%dma_wait3A_280 : memref<256x64xf32, #tpu.memory_space<vmem>>) dst(%dma_wait3A_276 : memref<256x64xf32, #tpu.memory_space<hbm>>)
    %dma_wait3A_281 = arith.constant 0 : i32
    %dma_wait3A_282 = arith.constant 0 : i32
    %dma_wait3A_283 = arith.constant 0 : i32
    %dma_wait3A_284 = tpu.memref_slice %arg8[%dma_wait3A_281, %dma_wait3A_282, %dma_wait3A_283] : memref<2x256x64xf32, #tpu.memory_space<vmem>> -> memref<1x256x64xf32, #tpu.memory_space<vmem>>
    %dma_wait3A_285 = tpu.memref_squeeze %dma_wait3A_284 : memref<1x256x64xf32, #tpu.memory_space<vmem>> -> memref<256x64xf32, #tpu.memory_space<vmem>>
    %dma_wait3A_286 = arith.constant 0 : i32
    %dma_wait3A_287 = arith.constant 0 : i32
    %dma_wait3A_288 = tpu.memref_slice %arg4[%dma_wait3A_286, %dma_wait3A_287] : memref<204800x128xf32, #tpu.memory_space<hbm>> -> memref<256x64xf32, #tpu.memory_space<hbm>>
    %dma_wait3A_289 = arith.constant 0 : i32
    %dma_wait3A_290 = arith.constant 0 : i32
    %dma_wait3A_291 = tpu.memref_slice %arg4[%dma_wait3A_289, %dma_wait3A_290] : memref<204800x128xf32, #tpu.memory_space<hbm>> -> memref<256x64xf32, #tpu.memory_space<hbm>>
    %dma_wait3A_292 = arith.constant 0 : i32
    %dma_wait3A_293 = arith.constant 0 : i32
    %dma_wait3A_294 = tpu.memref_slice %arg8[%dma_wait3A_281, %dma_wait3A_292, %dma_wait3A_293] : memref<2x256x64xf32, #tpu.memory_space<vmem>> -> memref<1x256x64xf32, #tpu.memory_space<vmem>>
    %dma_wait3A_295 = tpu.memref_squeeze %dma_wait3A_294 : memref<1x256x64xf32, #tpu.memory_space<vmem>> -> memref<256x64xf32, #tpu.memory_space<vmem>>
    tpu.wait_dma2 semaphore(%arg12 : memref<!tpu.dma_semaphore, #tpu.memory_space<semaphore_mem>>) src(%dma_wait3A_295 : memref<256x64xf32, #tpu.memory_space<vmem>>) dst(%dma_wait3A_291 : memref<256x64xf32, #tpu.memory_space<hbm>>)
    %dma_wait3A_296 = arith.constant 1 : i32
    %dma_wait3A_297 = arith.constant 0 : i32
    %dma_wait3A_298 = arith.constant 0 : i32
    %dma_wait3A_299 = tpu.memref_slice %arg8[%dma_wait3A_296, %dma_wait3A_297, %dma_wait3A_298] : memref<2x256x64xf32, #tpu.memory_space<vmem>> -> memref<1x256x64xf32, #tpu.memory_space<vmem>>
    %dma_wait3A_300 = tpu.memref_squeeze %dma_wait3A_299 : memref<1x256x64xf32, #tpu.memory_space<vmem>> -> memref<256x64xf32, #tpu.memory_space<vmem>>
    %dma_wait3A_301 = arith.constant 0 : i32
    %dma_wait3A_302 = arith.constant 64 : i32
    %dma_wait3A_303 = tpu.memref_slice %arg4[%dma_wait3A_301, %dma_wait3A_302] : memref<204800x128xf32, #tpu.memory_space<hbm>> -> memref<256x64xf32, #tpu.memory_space<hbm>>
    %dma_wait3A_304 = arith.constant 0 : i32
    %dma_wait3A_305 = arith.constant 64 : i32
    %dma_wait3A_306 = tpu.memref_slice %arg4[%dma_wait3A_304, %dma_wait3A_305] : memref<204800x128xf32, #tpu.memory_space<hbm>> -> memref<256x64xf32, #tpu.memory_space<hbm>>
    %dma_wait3A_307 = arith.constant 0 : i32
    %dma_wait3A_308 = arith.constant 0 : i32
    %dma_wait3A_309 = tpu.memref_slice %arg8[%dma_wait3A_296, %dma_wait3A_307, %dma_wait3A_308] : memref<2x256x64xf32, #tpu.memory_space<vmem>> -> memref<1x256x64xf32, #tpu.memory_space<vmem>>
    %dma_wait3A_310 = tpu.memref_squeeze %dma_wait3A_309 : memref<1x256x64xf32, #tpu.memory_space<vmem>> -> memref<256x64xf32, #tpu.memory_space<vmem>>
    tpu.wait_dma2 semaphore(%arg12 : memref<!tpu.dma_semaphore, #tpu.memory_space<semaphore_mem>>) src(%dma_wait3A_310 : memref<256x64xf32, #tpu.memory_space<vmem>>) dst(%dma_wait3A_306 : memref<256x64xf32, #tpu.memory_space<hbm>>)
    return
  }
}

#map = affine_map<(d0, d1) -> (0, 0)>
module attributes {stable_mosaic.version = 14 : i64} {
  func.func @_gather_body(%arg0: i32, %arg1: i32, %arg2: memref<6400x128xi32, #tpu.memory_space<hbm>>, %arg3: memref<1015808x64xf32, #tpu.memory_space<hbm>>, %arg4: memref<204800x128xf32, #tpu.memory_space<hbm>>, %arg5: memref<4x128xi32, #tpu.memory_space<vmem>>, %arg6: memref<4x128xi32, #tpu.memory_space<vmem>>, %arg7: memref<2x256x64xf32, #tpu.memory_space<vmem>>, %arg8: memref<2x256x64xf32, #tpu.memory_space<vmem>>, %arg9: memref<!tpu.dma_semaphore, #tpu.memory_space<semaphore_mem>>, %arg10: memref<!tpu.dma_semaphore, #tpu.memory_space<semaphore_mem>>, %arg11: memref<!tpu.dma_semaphore, #tpu.memory_space<semaphore_mem>>, %arg12: memref<!tpu.dma_semaphore, #tpu.memory_space<semaphore_mem>>) attributes {dimension_semantics = [#tpu.dimension_semantics<core_parallel>, #tpu.dimension_semantics<subcore_parallel>], iteration_bounds = array<i64: 2, 16>, scalar_prefetch = 0 : i64, scratch_operands = 8 : i64, tpu.core_type = #tpu.core_type<sc_vector_subcore>, window_params = [{transform_indices = #map}, {transform_indices = #map}, {transform_indices = #map}]} {
    %mul3A = arith.constant 2 : i32
    %mul3A_0 = arith.muli %arg1, %mul3A : i32
    %add3A = arith.addi %mul3A_0, %arg0 : i32
    %mul3A_1 = arith.constant 25 : i32
    %mul3A_2 = arith.muli %add3A, %mul3A_1 : i32
    %scan3A = arith.constant 0 : i32
    %scan3A_3 = arith.constant 0 : i32
    %scan3A_4 = arith.constant 12 : i32
    %scan3A_5 = arith.addi %scan3A_3, %scan3A_4 : i32
    %scan3A_6 = arith.constant 1 : i32
    scf.for %scan3A_311 = %scan3A_3 to %scan3A_5 step %scan3A_6  : i32 {
      %mul3A_312 = arith.constant 2 : i32
      %mul3A_313 = arith.muli %mul3A_312, %scan3A_311 : i32
      %add3A_314 = arith.addi %mul3A_2, %mul3A_313 : i32
      %add3A_315 = arith.constant 0 : i32
      %add3A_316 = arith.addi %add3A_314, %add3A_315 : i32
      %gt3A = arith.constant 0 : i32
      %gt3A_317 = arith.cmpi sgt, %scan3A_311, %gt3A : i32
      %jit3A_318 = arith.constant 8 : i32
      %div3A_319 = arith.divsi %add3A_316, %jit3A_318 : i32
      %sign3A_320 = arith.constant 0 : i32
      %sign3A_321 = arith.cmpi sgt, %add3A_316, %sign3A_320 : i32
      %sign3A_322 = arith.extui %sign3A_321 : i1 to i32
      %sign3A_323 = arith.constant 0 : i32
      %sign3A_324 = arith.cmpi slt, %add3A_316, %sign3A_323 : i32
      %sign3A_325 = arith.extui %sign3A_324 : i1 to i32
      %sign3A_326 = arith.subi %sign3A_322, %sign3A_325 : i32
      %sign3A_327 = arith.constant 0 : i32
      %sign3A_328 = arith.cmpi sgt, %jit3A_318, %sign3A_327 : i32
      %sign3A_329 = arith.extui %sign3A_328 : i1 to i32
      %sign3A_330 = arith.constant 0 : i32
      %sign3A_331 = arith.cmpi slt, %jit3A_318, %sign3A_330 : i32
      %sign3A_332 = arith.extui %sign3A_331 : i1 to i32
      %sign3A_333 = arith.subi %sign3A_329, %sign3A_332 : i32
      %ne3A_334 = arith.cmpi ne, %sign3A_326, %sign3A_333 : i32
      %rem3A_335 = arith.remsi %add3A_316, %jit3A_318 : i32
      %ne3A_336 = arith.constant 0 : i32
      %ne3A_337 = arith.cmpi ne, %rem3A_335, %ne3A_336 : i32
      %and3A_338 = arith.andi %ne3A_334, %ne3A_337 : i1
      %sub3A_339 = arith.constant 1 : i32
      %sub3A_340 = arith.subi %div3A_319, %sub3A_339 : i32
      %select_n3A_341 = arith.select %and3A_338, %sub3A_340, %div3A_319 : i32
      %jit3A_342 = arith.constant 8 : i32
      %eq3A_343 = arith.constant 0 : i32
      %eq3A_344 = arith.cmpi eq, %jit3A_342, %eq3A_343 : i32
      %jit3A_345 = arith.constant 1 : i32
      %select_n3A_346 = arith.select %eq3A_344, %jit3A_345, %jit3A_342 : i32
      %rem3A_347 = arith.remsi %add3A_316, %select_n3A_346 : i32
      %ne3A_348 = arith.constant 0 : i32
      %ne3A_349 = arith.cmpi ne, %rem3A_347, %ne3A_348 : i32
      %lt3A_350 = arith.constant 0 : i32
      %lt3A_351 = arith.cmpi slt, %rem3A_347, %lt3A_350 : i32
      %lt3A_352 = arith.constant 0 : i32
      %lt3A_353 = arith.cmpi slt, %select_n3A_346, %lt3A_352 : i32
      %ne3A_354 = arith.xori %lt3A_351, %lt3A_353 : i1
      %and3A_355 = arith.andi %ne3A_354, %ne3A_349 : i1
      %add3A_356 = arith.addi %rem3A_347, %select_n3A_346 : i32
      %select_n3A_357 = arith.select %and3A_355, %add3A_356, %rem3A_347 : i32
      %mul3A_358 = arith.constant 256 : i32
      %mul3A_359 = arith.muli %select_n3A_357, %mul3A_358 : i32
      %add3A_360 = arith.constant 100 : i32
      %add3A_361 = arith.addi %add3A_360, %select_n3A_341 : i32
      %mul3A_362 = arith.constant 4096 : i32
      %mul3A_363 = arith.muli %add3A_361, %mul3A_362 : i32
      %add3A_364 = arith.addi %mul3A_363, %mul3A_359 : i32
      %jit3A_365 = arith.constant 128 : i32
      %div3A_366 = arith.divsi %add3A_364, %jit3A_365 : i32
      %sign3A_367 = arith.constant 0 : i32
      %sign3A_368 = arith.cmpi sgt, %add3A_364, %sign3A_367 : i32
      %sign3A_369 = arith.extui %sign3A_368 : i1 to i32
      %sign3A_370 = arith.constant 0 : i32
      %sign3A_371 = arith.cmpi slt, %add3A_364, %sign3A_370 : i32
      %sign3A_372 = arith.extui %sign3A_371 : i1 to i32
      %sign3A_373 = arith.subi %sign3A_369, %sign3A_372 : i32
      %sign3A_374 = arith.constant 0 : i32
      %sign3A_375 = arith.cmpi sgt, %jit3A_365, %sign3A_374 : i32
      %sign3A_376 = arith.extui %sign3A_375 : i1 to i32
      %sign3A_377 = arith.constant 0 : i32
      %sign3A_378 = arith.cmpi slt, %jit3A_365, %sign3A_377 : i32
      %sign3A_379 = arith.extui %sign3A_378 : i1 to i32
      %sign3A_380 = arith.subi %sign3A_376, %sign3A_379 : i32
      %ne3A_381 = arith.cmpi ne, %sign3A_373, %sign3A_380 : i32
      %rem3A_382 = arith.remsi %add3A_364, %jit3A_365 : i32
      %ne3A_383 = arith.constant 0 : i32
      %ne3A_384 = arith.cmpi ne, %rem3A_382, %ne3A_383 : i32
      %and3A_385 = arith.andi %ne3A_381, %ne3A_384 : i1
      %sub3A_386 = arith.constant 1 : i32
      %sub3A_387 = arith.subi %div3A_366, %sub3A_386 : i32
      %select_n3A_388 = arith.select %and3A_385, %sub3A_387, %div3A_366 : i32
      %mul3A_389 = arith.constant 4096 : i32
      %mul3A_390 = arith.muli %add3A_361, %mul3A_389 : i32
      %add3A_391 = arith.constant 2048 : i32
      %add3A_392 = arith.addi %mul3A_390, %add3A_391 : i32
      %add3A_393 = arith.addi %add3A_392, %mul3A_359 : i32
      %jit3A_394 = arith.constant 128 : i32
      %div3A_395 = arith.divsi %add3A_393, %jit3A_394 : i32
      %sign3A_396 = arith.constant 0 : i32
      %sign3A_397 = arith.cmpi sgt, %add3A_393, %sign3A_396 : i32
      %sign3A_398 = arith.extui %sign3A_397 : i1 to i32
      %sign3A_399 = arith.constant 0 : i32
      %sign3A_400 = arith.cmpi slt, %add3A_393, %sign3A_399 : i32
      %sign3A_401 = arith.extui %sign3A_400 : i1 to i32
      %sign3A_402 = arith.subi %sign3A_398, %sign3A_401 : i32
      %sign3A_403 = arith.constant 0 : i32
      %sign3A_404 = arith.cmpi sgt, %jit3A_394, %sign3A_403 : i32
      %sign3A_405 = arith.extui %sign3A_404 : i1 to i32
      %sign3A_406 = arith.constant 0 : i32
      %sign3A_407 = arith.cmpi slt, %jit3A_394, %sign3A_406 : i32
      %sign3A_408 = arith.extui %sign3A_407 : i1 to i32
      %sign3A_409 = arith.subi %sign3A_405, %sign3A_408 : i32
      %ne3A_410 = arith.cmpi ne, %sign3A_402, %sign3A_409 : i32
      %rem3A_411 = arith.remsi %add3A_393, %jit3A_394 : i32
      %ne3A_412 = arith.constant 0 : i32
      %ne3A_413 = arith.cmpi ne, %rem3A_411, %ne3A_412 : i32
      %and3A_414 = arith.andi %ne3A_410, %ne3A_413 : i1
      %sub3A_415 = arith.constant 1 : i32
      %sub3A_416 = arith.subi %div3A_395, %sub3A_415 : i32
      %select_n3A_417 = arith.select %and3A_414, %sub3A_416, %div3A_395 : i32
      %mul3A_418 = arith.constant 2048 : i32
      %mul3A_419 = arith.muli %select_n3A_341, %mul3A_418 : i32
      %add3A_420 = arith.addi %mul3A_419, %mul3A_359 : i32
      %convert_element_type3A = arith.extui %gt3A_317 : i1 to i32
      %cond3A = arith.constant 0 : i32
      %cond3A_421 = arith.cmpi ne, %convert_element_type3A, %cond3A : i32
      scf.if %cond3A_421 {
        %dma_wait3A_779 = arith.constant 0 : i32
        %dma_wait3A_780 = arith.constant 0 : i32
        %dma_wait3A_781 = arith.constant 0 : i32
        %dma_wait3A_782 = tpu.memref_slice %arg7[%dma_wait3A_779, %dma_wait3A_780, %dma_wait3A_781] : memref<2x256x64xf32, #tpu.memory_space<vmem>> -> memref<1x256x64xf32, #tpu.memory_space<vmem>>
        %dma_wait3A_783 = tpu.memref_squeeze %dma_wait3A_782 : memref<1x256x64xf32, #tpu.memory_space<vmem>> -> memref<256x64xf32, #tpu.memory_space<vmem>>
        %dma_wait3A_784 = arith.constant 0 : i32
        %dma_wait3A_785 = tpu.memref_slice %arg4[%add3A_420, %dma_wait3A_784] : memref<204800x128xf32, #tpu.memory_space<hbm>> -> memref<256x64xf32, #tpu.memory_space<hbm>>
        %dma_wait3A_786 = arith.constant 0 : i32
        %dma_wait3A_787 = tpu.memref_slice %arg4[%add3A_420, %dma_wait3A_786] : memref<204800x128xf32, #tpu.memory_space<hbm>> -> memref<256x64xf32, #tpu.memory_space<hbm>>
        %dma_wait3A_788 = arith.constant 0 : i32
        %dma_wait3A_789 = arith.constant 0 : i32
        %dma_wait3A_790 = tpu.memref_slice %arg7[%dma_wait3A_779, %dma_wait3A_788, %dma_wait3A_789] : memref<2x256x64xf32, #tpu.memory_space<vmem>> -> memref<1x256x64xf32, #tpu.memory_space<vmem>>
        %dma_wait3A_791 = tpu.memref_squeeze %dma_wait3A_790 : memref<1x256x64xf32, #tpu.memory_space<vmem>> -> memref<256x64xf32, #tpu.memory_space<vmem>>
        tpu.wait_dma2 semaphore(%arg11 : memref<!tpu.dma_semaphore, #tpu.memory_space<semaphore_mem>>) src(%dma_wait3A_791 : memref<256x64xf32, #tpu.memory_space<vmem>>) dst(%dma_wait3A_787 : memref<256x64xf32, #tpu.memory_space<hbm>>)
        %dma_wait3A_792 = arith.constant 1 : i32
        %dma_wait3A_793 = arith.constant 0 : i32
        %dma_wait3A_794 = arith.constant 0 : i32
        %dma_wait3A_795 = tpu.memref_slice %arg7[%dma_wait3A_792, %dma_wait3A_793, %dma_wait3A_794] : memref<2x256x64xf32, #tpu.memory_space<vmem>> -> memref<1x256x64xf32, #tpu.memory_space<vmem>>
        %dma_wait3A_796 = tpu.memref_squeeze %dma_wait3A_795 : memref<1x256x64xf32, #tpu.memory_space<vmem>> -> memref<256x64xf32, #tpu.memory_space<vmem>>
        %dma_wait3A_797 = arith.constant 64 : i32
        %dma_wait3A_798 = tpu.memref_slice %arg4[%add3A_420, %dma_wait3A_797] : memref<204800x128xf32, #tpu.memory_space<hbm>> -> memref<256x64xf32, #tpu.memory_space<hbm>>
        %dma_wait3A_799 = arith.constant 64 : i32
        %dma_wait3A_800 = tpu.memref_slice %arg4[%add3A_420, %dma_wait3A_799] : memref<204800x128xf32, #tpu.memory_space<hbm>> -> memref<256x64xf32, #tpu.memory_space<hbm>>
        %dma_wait3A_801 = arith.constant 0 : i32
        %dma_wait3A_802 = arith.constant 0 : i32
        %dma_wait3A_803 = tpu.memref_slice %arg7[%dma_wait3A_792, %dma_wait3A_801, %dma_wait3A_802] : memref<2x256x64xf32, #tpu.memory_space<vmem>> -> memref<1x256x64xf32, #tpu.memory_space<vmem>>
        %dma_wait3A_804 = tpu.memref_squeeze %dma_wait3A_803 : memref<1x256x64xf32, #tpu.memory_space<vmem>> -> memref<256x64xf32, #tpu.memory_space<vmem>>
        tpu.wait_dma2 semaphore(%arg11 : memref<!tpu.dma_semaphore, #tpu.memory_space<semaphore_mem>>) src(%dma_wait3A_804 : memref<256x64xf32, #tpu.memory_space<vmem>>) dst(%dma_wait3A_800 : memref<256x64xf32, #tpu.memory_space<hbm>>)
      } else {
      }
      "tpu.region"() ({
        %run_scoped3A = tpu.sem_alloc : memref<!tpu.dma_semaphore, #tpu.memory_space<semaphore_mem>>
        %dma_start3A_779 = arith.constant 0 : i32
        %dma_start3A_780 = arith.constant 0 : i32
        %dma_start3A_781 = tpu.memref_slice %arg5[%dma_start3A_779, %dma_start3A_780] : memref<4x128xi32, #tpu.memory_space<vmem>> -> memref<2x128xi32, #tpu.memory_space<vmem>>
        %dma_start3A_782 = arith.constant 0 : i32
        %dma_start3A_783 = tpu.memref_slice %arg2[%select_n3A_388, %dma_start3A_782] : memref<6400x128xi32, #tpu.memory_space<hbm>> -> memref<2x128xi32, #tpu.memory_space<hbm>>
        %dma_start3A_784 = arith.constant 0 : i32
        %dma_start3A_785 = arith.constant 0 : i32
        %dma_start3A_786 = tpu.memref_slice %arg5[%dma_start3A_784, %dma_start3A_785] : memref<4x128xi32, #tpu.memory_space<vmem>> -> memref<2x128xi32, #tpu.memory_space<vmem>>
        %dma_start3A_787 = arith.constant 0 : i32
        %dma_start3A_788 = tpu.memref_slice %arg2[%select_n3A_388, %dma_start3A_787] : memref<6400x128xi32, #tpu.memory_space<hbm>> -> memref<2x128xi32, #tpu.memory_space<hbm>>
        tpu.enqueue_dma source(%dma_start3A_788 : memref<2x128xi32, #tpu.memory_space<hbm>>) target(%dma_start3A_786 : memref<2x128xi32, #tpu.memory_space<vmem>>) target_semaphore(%run_scoped3A : memref<!tpu.dma_semaphore, #tpu.memory_space<semaphore_mem>>)
        %dma_wait3A_789 = arith.constant 0 : i32
        %dma_wait3A_790 = arith.constant 0 : i32
        %dma_wait3A_791 = tpu.memref_slice %arg5[%dma_wait3A_789, %dma_wait3A_790] : memref<4x128xi32, #tpu.memory_space<vmem>> -> memref<2x128xi32, #tpu.memory_space<vmem>>
        %dma_wait3A_792 = arith.constant 0 : i32
        %dma_wait3A_793 = tpu.memref_slice %arg2[%select_n3A_388, %dma_wait3A_792] : memref<6400x128xi32, #tpu.memory_space<hbm>> -> memref<2x128xi32, #tpu.memory_space<hbm>>
        %dma_wait3A_794 = arith.constant 0 : i32
        %dma_wait3A_795 = arith.constant 0 : i32
        %dma_wait3A_796 = tpu.memref_slice %arg5[%dma_wait3A_794, %dma_wait3A_795] : memref<4x128xi32, #tpu.memory_space<vmem>> -> memref<2x128xi32, #tpu.memory_space<vmem>>
        %dma_wait3A_797 = arith.constant 0 : i32
        %dma_wait3A_798 = tpu.memref_slice %arg2[%select_n3A_388, %dma_wait3A_797] : memref<6400x128xi32, #tpu.memory_space<hbm>> -> memref<2x128xi32, #tpu.memory_space<hbm>>
        tpu.wait_dma2 semaphore(%run_scoped3A : memref<!tpu.dma_semaphore, #tpu.memory_space<semaphore_mem>>) src(%dma_wait3A_798 : memref<2x128xi32, #tpu.memory_space<hbm>>) dst(%dma_wait3A_796 : memref<2x128xi32, #tpu.memory_space<vmem>>)
        tpu.yield
      }) : () -> ()
      "tpu.region"() ({
        %run_scoped3A = tpu.sem_alloc : memref<!tpu.dma_semaphore, #tpu.memory_space<semaphore_mem>>
        %dma_start3A_779 = arith.constant 2 : i32
        %dma_start3A_780 = arith.constant 0 : i32
        %dma_start3A_781 = tpu.memref_slice %arg5[%dma_start3A_779, %dma_start3A_780] : memref<4x128xi32, #tpu.memory_space<vmem>> -> memref<2x128xi32, #tpu.memory_space<vmem>>
        %dma_start3A_782 = arith.constant 0 : i32
        %dma_start3A_783 = tpu.memref_slice %arg2[%select_n3A_417, %dma_start3A_782] : memref<6400x128xi32, #tpu.memory_space<hbm>> -> memref<2x128xi32, #tpu.memory_space<hbm>>
        %dma_start3A_784 = arith.constant 2 : i32
        %dma_start3A_785 = arith.constant 0 : i32
        %dma_start3A_786 = tpu.memref_slice %arg5[%dma_start3A_784, %dma_start3A_785] : memref<4x128xi32, #tpu.memory_space<vmem>> -> memref<2x128xi32, #tpu.memory_space<vmem>>
        %dma_start3A_787 = arith.constant 0 : i32
        %dma_start3A_788 = tpu.memref_slice %arg2[%select_n3A_417, %dma_start3A_787] : memref<6400x128xi32, #tpu.memory_space<hbm>> -> memref<2x128xi32, #tpu.memory_space<hbm>>
        tpu.enqueue_dma source(%dma_start3A_788 : memref<2x128xi32, #tpu.memory_space<hbm>>) target(%dma_start3A_786 : memref<2x128xi32, #tpu.memory_space<vmem>>) target_semaphore(%run_scoped3A : memref<!tpu.dma_semaphore, #tpu.memory_space<semaphore_mem>>)
        %dma_wait3A_789 = arith.constant 2 : i32
        %dma_wait3A_790 = arith.constant 0 : i32
        %dma_wait3A_791 = tpu.memref_slice %arg5[%dma_wait3A_789, %dma_wait3A_790] : memref<4x128xi32, #tpu.memory_space<vmem>> -> memref<2x128xi32, #tpu.memory_space<vmem>>
        %dma_wait3A_792 = arith.constant 0 : i32
        %dma_wait3A_793 = tpu.memref_slice %arg2[%select_n3A_417, %dma_wait3A_792] : memref<6400x128xi32, #tpu.memory_space<hbm>> -> memref<2x128xi32, #tpu.memory_space<hbm>>
        %dma_wait3A_794 = arith.constant 2 : i32
        %dma_wait3A_795 = arith.constant 0 : i32
        %dma_wait3A_796 = tpu.memref_slice %arg5[%dma_wait3A_794, %dma_wait3A_795] : memref<4x128xi32, #tpu.memory_space<vmem>> -> memref<2x128xi32, #tpu.memory_space<vmem>>
        %dma_wait3A_797 = arith.constant 0 : i32
        %dma_wait3A_798 = tpu.memref_slice %arg2[%select_n3A_417, %dma_wait3A_797] : memref<6400x128xi32, #tpu.memory_space<hbm>> -> memref<2x128xi32, #tpu.memory_space<hbm>>
        tpu.wait_dma2 semaphore(%run_scoped3A : memref<!tpu.dma_semaphore, #tpu.memory_space<semaphore_mem>>) src(%dma_wait3A_798 : memref<2x128xi32, #tpu.memory_space<hbm>>) dst(%dma_wait3A_796 : memref<2x128xi32, #tpu.memory_space<vmem>>)
        tpu.yield
      }) : () -> ()
      %dma_start3A_422 = arith.constant 0 : i32
      %dma_start3A_423 = arith.constant 0 : i32
      %dma_start3A_424 = arith.constant 0 : i32
      %dma_start3A_425 = arith.constant 0 : i32
      %dma_start3A_426 = tpu.memref_slice %arg7[%dma_start3A_423, %dma_start3A_424, %dma_start3A_425] : memref<2x256x64xf32, #tpu.memory_space<vmem>> -> memref<1x128x64xf32, #tpu.memory_space<vmem>>
      %dma_start3A_427 = tpu.memref_squeeze %dma_start3A_426 : memref<1x128x64xf32, #tpu.memory_space<vmem>> -> memref<128x64xf32, #tpu.memory_space<vmem>>
      %dma_start3A_428 = arith.constant 0 : i32
      %dma_start3A_429 = tpu.memref_slice %arg5[%dma_start3A_422, %dma_start3A_428] : memref<4x128xi32, #tpu.memory_space<vmem>> -> memref<1x128xi32, #tpu.memory_space<vmem>>
      %dma_start3A_430 = tpu.memref_squeeze %dma_start3A_429 : memref<1x128xi32, #tpu.memory_space<vmem>> -> memref<128xi32, #tpu.memory_space<vmem>>
      %dma_start3A_431 = arith.constant 0 : i32
      %dma_start3A_432 = arith.constant 0 : i32
      %dma_start3A_433 = tpu.memref_slice %arg3[%dma_start3A_431, %dma_start3A_432] : memref<1015808x64xf32, #tpu.memory_space<hbm>> -> memref<1015808x64xf32, #tpu.memory_space<hbm>>
      tpu.enqueue_indirect_dma source(%dma_start3A_433 : memref<1015808x64xf32, #tpu.memory_space<hbm>>) target(%dma_start3A_427 : memref<128x64xf32, #tpu.memory_space<vmem>>) offsets(%dma_start3A_430 : memref<128xi32, #tpu.memory_space<vmem>>) semaphore(%arg9 : memref<!tpu.dma_semaphore, #tpu.memory_space<semaphore_mem>>)
      %dma_start3A_434 = arith.constant 1 : i32
      %dma_start3A_435 = arith.constant 0 : i32
      %dma_start3A_436 = arith.constant 128 : i32
      %dma_start3A_437 = arith.constant 0 : i32
      %dma_start3A_438 = tpu.memref_slice %arg7[%dma_start3A_435, %dma_start3A_436, %dma_start3A_437] : memref<2x256x64xf32, #tpu.memory_space<vmem>> -> memref<1x128x64xf32, #tpu.memory_space<vmem>>
      %dma_start3A_439 = tpu.memref_squeeze %dma_start3A_438 : memref<1x128x64xf32, #tpu.memory_space<vmem>> -> memref<128x64xf32, #tpu.memory_space<vmem>>
      %dma_start3A_440 = arith.constant 0 : i32
      %dma_start3A_441 = tpu.memref_slice %arg5[%dma_start3A_434, %dma_start3A_440] : memref<4x128xi32, #tpu.memory_space<vmem>> -> memref<1x128xi32, #tpu.memory_space<vmem>>
      %dma_start3A_442 = tpu.memref_squeeze %dma_start3A_441 : memref<1x128xi32, #tpu.memory_space<vmem>> -> memref<128xi32, #tpu.memory_space<vmem>>
      %dma_start3A_443 = arith.constant 0 : i32
      %dma_start3A_444 = arith.constant 0 : i32
      %dma_start3A_445 = tpu.memref_slice %arg3[%dma_start3A_443, %dma_start3A_444] : memref<1015808x64xf32, #tpu.memory_space<hbm>> -> memref<1015808x64xf32, #tpu.memory_space<hbm>>
      tpu.enqueue_indirect_dma source(%dma_start3A_445 : memref<1015808x64xf32, #tpu.memory_space<hbm>>) target(%dma_start3A_439 : memref<128x64xf32, #tpu.memory_space<vmem>>) offsets(%dma_start3A_442 : memref<128xi32, #tpu.memory_space<vmem>>) semaphore(%arg9 : memref<!tpu.dma_semaphore, #tpu.memory_space<semaphore_mem>>)
      %dma_start3A_446 = arith.constant 2 : i32
      %dma_start3A_447 = arith.constant 1 : i32
      %dma_start3A_448 = arith.constant 0 : i32
      %dma_start3A_449 = arith.constant 0 : i32
      %dma_start3A_450 = tpu.memref_slice %arg7[%dma_start3A_447, %dma_start3A_448, %dma_start3A_449] : memref<2x256x64xf32, #tpu.memory_space<vmem>> -> memref<1x128x64xf32, #tpu.memory_space<vmem>>
      %dma_start3A_451 = tpu.memref_squeeze %dma_start3A_450 : memref<1x128x64xf32, #tpu.memory_space<vmem>> -> memref<128x64xf32, #tpu.memory_space<vmem>>
      %dma_start3A_452 = arith.constant 0 : i32
      %dma_start3A_453 = tpu.memref_slice %arg5[%dma_start3A_446, %dma_start3A_452] : memref<4x128xi32, #tpu.memory_space<vmem>> -> memref<1x128xi32, #tpu.memory_space<vmem>>
      %dma_start3A_454 = tpu.memref_squeeze %dma_start3A_453 : memref<1x128xi32, #tpu.memory_space<vmem>> -> memref<128xi32, #tpu.memory_space<vmem>>
      %dma_start3A_455 = arith.constant 0 : i32
      %dma_start3A_456 = arith.constant 0 : i32
      %dma_start3A_457 = tpu.memref_slice %arg3[%dma_start3A_455, %dma_start3A_456] : memref<1015808x64xf32, #tpu.memory_space<hbm>> -> memref<1015808x64xf32, #tpu.memory_space<hbm>>
      tpu.enqueue_indirect_dma source(%dma_start3A_457 : memref<1015808x64xf32, #tpu.memory_space<hbm>>) target(%dma_start3A_451 : memref<128x64xf32, #tpu.memory_space<vmem>>) offsets(%dma_start3A_454 : memref<128xi32, #tpu.memory_space<vmem>>) semaphore(%arg9 : memref<!tpu.dma_semaphore, #tpu.memory_space<semaphore_mem>>)
      %dma_start3A_458 = arith.constant 3 : i32
      %dma_start3A_459 = arith.constant 1 : i32
      %dma_start3A_460 = arith.constant 128 : i32
      %dma_start3A_461 = arith.constant 0 : i32
      %dma_start3A_462 = tpu.memref_slice %arg7[%dma_start3A_459, %dma_start3A_460, %dma_start3A_461] : memref<2x256x64xf32, #tpu.memory_space<vmem>> -> memref<1x128x64xf32, #tpu.memory_space<vmem>>
      %dma_start3A_463 = tpu.memref_squeeze %dma_start3A_462 : memref<1x128x64xf32, #tpu.memory_space<vmem>> -> memref<128x64xf32, #tpu.memory_space<vmem>>
      %dma_start3A_464 = arith.constant 0 : i32
      %dma_start3A_465 = tpu.memref_slice %arg5[%dma_start3A_458, %dma_start3A_464] : memref<4x128xi32, #tpu.memory_space<vmem>> -> memref<1x128xi32, #tpu.memory_space<vmem>>
      %dma_start3A_466 = tpu.memref_squeeze %dma_start3A_465 : memref<1x128xi32, #tpu.memory_space<vmem>> -> memref<128xi32, #tpu.memory_space<vmem>>
      %dma_start3A_467 = arith.constant 0 : i32
      %dma_start3A_468 = arith.constant 0 : i32
      %dma_start3A_469 = tpu.memref_slice %arg3[%dma_start3A_467, %dma_start3A_468] : memref<1015808x64xf32, #tpu.memory_space<hbm>> -> memref<1015808x64xf32, #tpu.memory_space<hbm>>
      tpu.enqueue_indirect_dma source(%dma_start3A_469 : memref<1015808x64xf32, #tpu.memory_space<hbm>>) target(%dma_start3A_463 : memref<128x64xf32, #tpu.memory_space<vmem>>) offsets(%dma_start3A_466 : memref<128xi32, #tpu.memory_space<vmem>>) semaphore(%arg9 : memref<!tpu.dma_semaphore, #tpu.memory_space<semaphore_mem>>)
      %dma_wait3A_470 = arith.constant 0 : i32
      %dma_wait3A_471 = arith.constant 0 : i32
      %dma_wait3A_472 = arith.constant 0 : i32
      %dma_wait3A_473 = arith.constant 0 : i32
      %dma_wait3A_474 = tpu.memref_slice %arg7[%dma_wait3A_471, %dma_wait3A_472, %dma_wait3A_473] : memref<2x256x64xf32, #tpu.memory_space<vmem>> -> memref<1x128x64xf32, #tpu.memory_space<vmem>>
      %dma_wait3A_475 = tpu.memref_squeeze %dma_wait3A_474 : memref<1x128x64xf32, #tpu.memory_space<vmem>> -> memref<128x64xf32, #tpu.memory_space<vmem>>
      %dma_wait3A_476 = arith.constant 0 : i32
      %dma_wait3A_477 = tpu.memref_slice %arg5[%dma_wait3A_470, %dma_wait3A_476] : memref<4x128xi32, #tpu.memory_space<vmem>> -> memref<1x128xi32, #tpu.memory_space<vmem>>
      %dma_wait3A_478 = tpu.memref_squeeze %dma_wait3A_477 : memref<1x128xi32, #tpu.memory_space<vmem>> -> memref<128xi32, #tpu.memory_space<vmem>>
      %dma_wait3A_479 = arith.constant 0 : i32
      %dma_wait3A_480 = arith.constant 0 : i32
      %dma_wait3A_481 = tpu.memref_slice %arg3[%dma_wait3A_479, %dma_wait3A_480] : memref<1015808x64xf32, #tpu.memory_space<hbm>> -> memref<1015808x64xf32, #tpu.memory_space<hbm>>
      tpu.wait_indirect_dma semaphore(%arg9 : memref<!tpu.dma_semaphore, #tpu.memory_space<semaphore_mem>>) src(%dma_wait3A_481 : memref<1015808x64xf32, #tpu.memory_space<hbm>>) dst(%dma_wait3A_475 : memref<128x64xf32, #tpu.memory_space<vmem>>)
      %dma_wait3A_482 = arith.constant 1 : i32
      %dma_wait3A_483 = arith.constant 0 : i32
      %dma_wait3A_484 = arith.constant 128 : i32
      %dma_wait3A_485 = arith.constant 0 : i32
      %dma_wait3A_486 = tpu.memref_slice %arg7[%dma_wait3A_483, %dma_wait3A_484, %dma_wait3A_485] : memref<2x256x64xf32, #tpu.memory_space<vmem>> -> memref<1x128x64xf32, #tpu.memory_space<vmem>>
      %dma_wait3A_487 = tpu.memref_squeeze %dma_wait3A_486 : memref<1x128x64xf32, #tpu.memory_space<vmem>> -> memref<128x64xf32, #tpu.memory_space<vmem>>
      %dma_wait3A_488 = arith.constant 0 : i32
      %dma_wait3A_489 = tpu.memref_slice %arg5[%dma_wait3A_482, %dma_wait3A_488] : memref<4x128xi32, #tpu.memory_space<vmem>> -> memref<1x128xi32, #tpu.memory_space<vmem>>
      %dma_wait3A_490 = tpu.memref_squeeze %dma_wait3A_489 : memref<1x128xi32, #tpu.memory_space<vmem>> -> memref<128xi32, #tpu.memory_space<vmem>>
      %dma_wait3A_491 = arith.constant 0 : i32
      %dma_wait3A_492 = arith.constant 0 : i32
      %dma_wait3A_493 = tpu.memref_slice %arg3[%dma_wait3A_491, %dma_wait3A_492] : memref<1015808x64xf32, #tpu.memory_space<hbm>> -> memref<1015808x64xf32, #tpu.memory_space<hbm>>
      tpu.wait_indirect_dma semaphore(%arg9 : memref<!tpu.dma_semaphore, #tpu.memory_space<semaphore_mem>>) src(%dma_wait3A_493 : memref<1015808x64xf32, #tpu.memory_space<hbm>>) dst(%dma_wait3A_487 : memref<128x64xf32, #tpu.memory_space<vmem>>)
      %dma_wait3A_494 = arith.constant 2 : i32
      %dma_wait3A_495 = arith.constant 1 : i32
      %dma_wait3A_496 = arith.constant 0 : i32
      %dma_wait3A_497 = arith.constant 0 : i32
      %dma_wait3A_498 = tpu.memref_slice %arg7[%dma_wait3A_495, %dma_wait3A_496, %dma_wait3A_497] : memref<2x256x64xf32, #tpu.memory_space<vmem>> -> memref<1x128x64xf32, #tpu.memory_space<vmem>>
      %dma_wait3A_499 = tpu.memref_squeeze %dma_wait3A_498 : memref<1x128x64xf32, #tpu.memory_space<vmem>> -> memref<128x64xf32, #tpu.memory_space<vmem>>
      %dma_wait3A_500 = arith.constant 0 : i32
      %dma_wait3A_501 = tpu.memref_slice %arg5[%dma_wait3A_494, %dma_wait3A_500] : memref<4x128xi32, #tpu.memory_space<vmem>> -> memref<1x128xi32, #tpu.memory_space<vmem>>
      %dma_wait3A_502 = tpu.memref_squeeze %dma_wait3A_501 : memref<1x128xi32, #tpu.memory_space<vmem>> -> memref<128xi32, #tpu.memory_space<vmem>>
      %dma_wait3A_503 = arith.constant 0 : i32
      %dma_wait3A_504 = arith.constant 0 : i32
      %dma_wait3A_505 = tpu.memref_slice %arg3[%dma_wait3A_503, %dma_wait3A_504] : memref<1015808x64xf32, #tpu.memory_space<hbm>> -> memref<1015808x64xf32, #tpu.memory_space<hbm>>
      tpu.wait_indirect_dma semaphore(%arg9 : memref<!tpu.dma_semaphore, #tpu.memory_space<semaphore_mem>>) src(%dma_wait3A_505 : memref<1015808x64xf32, #tpu.memory_space<hbm>>) dst(%dma_wait3A_499 : memref<128x64xf32, #tpu.memory_space<vmem>>)
      %dma_wait3A_506 = arith.constant 3 : i32
      %dma_wait3A_507 = arith.constant 1 : i32
      %dma_wait3A_508 = arith.constant 128 : i32
      %dma_wait3A_509 = arith.constant 0 : i32
      %dma_wait3A_510 = tpu.memref_slice %arg7[%dma_wait3A_507, %dma_wait3A_508, %dma_wait3A_509] : memref<2x256x64xf32, #tpu.memory_space<vmem>> -> memref<1x128x64xf32, #tpu.memory_space<vmem>>
      %dma_wait3A_511 = tpu.memref_squeeze %dma_wait3A_510 : memref<1x128x64xf32, #tpu.memory_space<vmem>> -> memref<128x64xf32, #tpu.memory_space<vmem>>
      %dma_wait3A_512 = arith.constant 0 : i32
      %dma_wait3A_513 = tpu.memref_slice %arg5[%dma_wait3A_506, %dma_wait3A_512] : memref<4x128xi32, #tpu.memory_space<vmem>> -> memref<1x128xi32, #tpu.memory_space<vmem>>
      %dma_wait3A_514 = tpu.memref_squeeze %dma_wait3A_513 : memref<1x128xi32, #tpu.memory_space<vmem>> -> memref<128xi32, #tpu.memory_space<vmem>>
      %dma_wait3A_515 = arith.constant 0 : i32
      %dma_wait3A_516 = arith.constant 0 : i32
      %dma_wait3A_517 = tpu.memref_slice %arg3[%dma_wait3A_515, %dma_wait3A_516] : memref<1015808x64xf32, #tpu.memory_space<hbm>> -> memref<1015808x64xf32, #tpu.memory_space<hbm>>
      tpu.wait_indirect_dma semaphore(%arg9 : memref<!tpu.dma_semaphore, #tpu.memory_space<semaphore_mem>>) src(%dma_wait3A_517 : memref<1015808x64xf32, #tpu.memory_space<hbm>>) dst(%dma_wait3A_511 : memref<128x64xf32, #tpu.memory_space<vmem>>)
      %dma_start3A_518 = arith.constant 0 : i32
      %dma_start3A_519 = arith.constant 0 : i32
      %dma_start3A_520 = arith.constant 0 : i32
      %dma_start3A_521 = tpu.memref_slice %arg7[%dma_start3A_518, %dma_start3A_519, %dma_start3A_520] : memref<2x256x64xf32, #tpu.memory_space<vmem>> -> memref<1x256x64xf32, #tpu.memory_space<vmem>>
      %dma_start3A_522 = tpu.memref_squeeze %dma_start3A_521 : memref<1x256x64xf32, #tpu.memory_space<vmem>> -> memref<256x64xf32, #tpu.memory_space<vmem>>
      %dma_start3A_523 = arith.constant 0 : i32
      %dma_start3A_524 = tpu.memref_slice %arg4[%add3A_420, %dma_start3A_523] : memref<204800x128xf32, #tpu.memory_space<hbm>> -> memref<256x64xf32, #tpu.memory_space<hbm>>
      %dma_start3A_525 = arith.constant 0 : i32
      %dma_start3A_526 = tpu.memref_slice %arg4[%add3A_420, %dma_start3A_525] : memref<204800x128xf32, #tpu.memory_space<hbm>> -> memref<256x64xf32, #tpu.memory_space<hbm>>
      %dma_start3A_527 = arith.constant 0 : i32
      %dma_start3A_528 = arith.constant 0 : i32
      %dma_start3A_529 = tpu.memref_slice %arg7[%dma_start3A_518, %dma_start3A_527, %dma_start3A_528] : memref<2x256x64xf32, #tpu.memory_space<vmem>> -> memref<1x256x64xf32, #tpu.memory_space<vmem>>
      %dma_start3A_530 = tpu.memref_squeeze %dma_start3A_529 : memref<1x256x64xf32, #tpu.memory_space<vmem>> -> memref<256x64xf32, #tpu.memory_space<vmem>>
      tpu.enqueue_dma source(%dma_start3A_530 : memref<256x64xf32, #tpu.memory_space<vmem>>) target(%dma_start3A_526 : memref<256x64xf32, #tpu.memory_space<hbm>>) target_semaphore(%arg11 : memref<!tpu.dma_semaphore, #tpu.memory_space<semaphore_mem>>)
      %dma_start3A_531 = arith.constant 1 : i32
      %dma_start3A_532 = arith.constant 0 : i32
      %dma_start3A_533 = arith.constant 0 : i32
      %dma_start3A_534 = tpu.memref_slice %arg7[%dma_start3A_531, %dma_start3A_532, %dma_start3A_533] : memref<2x256x64xf32, #tpu.memory_space<vmem>> -> memref<1x256x64xf32, #tpu.memory_space<vmem>>
      %dma_start3A_535 = tpu.memref_squeeze %dma_start3A_534 : memref<1x256x64xf32, #tpu.memory_space<vmem>> -> memref<256x64xf32, #tpu.memory_space<vmem>>
      %dma_start3A_536 = arith.constant 64 : i32
      %dma_start3A_537 = tpu.memref_slice %arg4[%add3A_420, %dma_start3A_536] : memref<204800x128xf32, #tpu.memory_space<hbm>> -> memref<256x64xf32, #tpu.memory_space<hbm>>
      %dma_start3A_538 = arith.constant 64 : i32
      %dma_start3A_539 = tpu.memref_slice %arg4[%add3A_420, %dma_start3A_538] : memref<204800x128xf32, #tpu.memory_space<hbm>> -> memref<256x64xf32, #tpu.memory_space<hbm>>
      %dma_start3A_540 = arith.constant 0 : i32
      %dma_start3A_541 = arith.constant 0 : i32
      %dma_start3A_542 = tpu.memref_slice %arg7[%dma_start3A_531, %dma_start3A_540, %dma_start3A_541] : memref<2x256x64xf32, #tpu.memory_space<vmem>> -> memref<1x256x64xf32, #tpu.memory_space<vmem>>
      %dma_start3A_543 = tpu.memref_squeeze %dma_start3A_542 : memref<1x256x64xf32, #tpu.memory_space<vmem>> -> memref<256x64xf32, #tpu.memory_space<vmem>>
      tpu.enqueue_dma source(%dma_start3A_543 : memref<256x64xf32, #tpu.memory_space<vmem>>) target(%dma_start3A_539 : memref<256x64xf32, #tpu.memory_space<hbm>>) target_semaphore(%arg11 : memref<!tpu.dma_semaphore, #tpu.memory_space<semaphore_mem>>)
      %mul3A_544 = arith.constant 2 : i32
      %mul3A_545 = arith.muli %mul3A_544, %scan3A_311 : i32
      %add3A_546 = arith.addi %mul3A_2, %mul3A_545 : i32
      %add3A_547 = arith.constant 1 : i32
      %add3A_548 = arith.addi %add3A_546, %add3A_547 : i32
      %gt3A_549 = arith.constant 0 : i32
      %gt3A_550 = arith.cmpi sgt, %scan3A_311, %gt3A_549 : i32
      %jit3A_551 = arith.constant 8 : i32
      %div3A_552 = arith.divsi %add3A_548, %jit3A_551 : i32
      %sign3A_553 = arith.constant 0 : i32
      %sign3A_554 = arith.cmpi sgt, %add3A_548, %sign3A_553 : i32
      %sign3A_555 = arith.extui %sign3A_554 : i1 to i32
      %sign3A_556 = arith.constant 0 : i32
      %sign3A_557 = arith.cmpi slt, %add3A_548, %sign3A_556 : i32
      %sign3A_558 = arith.extui %sign3A_557 : i1 to i32
      %sign3A_559 = arith.subi %sign3A_555, %sign3A_558 : i32
      %sign3A_560 = arith.constant 0 : i32
      %sign3A_561 = arith.cmpi sgt, %jit3A_551, %sign3A_560 : i32
      %sign3A_562 = arith.extui %sign3A_561 : i1 to i32
      %sign3A_563 = arith.constant 0 : i32
      %sign3A_564 = arith.cmpi slt, %jit3A_551, %sign3A_563 : i32
      %sign3A_565 = arith.extui %sign3A_564 : i1 to i32
      %sign3A_566 = arith.subi %sign3A_562, %sign3A_565 : i32
      %ne3A_567 = arith.cmpi ne, %sign3A_559, %sign3A_566 : i32
      %rem3A_568 = arith.remsi %add3A_548, %jit3A_551 : i32
      %ne3A_569 = arith.constant 0 : i32
      %ne3A_570 = arith.cmpi ne, %rem3A_568, %ne3A_569 : i32
      %and3A_571 = arith.andi %ne3A_567, %ne3A_570 : i1
      %sub3A_572 = arith.constant 1 : i32
      %sub3A_573 = arith.subi %div3A_552, %sub3A_572 : i32
      %select_n3A_574 = arith.select %and3A_571, %sub3A_573, %div3A_552 : i32
      %jit3A_575 = arith.constant 8 : i32
      %eq3A_576 = arith.constant 0 : i32
      %eq3A_577 = arith.cmpi eq, %jit3A_575, %eq3A_576 : i32
      %jit3A_578 = arith.constant 1 : i32
      %select_n3A_579 = arith.select %eq3A_577, %jit3A_578, %jit3A_575 : i32
      %rem3A_580 = arith.remsi %add3A_548, %select_n3A_579 : i32
      %ne3A_581 = arith.constant 0 : i32
      %ne3A_582 = arith.cmpi ne, %rem3A_580, %ne3A_581 : i32
      %lt3A_583 = arith.constant 0 : i32
      %lt3A_584 = arith.cmpi slt, %rem3A_580, %lt3A_583 : i32
      %lt3A_585 = arith.constant 0 : i32
      %lt3A_586 = arith.cmpi slt, %select_n3A_579, %lt3A_585 : i32
      %ne3A_587 = arith.xori %lt3A_584, %lt3A_586 : i1
      %and3A_588 = arith.andi %ne3A_587, %ne3A_582 : i1
      %add3A_589 = arith.addi %rem3A_580, %select_n3A_579 : i32
      %select_n3A_590 = arith.select %and3A_588, %add3A_589, %rem3A_580 : i32
      %mul3A_591 = arith.constant 256 : i32
      %mul3A_592 = arith.muli %select_n3A_590, %mul3A_591 : i32
      %add3A_593 = arith.constant 100 : i32
      %add3A_594 = arith.addi %add3A_593, %select_n3A_574 : i32
      %mul3A_595 = arith.constant 4096 : i32
      %mul3A_596 = arith.muli %add3A_594, %mul3A_595 : i32
      %add3A_597 = arith.addi %mul3A_596, %mul3A_592 : i32
      %jit3A_598 = arith.constant 128 : i32
      %div3A_599 = arith.divsi %add3A_597, %jit3A_598 : i32
      %sign3A_600 = arith.constant 0 : i32
      %sign3A_601 = arith.cmpi sgt, %add3A_597, %sign3A_600 : i32
      %sign3A_602 = arith.extui %sign3A_601 : i1 to i32
      %sign3A_603 = arith.constant 0 : i32
      %sign3A_604 = arith.cmpi slt, %add3A_597, %sign3A_603 : i32
      %sign3A_605 = arith.extui %sign3A_604 : i1 to i32
      %sign3A_606 = arith.subi %sign3A_602, %sign3A_605 : i32
      %sign3A_607 = arith.constant 0 : i32
      %sign3A_608 = arith.cmpi sgt, %jit3A_598, %sign3A_607 : i32
      %sign3A_609 = arith.extui %sign3A_608 : i1 to i32
      %sign3A_610 = arith.constant 0 : i32
      %sign3A_611 = arith.cmpi slt, %jit3A_598, %sign3A_610 : i32
      %sign3A_612 = arith.extui %sign3A_611 : i1 to i32
      %sign3A_613 = arith.subi %sign3A_609, %sign3A_612 : i32
      %ne3A_614 = arith.cmpi ne, %sign3A_606, %sign3A_613 : i32
      %rem3A_615 = arith.remsi %add3A_597, %jit3A_598 : i32
      %ne3A_616 = arith.constant 0 : i32
      %ne3A_617 = arith.cmpi ne, %rem3A_615, %ne3A_616 : i32
      %and3A_618 = arith.andi %ne3A_614, %ne3A_617 : i1
      %sub3A_619 = arith.constant 1 : i32
      %sub3A_620 = arith.subi %div3A_599, %sub3A_619 : i32
      %select_n3A_621 = arith.select %and3A_618, %sub3A_620, %div3A_599 : i32
      %mul3A_622 = arith.constant 4096 : i32
      %mul3A_623 = arith.muli %add3A_594, %mul3A_622 : i32
      %add3A_624 = arith.constant 2048 : i32
      %add3A_625 = arith.addi %mul3A_623, %add3A_624 : i32
      %add3A_626 = arith.addi %add3A_625, %mul3A_592 : i32
      %jit3A_627 = arith.constant 128 : i32
      %div3A_628 = arith.divsi %add3A_626, %jit3A_627 : i32
      %sign3A_629 = arith.constant 0 : i32
      %sign3A_630 = arith.cmpi sgt, %add3A_626, %sign3A_629 : i32
      %sign3A_631 = arith.extui %sign3A_630 : i1 to i32
      %sign3A_632 = arith.constant 0 : i32
      %sign3A_633 = arith.cmpi slt, %add3A_626, %sign3A_632 : i32
      %sign3A_634 = arith.extui %sign3A_633 : i1 to i32
      %sign3A_635 = arith.subi %sign3A_631, %sign3A_634 : i32
      %sign3A_636 = arith.constant 0 : i32
      %sign3A_637 = arith.cmpi sgt, %jit3A_627, %sign3A_636 : i32
      %sign3A_638 = arith.extui %sign3A_637 : i1 to i32
      %sign3A_639 = arith.constant 0 : i32
      %sign3A_640 = arith.cmpi slt, %jit3A_627, %sign3A_639 : i32
      %sign3A_641 = arith.extui %sign3A_640 : i1 to i32
      %sign3A_642 = arith.subi %sign3A_638, %sign3A_641 : i32
      %ne3A_643 = arith.cmpi ne, %sign3A_635, %sign3A_642 : i32
      %rem3A_644 = arith.remsi %add3A_626, %jit3A_627 : i32
      %ne3A_645 = arith.constant 0 : i32
      %ne3A_646 = arith.cmpi ne, %rem3A_644, %ne3A_645 : i32
      %and3A_647 = arith.andi %ne3A_643, %ne3A_646 : i1
      %sub3A_648 = arith.constant 1 : i32
      %sub3A_649 = arith.subi %div3A_628, %sub3A_648 : i32
      %select_n3A_650 = arith.select %and3A_647, %sub3A_649, %div3A_628 : i32
      %mul3A_651 = arith.constant 2048 : i32
      %mul3A_652 = arith.muli %select_n3A_574, %mul3A_651 : i32
      %add3A_653 = arith.addi %mul3A_652, %mul3A_592 : i32
      %convert_element_type3A_654 = arith.extui %gt3A_550 : i1 to i32
      %cond3A_655 = arith.constant 0 : i32
      %cond3A_656 = arith.cmpi ne, %convert_element_type3A_654, %cond3A_655 : i32
      scf.if %cond3A_656 {
        %dma_wait3A_779 = arith.constant 0 : i32
        %dma_wait3A_780 = arith.constant 0 : i32
        %dma_wait3A_781 = arith.constant 0 : i32
        %dma_wait3A_782 = tpu.memref_slice %arg8[%dma_wait3A_779, %dma_wait3A_780, %dma_wait3A_781] : memref<2x256x64xf32, #tpu.memory_space<vmem>> -> memref<1x256x64xf32, #tpu.memory_space<vmem>>
        %dma_wait3A_783 = tpu.memref_squeeze %dma_wait3A_782 : memref<1x256x64xf32, #tpu.memory_space<vmem>> -> memref<256x64xf32, #tpu.memory_space<vmem>>
        %dma_wait3A_784 = arith.constant 0 : i32
        %dma_wait3A_785 = tpu.memref_slice %arg4[%add3A_653, %dma_wait3A_784] : memref<204800x128xf32, #tpu.memory_space<hbm>> -> memref<256x64xf32, #tpu.memory_space<hbm>>
        %dma_wait3A_786 = arith.constant 0 : i32
        %dma_wait3A_787 = tpu.memref_slice %arg4[%add3A_653, %dma_wait3A_786] : memref<204800x128xf32, #tpu.memory_space<hbm>> -> memref<256x64xf32, #tpu.memory_space<hbm>>
        %dma_wait3A_788 = arith.constant 0 : i32
        %dma_wait3A_789 = arith.constant 0 : i32
        %dma_wait3A_790 = tpu.memref_slice %arg8[%dma_wait3A_779, %dma_wait3A_788, %dma_wait3A_789] : memref<2x256x64xf32, #tpu.memory_space<vmem>> -> memref<1x256x64xf32, #tpu.memory_space<vmem>>
        %dma_wait3A_791 = tpu.memref_squeeze %dma_wait3A_790 : memref<1x256x64xf32, #tpu.memory_space<vmem>> -> memref<256x64xf32, #tpu.memory_space<vmem>>
        tpu.wait_dma2 semaphore(%arg12 : memref<!tpu.dma_semaphore, #tpu.memory_space<semaphore_mem>>) src(%dma_wait3A_791 : memref<256x64xf32, #tpu.memory_space<vmem>>) dst(%dma_wait3A_787 : memref<256x64xf32, #tpu.memory_space<hbm>>)
        %dma_wait3A_792 = arith.constant 1 : i32
        %dma_wait3A_793 = arith.constant 0 : i32
        %dma_wait3A_794 = arith.constant 0 : i32
        %dma_wait3A_795 = tpu.memref_slice %arg8[%dma_wait3A_792, %dma_wait3A_793, %dma_wait3A_794] : memref<2x256x64xf32, #tpu.memory_space<vmem>> -> memref<1x256x64xf32, #tpu.memory_space<vmem>>
        %dma_wait3A_796 = tpu.memref_squeeze %dma_wait3A_795 : memref<1x256x64xf32, #tpu.memory_space<vmem>> -> memref<256x64xf32, #tpu.memory_space<vmem>>
        %dma_wait3A_797 = arith.constant 64 : i32
        %dma_wait3A_798 = tpu.memref_slice %arg4[%add3A_653, %dma_wait3A_797] : memref<204800x128xf32, #tpu.memory_space<hbm>> -> memref<256x64xf32, #tpu.memory_space<hbm>>
        %dma_wait3A_799 = arith.constant 64 : i32
        %dma_wait3A_800 = tpu.memref_slice %arg4[%add3A_653, %dma_wait3A_799] : memref<204800x128xf32, #tpu.memory_space<hbm>> -> memref<256x64xf32, #tpu.memory_space<hbm>>
        %dma_wait3A_801 = arith.constant 0 : i32
        %dma_wait3A_802 = arith.constant 0 : i32
        %dma_wait3A_803 = tpu.memref_slice %arg8[%dma_wait3A_792, %dma_wait3A_801, %dma_wait3A_802] : memref<2x256x64xf32, #tpu.memory_space<vmem>> -> memref<1x256x64xf32, #tpu.memory_space<vmem>>
        %dma_wait3A_804 = tpu.memref_squeeze %dma_wait3A_803 : memref<1x256x64xf32, #tpu.memory_space<vmem>> -> memref<256x64xf32, #tpu.memory_space<vmem>>
        tpu.wait_dma2 semaphore(%arg12 : memref<!tpu.dma_semaphore, #tpu.memory_space<semaphore_mem>>) src(%dma_wait3A_804 : memref<256x64xf32, #tpu.memory_space<vmem>>) dst(%dma_wait3A_800 : memref<256x64xf32, #tpu.memory_space<hbm>>)
      } else {
      }
      "tpu.region"() ({
        %run_scoped3A = tpu.sem_alloc : memref<!tpu.dma_semaphore, #tpu.memory_space<semaphore_mem>>
        %dma_start3A_779 = arith.constant 0 : i32
        %dma_start3A_780 = arith.constant 0 : i32
        %dma_start3A_781 = tpu.memref_slice %arg6[%dma_start3A_779, %dma_start3A_780] : memref<4x128xi32, #tpu.memory_space<vmem>> -> memref<2x128xi32, #tpu.memory_space<vmem>>
        %dma_start3A_782 = arith.constant 0 : i32
        %dma_start3A_783 = tpu.memref_slice %arg2[%select_n3A_621, %dma_start3A_782] : memref<6400x128xi32, #tpu.memory_space<hbm>> -> memref<2x128xi32, #tpu.memory_space<hbm>>
        %dma_start3A_784 = arith.constant 0 : i32
        %dma_start3A_785 = arith.constant 0 : i32
        %dma_start3A_786 = tpu.memref_slice %arg6[%dma_start3A_784, %dma_start3A_785] : memref<4x128xi32, #tpu.memory_space<vmem>> -> memref<2x128xi32, #tpu.memory_space<vmem>>
        %dma_start3A_787 = arith.constant 0 : i32
        %dma_start3A_788 = tpu.memref_slice %arg2[%select_n3A_621, %dma_start3A_787] : memref<6400x128xi32, #tpu.memory_space<hbm>> -> memref<2x128xi32, #tpu.memory_space<hbm>>
        tpu.enqueue_dma source(%dma_start3A_788 : memref<2x128xi32, #tpu.memory_space<hbm>>) target(%dma_start3A_786 : memref<2x128xi32, #tpu.memory_space<vmem>>) target_semaphore(%run_scoped3A : memref<!tpu.dma_semaphore, #tpu.memory_space<semaphore_mem>>)
        %dma_wait3A_789 = arith.constant 0 : i32
        %dma_wait3A_790 = arith.constant 0 : i32
        %dma_wait3A_791 = tpu.memref_slice %arg6[%dma_wait3A_789, %dma_wait3A_790] : memref<4x128xi32, #tpu.memory_space<vmem>> -> memref<2x128xi32, #tpu.memory_space<vmem>>
        %dma_wait3A_792 = arith.constant 0 : i32
        %dma_wait3A_793 = tpu.memref_slice %arg2[%select_n3A_621, %dma_wait3A_792] : memref<6400x128xi32, #tpu.memory_space<hbm>> -> memref<2x128xi32, #tpu.memory_space<hbm>>
        %dma_wait3A_794 = arith.constant 0 : i32
        %dma_wait3A_795 = arith.constant 0 : i32
        %dma_wait3A_796 = tpu.memref_slice %arg6[%dma_wait3A_794, %dma_wait3A_795] : memref<4x128xi32, #tpu.memory_space<vmem>> -> memref<2x128xi32, #tpu.memory_space<vmem>>
        %dma_wait3A_797 = arith.constant 0 : i32
        %dma_wait3A_798 = tpu.memref_slice %arg2[%select_n3A_621, %dma_wait3A_797] : memref<6400x128xi32, #tpu.memory_space<hbm>> -> memref<2x128xi32, #tpu.memory_space<hbm>>
        tpu.wait_dma2 semaphore(%run_scoped3A : memref<!tpu.dma_semaphore, #tpu.memory_space<semaphore_mem>>) src(%dma_wait3A_798 : memref<2x128xi32, #tpu.memory_space<hbm>>) dst(%dma_wait3A_796 : memref<2x128xi32, #tpu.memory_space<vmem>>)
        tpu.yield
      }) : () -> ()
      "tpu.region"() ({
        %run_scoped3A = tpu.sem_alloc : memref<!tpu.dma_semaphore, #tpu.memory_space<semaphore_mem>>
        %dma_start3A_779 = arith.constant 2 : i32
        %dma_start3A_780 = arith.constant 0 : i32
        %dma_start3A_781 = tpu.memref_slice %arg6[%dma_start3A_779, %dma_start3A_780] : memref<4x128xi32, #tpu.memory_space<vmem>> -> memref<2x128xi32, #tpu.memory_space<vmem>>
        %dma_start3A_782 = arith.constant 0 : i32
        %dma_start3A_783 = tpu.memref_slice %arg2[%select_n3A_650, %dma_start3A_782] : memref<6400x128xi32, #tpu.memory_space<hbm>> -> memref<2x128xi32, #tpu.memory_space<hbm>>
        %dma_start3A_784 = arith.constant 2 : i32
        %dma_start3A_785 = arith.constant 0 : i32
        %dma_start3A_786 = tpu.memref_slice %arg6[%dma_start3A_784, %dma_start3A_785] : memref<4x128xi32, #tpu.memory_space<vmem>> -> memref<2x128xi32, #tpu.memory_space<vmem>>
        %dma_start3A_787 = arith.constant 0 : i32
        %dma_start3A_788 = tpu.memref_slice %arg2[%select_n3A_650, %dma_start3A_787] : memref<6400x128xi32, #tpu.memory_space<hbm>> -> memref<2x128xi32, #tpu.memory_space<hbm>>
        tpu.enqueue_dma source(%dma_start3A_788 : memref<2x128xi32, #tpu.memory_space<hbm>>) target(%dma_start3A_786 : memref<2x128xi32, #tpu.memory_space<vmem>>) target_semaphore(%run_scoped3A : memref<!tpu.dma_semaphore, #tpu.memory_space<semaphore_mem>>)
        %dma_wait3A_789 = arith.constant 2 : i32
        %dma_wait3A_790 = arith.constant 0 : i32
        %dma_wait3A_791 = tpu.memref_slice %arg6[%dma_wait3A_789, %dma_wait3A_790] : memref<4x128xi32, #tpu.memory_space<vmem>> -> memref<2x128xi32, #tpu.memory_space<vmem>>
        %dma_wait3A_792 = arith.constant 0 : i32
        %dma_wait3A_793 = tpu.memref_slice %arg2[%select_n3A_650, %dma_wait3A_792] : memref<6400x128xi32, #tpu.memory_space<hbm>> -> memref<2x128xi32, #tpu.memory_space<hbm>>
        %dma_wait3A_794 = arith.constant 2 : i32
        %dma_wait3A_795 = arith.constant 0 : i32
        %dma_wait3A_796 = tpu.memref_slice %arg6[%dma_wait3A_794, %dma_wait3A_795] : memref<4x128xi32, #tpu.memory_space<vmem>> -> memref<2x128xi32, #tpu.memory_space<vmem>>
        %dma_wait3A_797 = arith.constant 0 : i32
        %dma_wait3A_798 = tpu.memref_slice %arg2[%select_n3A_650, %dma_wait3A_797] : memref<6400x128xi32, #tpu.memory_space<hbm>> -> memref<2x128xi32, #tpu.memory_space<hbm>>
        tpu.wait_dma2 semaphore(%run_scoped3A : memref<!tpu.dma_semaphore, #tpu.memory_space<semaphore_mem>>) src(%dma_wait3A_798 : memref<2x128xi32, #tpu.memory_space<hbm>>) dst(%dma_wait3A_796 : memref<2x128xi32, #tpu.memory_space<vmem>>)
        tpu.yield
      }) : () -> ()
      %dma_start3A_657 = arith.constant 0 : i32
      %dma_start3A_658 = arith.constant 0 : i32
      %dma_start3A_659 = arith.constant 0 : i32
      %dma_start3A_660 = arith.constant 0 : i32
      %dma_start3A_661 = tpu.memref_slice %arg8[%dma_start3A_658, %dma_start3A_659, %dma_start3A_660] : memref<2x256x64xf32, #tpu.memory_space<vmem>> -> memref<1x128x64xf32, #tpu.memory_space<vmem>>
      %dma_start3A_662 = tpu.memref_squeeze %dma_start3A_661 : memref<1x128x64xf32, #tpu.memory_space<vmem>> -> memref<128x64xf32, #tpu.memory_space<vmem>>
      %dma_start3A_663 = arith.constant 0 : i32
      %dma_start3A_664 = tpu.memref_slice %arg6[%dma_start3A_657, %dma_start3A_663] : memref<4x128xi32, #tpu.memory_space<vmem>> -> memref<1x128xi32, #tpu.memory_space<vmem>>
      %dma_start3A_665 = tpu.memref_squeeze %dma_start3A_664 : memref<1x128xi32, #tpu.memory_space<vmem>> -> memref<128xi32, #tpu.memory_space<vmem>>
      %dma_start3A_666 = arith.constant 0 : i32
      %dma_start3A_667 = arith.constant 0 : i32
      %dma_start3A_668 = tpu.memref_slice %arg3[%dma_start3A_666, %dma_start3A_667] : memref<1015808x64xf32, #tpu.memory_space<hbm>> -> memref<1015808x64xf32, #tpu.memory_space<hbm>>
      tpu.enqueue_indirect_dma source(%dma_start3A_668 : memref<1015808x64xf32, #tpu.memory_space<hbm>>) target(%dma_start3A_662 : memref<128x64xf32, #tpu.memory_space<vmem>>) offsets(%dma_start3A_665 : memref<128xi32, #tpu.memory_space<vmem>>) semaphore(%arg10 : memref<!tpu.dma_semaphore, #tpu.memory_space<semaphore_mem>>)
      %dma_start3A_669 = arith.constant 1 : i32
      %dma_start3A_670 = arith.constant 0 : i32
      %dma_start3A_671 = arith.constant 128 : i32
      %dma_start3A_672 = arith.constant 0 : i32
      %dma_start3A_673 = tpu.memref_slice %arg8[%dma_start3A_670, %dma_start3A_671, %dma_start3A_672] : memref<2x256x64xf32, #tpu.memory_space<vmem>> -> memref<1x128x64xf32, #tpu.memory_space<vmem>>
      %dma_start3A_674 = tpu.memref_squeeze %dma_start3A_673 : memref<1x128x64xf32, #tpu.memory_space<vmem>> -> memref<128x64xf32, #tpu.memory_space<vmem>>
      %dma_start3A_675 = arith.constant 0 : i32
      %dma_start3A_676 = tpu.memref_slice %arg6[%dma_start3A_669, %dma_start3A_675] : memref<4x128xi32, #tpu.memory_space<vmem>> -> memref<1x128xi32, #tpu.memory_space<vmem>>
      %dma_start3A_677 = tpu.memref_squeeze %dma_start3A_676 : memref<1x128xi32, #tpu.memory_space<vmem>> -> memref<128xi32, #tpu.memory_space<vmem>>
      %dma_start3A_678 = arith.constant 0 : i32
      %dma_start3A_679 = arith.constant 0 : i32
      %dma_start3A_680 = tpu.memref_slice %arg3[%dma_start3A_678, %dma_start3A_679] : memref<1015808x64xf32, #tpu.memory_space<hbm>> -> memref<1015808x64xf32, #tpu.memory_space<hbm>>
      tpu.enqueue_indirect_dma source(%dma_start3A_680 : memref<1015808x64xf32, #tpu.memory_space<hbm>>) target(%dma_start3A_674 : memref<128x64xf32, #tpu.memory_space<vmem>>) offsets(%dma_start3A_677 : memref<128xi32, #tpu.memory_space<vmem>>) semaphore(%arg10 : memref<!tpu.dma_semaphore, #tpu.memory_space<semaphore_mem>>)
      %dma_start3A_681 = arith.constant 2 : i32
      %dma_start3A_682 = arith.constant 1 : i32
      %dma_start3A_683 = arith.constant 0 : i32
      %dma_start3A_684 = arith.constant 0 : i32
      %dma_start3A_685 = tpu.memref_slice %arg8[%dma_start3A_682, %dma_start3A_683, %dma_start3A_684] : memref<2x256x64xf32, #tpu.memory_space<vmem>> -> memref<1x128x64xf32, #tpu.memory_space<vmem>>
      %dma_start3A_686 = tpu.memref_squeeze %dma_start3A_685 : memref<1x128x64xf32, #tpu.memory_space<vmem>> -> memref<128x64xf32, #tpu.memory_space<vmem>>
      %dma_start3A_687 = arith.constant 0 : i32
      %dma_start3A_688 = tpu.memref_slice %arg6[%dma_start3A_681, %dma_start3A_687] : memref<4x128xi32, #tpu.memory_space<vmem>> -> memref<1x128xi32, #tpu.memory_space<vmem>>
      %dma_start3A_689 = tpu.memref_squeeze %dma_start3A_688 : memref<1x128xi32, #tpu.memory_space<vmem>> -> memref<128xi32, #tpu.memory_space<vmem>>
      %dma_start3A_690 = arith.constant 0 : i32
      %dma_start3A_691 = arith.constant 0 : i32
      %dma_start3A_692 = tpu.memref_slice %arg3[%dma_start3A_690, %dma_start3A_691] : memref<1015808x64xf32, #tpu.memory_space<hbm>> -> memref<1015808x64xf32, #tpu.memory_space<hbm>>
      tpu.enqueue_indirect_dma source(%dma_start3A_692 : memref<1015808x64xf32, #tpu.memory_space<hbm>>) target(%dma_start3A_686 : memref<128x64xf32, #tpu.memory_space<vmem>>) offsets(%dma_start3A_689 : memref<128xi32, #tpu.memory_space<vmem>>) semaphore(%arg10 : memref<!tpu.dma_semaphore, #tpu.memory_space<semaphore_mem>>)
      %dma_start3A_693 = arith.constant 3 : i32
      %dma_start3A_694 = arith.constant 1 : i32
      %dma_start3A_695 = arith.constant 128 : i32
      %dma_start3A_696 = arith.constant 0 : i32
      %dma_start3A_697 = tpu.memref_slice %arg8[%dma_start3A_694, %dma_start3A_695, %dma_start3A_696] : memref<2x256x64xf32, #tpu.memory_space<vmem>> -> memref<1x128x64xf32, #tpu.memory_space<vmem>>
      %dma_start3A_698 = tpu.memref_squeeze %dma_start3A_697 : memref<1x128x64xf32, #tpu.memory_space<vmem>> -> memref<128x64xf32, #tpu.memory_space<vmem>>
      %dma_start3A_699 = arith.constant 0 : i32
      %dma_start3A_700 = tpu.memref_slice %arg6[%dma_start3A_693, %dma_start3A_699] : memref<4x128xi32, #tpu.memory_space<vmem>> -> memref<1x128xi32, #tpu.memory_space<vmem>>
      %dma_start3A_701 = tpu.memref_squeeze %dma_start3A_700 : memref<1x128xi32, #tpu.memory_space<vmem>> -> memref<128xi32, #tpu.memory_space<vmem>>
      %dma_start3A_702 = arith.constant 0 : i32
      %dma_start3A_703 = arith.constant 0 : i32
      %dma_start3A_704 = tpu.memref_slice %arg3[%dma_start3A_702, %dma_start3A_703] : memref<1015808x64xf32, #tpu.memory_space<hbm>> -> memref<1015808x64xf32, #tpu.memory_space<hbm>>
      tpu.enqueue_indirect_dma source(%dma_start3A_704 : memref<1015808x64xf32, #tpu.memory_space<hbm>>) target(%dma_start3A_698 : memref<128x64xf32, #tpu.memory_space<vmem>>) offsets(%dma_start3A_701 : memref<128xi32, #tpu.memory_space<vmem>>) semaphore(%arg10 : memref<!tpu.dma_semaphore, #tpu.memory_space<semaphore_mem>>)
      %dma_wait3A_705 = arith.constant 0 : i32
      %dma_wait3A_706 = arith.constant 0 : i32
      %dma_wait3A_707 = arith.constant 0 : i32
      %dma_wait3A_708 = arith.constant 0 : i32
      %dma_wait3A_709 = tpu.memref_slice %arg8[%dma_wait3A_706, %dma_wait3A_707, %dma_wait3A_708] : memref<2x256x64xf32, #tpu.memory_space<vmem>> -> memref<1x128x64xf32, #tpu.memory_space<vmem>>
      %dma_wait3A_710 = tpu.memref_squeeze %dma_wait3A_709 : memref<1x128x64xf32, #tpu.memory_space<vmem>> -> memref<128x64xf32, #tpu.memory_space<vmem>>
      %dma_wait3A_711 = arith.constant 0 : i32
      %dma_wait3A_712 = tpu.memref_slice %arg6[%dma_wait3A_705, %dma_wait3A_711] : memref<4x128xi32, #tpu.memory_space<vmem>> -> memref<1x128xi32, #tpu.memory_space<vmem>>
      %dma_wait3A_713 = tpu.memref_squeeze %dma_wait3A_712 : memref<1x128xi32, #tpu.memory_space<vmem>> -> memref<128xi32, #tpu.memory_space<vmem>>
      %dma_wait3A_714 = arith.constant 0 : i32
      %dma_wait3A_715 = arith.constant 0 : i32
      %dma_wait3A_716 = tpu.memref_slice %arg3[%dma_wait3A_714, %dma_wait3A_715] : memref<1015808x64xf32, #tpu.memory_space<hbm>> -> memref<1015808x64xf32, #tpu.memory_space<hbm>>
      tpu.wait_indirect_dma semaphore(%arg10 : memref<!tpu.dma_semaphore, #tpu.memory_space<semaphore_mem>>) src(%dma_wait3A_716 : memref<1015808x64xf32, #tpu.memory_space<hbm>>) dst(%dma_wait3A_710 : memref<128x64xf32, #tpu.memory_space<vmem>>)
      %dma_wait3A_717 = arith.constant 1 : i32
      %dma_wait3A_718 = arith.constant 0 : i32
      %dma_wait3A_719 = arith.constant 128 : i32
      %dma_wait3A_720 = arith.constant 0 : i32
      %dma_wait3A_721 = tpu.memref_slice %arg8[%dma_wait3A_718, %dma_wait3A_719, %dma_wait3A_720] : memref<2x256x64xf32, #tpu.memory_space<vmem>> -> memref<1x128x64xf32, #tpu.memory_space<vmem>>
      %dma_wait3A_722 = tpu.memref_squeeze %dma_wait3A_721 : memref<1x128x64xf32, #tpu.memory_space<vmem>> -> memref<128x64xf32, #tpu.memory_space<vmem>>
      %dma_wait3A_723 = arith.constant 0 : i32
      %dma_wait3A_724 = tpu.memref_slice %arg6[%dma_wait3A_717, %dma_wait3A_723] : memref<4x128xi32, #tpu.memory_space<vmem>> -> memref<1x128xi32, #tpu.memory_space<vmem>>
      %dma_wait3A_725 = tpu.memref_squeeze %dma_wait3A_724 : memref<1x128xi32, #tpu.memory_space<vmem>> -> memref<128xi32, #tpu.memory_space<vmem>>
      %dma_wait3A_726 = arith.constant 0 : i32
      %dma_wait3A_727 = arith.constant 0 : i32
      %dma_wait3A_728 = tpu.memref_slice %arg3[%dma_wait3A_726, %dma_wait3A_727] : memref<1015808x64xf32, #tpu.memory_space<hbm>> -> memref<1015808x64xf32, #tpu.memory_space<hbm>>
      tpu.wait_indirect_dma semaphore(%arg10 : memref<!tpu.dma_semaphore, #tpu.memory_space<semaphore_mem>>) src(%dma_wait3A_728 : memref<1015808x64xf32, #tpu.memory_space<hbm>>) dst(%dma_wait3A_722 : memref<128x64xf32, #tpu.memory_space<vmem>>)
      %dma_wait3A_729 = arith.constant 2 : i32
      %dma_wait3A_730 = arith.constant 1 : i32
      %dma_wait3A_731 = arith.constant 0 : i32
      %dma_wait3A_732 = arith.constant 0 : i32
      %dma_wait3A_733 = tpu.memref_slice %arg8[%dma_wait3A_730, %dma_wait3A_731, %dma_wait3A_732] : memref<2x256x64xf32, #tpu.memory_space<vmem>> -> memref<1x128x64xf32, #tpu.memory_space<vmem>>
      %dma_wait3A_734 = tpu.memref_squeeze %dma_wait3A_733 : memref<1x128x64xf32, #tpu.memory_space<vmem>> -> memref<128x64xf32, #tpu.memory_space<vmem>>
      %dma_wait3A_735 = arith.constant 0 : i32
      %dma_wait3A_736 = tpu.memref_slice %arg6[%dma_wait3A_729, %dma_wait3A_735] : memref<4x128xi32, #tpu.memory_space<vmem>> -> memref<1x128xi32, #tpu.memory_space<vmem>>
      %dma_wait3A_737 = tpu.memref_squeeze %dma_wait3A_736 : memref<1x128xi32, #tpu.memory_space<vmem>> -> memref<128xi32, #tpu.memory_space<vmem>>
      %dma_wait3A_738 = arith.constant 0 : i32
      %dma_wait3A_739 = arith.constant 0 : i32
      %dma_wait3A_740 = tpu.memref_slice %arg3[%dma_wait3A_738, %dma_wait3A_739] : memref<1015808x64xf32, #tpu.memory_space<hbm>> -> memref<1015808x64xf32, #tpu.memory_space<hbm>>
      tpu.wait_indirect_dma semaphore(%arg10 : memref<!tpu.dma_semaphore, #tpu.memory_space<semaphore_mem>>) src(%dma_wait3A_740 : memref<1015808x64xf32, #tpu.memory_space<hbm>>) dst(%dma_wait3A_734 : memref<128x64xf32, #tpu.memory_space<vmem>>)
      %dma_wait3A_741 = arith.constant 3 : i32
      %dma_wait3A_742 = arith.constant 1 : i32
      %dma_wait3A_743 = arith.constant 128 : i32
      %dma_wait3A_744 = arith.constant 0 : i32
      %dma_wait3A_745 = tpu.memref_slice %arg8[%dma_wait3A_742, %dma_wait3A_743, %dma_wait3A_744] : memref<2x256x64xf32, #tpu.memory_space<vmem>> -> memref<1x128x64xf32, #tpu.memory_space<vmem>>
      %dma_wait3A_746 = tpu.memref_squeeze %dma_wait3A_745 : memref<1x128x64xf32, #tpu.memory_space<vmem>> -> memref<128x64xf32, #tpu.memory_space<vmem>>
      %dma_wait3A_747 = arith.constant 0 : i32
      %dma_wait3A_748 = tpu.memref_slice %arg6[%dma_wait3A_741, %dma_wait3A_747] : memref<4x128xi32, #tpu.memory_space<vmem>> -> memref<1x128xi32, #tpu.memory_space<vmem>>
      %dma_wait3A_749 = tpu.memref_squeeze %dma_wait3A_748 : memref<1x128xi32, #tpu.memory_space<vmem>> -> memref<128xi32, #tpu.memory_space<vmem>>
      %dma_wait3A_750 = arith.constant 0 : i32
      %dma_wait3A_751 = arith.constant 0 : i32
      %dma_wait3A_752 = tpu.memref_slice %arg3[%dma_wait3A_750, %dma_wait3A_751] : memref<1015808x64xf32, #tpu.memory_space<hbm>> -> memref<1015808x64xf32, #tpu.memory_space<hbm>>
      tpu.wait_indirect_dma semaphore(%arg10 : memref<!tpu.dma_semaphore, #tpu.memory_space<semaphore_mem>>) src(%dma_wait3A_752 : memref<1015808x64xf32, #tpu.memory_space<hbm>>) dst(%dma_wait3A_746 : memref<128x64xf32, #tpu.memory_space<vmem>>)
      %dma_start3A_753 = arith.constant 0 : i32
      %dma_start3A_754 = arith.constant 0 : i32
      %dma_start3A_755 = arith.constant 0 : i32
      %dma_start3A_756 = tpu.memref_slice %arg8[%dma_start3A_753, %dma_start3A_754, %dma_start3A_755] : memref<2x256x64xf32, #tpu.memory_space<vmem>> -> memref<1x256x64xf32, #tpu.memory_space<vmem>>
      %dma_start3A_757 = tpu.memref_squeeze %dma_start3A_756 : memref<1x256x64xf32, #tpu.memory_space<vmem>> -> memref<256x64xf32, #tpu.memory_space<vmem>>
      %dma_start3A_758 = arith.constant 0 : i32
      %dma_start3A_759 = tpu.memref_slice %arg4[%add3A_653, %dma_start3A_758] : memref<204800x128xf32, #tpu.memory_space<hbm>> -> memref<256x64xf32, #tpu.memory_space<hbm>>
      %dma_start3A_760 = arith.constant 0 : i32
      %dma_start3A_761 = tpu.memref_slice %arg4[%add3A_653, %dma_start3A_760] : memref<204800x128xf32, #tpu.memory_space<hbm>> -> memref<256x64xf32, #tpu.memory_space<hbm>>
      %dma_start3A_762 = arith.constant 0 : i32
      %dma_start3A_763 = arith.constant 0 : i32
      %dma_start3A_764 = tpu.memref_slice %arg8[%dma_start3A_753, %dma_start3A_762, %dma_start3A_763] : memref<2x256x64xf32, #tpu.memory_space<vmem>> -> memref<1x256x64xf32, #tpu.memory_space<vmem>>
      %dma_start3A_765 = tpu.memref_squeeze %dma_start3A_764 : memref<1x256x64xf32, #tpu.memory_space<vmem>> -> memref<256x64xf32, #tpu.memory_space<vmem>>
      tpu.enqueue_dma source(%dma_start3A_765 : memref<256x64xf32, #tpu.memory_space<vmem>>) target(%dma_start3A_761 : memref<256x64xf32, #tpu.memory_space<hbm>>) target_semaphore(%arg12 : memref<!tpu.dma_semaphore, #tpu.memory_space<semaphore_mem>>)
      %dma_start3A_766 = arith.constant 1 : i32
      %dma_start3A_767 = arith.constant 0 : i32
      %dma_start3A_768 = arith.constant 0 : i32
      %dma_start3A_769 = tpu.memref_slice %arg8[%dma_start3A_766, %dma_start3A_767, %dma_start3A_768] : memref<2x256x64xf32, #tpu.memory_space<vmem>> -> memref<1x256x64xf32, #tpu.memory_space<vmem>>
      %dma_start3A_770 = tpu.memref_squeeze %dma_start3A_769 : memref<1x256x64xf32, #tpu.memory_space<vmem>> -> memref<256x64xf32, #tpu.memory_space<vmem>>
      %dma_start3A_771 = arith.constant 64 : i32
      %dma_start3A_772 = tpu.memref_slice %arg4[%add3A_653, %dma_start3A_771] : memref<204800x128xf32, #tpu.memory_space<hbm>> -> memref<256x64xf32, #tpu.memory_space<hbm>>
      %dma_start3A_773 = arith.constant 64 : i32
      %dma_start3A_774 = tpu.memref_slice %arg4[%add3A_653, %dma_start3A_773] : memref<204800x128xf32, #tpu.memory_space<hbm>> -> memref<256x64xf32, #tpu.memory_space<hbm>>
      %dma_start3A_775 = arith.constant 0 : i32
      %dma_start3A_776 = arith.constant 0 : i32
      %dma_start3A_777 = tpu.memref_slice %arg8[%dma_start3A_766, %dma_start3A_775, %dma_start3A_776] : memref<2x256x64xf32, #tpu.memory_space<vmem>> -> memref<1x256x64xf32, #tpu.memory_space<vmem>>
      %dma_start3A_778 = tpu.memref_squeeze %dma_start3A_777 : memref<1x256x64xf32, #tpu.memory_space<vmem>> -> memref<256x64xf32, #tpu.memory_space<vmem>>
      tpu.enqueue_dma source(%dma_start3A_778 : memref<256x64xf32, #tpu.memory_space<vmem>>) target(%dma_start3A_774 : memref<256x64xf32, #tpu.memory_space<hbm>>) target_semaphore(%arg12 : memref<!tpu.dma_semaphore, #tpu.memory_space<semaphore_mem>>)
    }
    %scan3A_7 = arith.constant 12 : i32
    %add3A_8 = arith.constant 25 : i32
    %add3A_9 = arith.addi %mul3A_2, %add3A_8 : i32
    %sub3A = arith.constant 1 : i32
    %sub3A_10 = arith.subi %add3A_9, %sub3A : i32
    %jit3A = arith.constant 8 : i32
    %div3A = arith.divsi %sub3A_10, %jit3A : i32
    %sign3A = arith.constant 0 : i32
    %sign3A_11 = arith.cmpi sgt, %sub3A_10, %sign3A : i32
    %sign3A_12 = arith.extui %sign3A_11 : i1 to i32
    %sign3A_13 = arith.constant 0 : i32
    %sign3A_14 = arith.cmpi slt, %sub3A_10, %sign3A_13 : i32
    %sign3A_15 = arith.extui %sign3A_14 : i1 to i32
    %sign3A_16 = arith.subi %sign3A_12, %sign3A_15 : i32
    %sign3A_17 = arith.constant 0 : i32
    %sign3A_18 = arith.cmpi sgt, %jit3A, %sign3A_17 : i32
    %sign3A_19 = arith.extui %sign3A_18 : i1 to i32
    %sign3A_20 = arith.constant 0 : i32
    %sign3A_21 = arith.cmpi slt, %jit3A, %sign3A_20 : i32
    %sign3A_22 = arith.extui %sign3A_21 : i1 to i32
    %sign3A_23 = arith.subi %sign3A_19, %sign3A_22 : i32
    %ne3A = arith.cmpi ne, %sign3A_16, %sign3A_23 : i32
    %rem3A = arith.remsi %sub3A_10, %jit3A : i32
    %ne3A_24 = arith.constant 0 : i32
    %ne3A_25 = arith.cmpi ne, %rem3A, %ne3A_24 : i32
    %and3A = arith.andi %ne3A, %ne3A_25 : i1
    %sub3A_26 = arith.constant 1 : i32
    %sub3A_27 = arith.subi %div3A, %sub3A_26 : i32
    %select_n3A = arith.select %and3A, %sub3A_27, %div3A : i32
    %jit3A_28 = arith.constant 8 : i32
    %eq3A = arith.constant 0 : i32
    %eq3A_29 = arith.cmpi eq, %jit3A_28, %eq3A : i32
    %jit3A_30 = arith.constant 1 : i32
    %select_n3A_31 = arith.select %eq3A_29, %jit3A_30, %jit3A_28 : i32
    %rem3A_32 = arith.remsi %sub3A_10, %select_n3A_31 : i32
    %ne3A_33 = arith.constant 0 : i32
    %ne3A_34 = arith.cmpi ne, %rem3A_32, %ne3A_33 : i32
    %lt3A = arith.constant 0 : i32
    %lt3A_35 = arith.cmpi slt, %rem3A_32, %lt3A : i32
    %lt3A_36 = arith.constant 0 : i32
    %lt3A_37 = arith.cmpi slt, %select_n3A_31, %lt3A_36 : i32
    %ne3A_38 = arith.xori %lt3A_35, %lt3A_37 : i1
    %and3A_39 = arith.andi %ne3A_38, %ne3A_34 : i1
    %add3A_40 = arith.addi %rem3A_32, %select_n3A_31 : i32
    %select_n3A_41 = arith.select %and3A_39, %add3A_40, %rem3A_32 : i32
    %mul3A_42 = arith.constant 256 : i32
    %mul3A_43 = arith.muli %select_n3A_41, %mul3A_42 : i32
    %add3A_44 = arith.constant 100 : i32
    %add3A_45 = arith.addi %add3A_44, %select_n3A : i32
    %mul3A_46 = arith.constant 4096 : i32
    %mul3A_47 = arith.muli %add3A_45, %mul3A_46 : i32
    %add3A_48 = arith.addi %mul3A_47, %mul3A_43 : i32
    %jit3A_49 = arith.constant 128 : i32
    %div3A_50 = arith.divsi %add3A_48, %jit3A_49 : i32
    %sign3A_51 = arith.constant 0 : i32
    %sign3A_52 = arith.cmpi sgt, %add3A_48, %sign3A_51 : i32
    %sign3A_53 = arith.extui %sign3A_52 : i1 to i32
    %sign3A_54 = arith.constant 0 : i32
    %sign3A_55 = arith.cmpi slt, %add3A_48, %sign3A_54 : i32
    %sign3A_56 = arith.extui %sign3A_55 : i1 to i32
    %sign3A_57 = arith.subi %sign3A_53, %sign3A_56 : i32
    %sign3A_58 = arith.constant 0 : i32
    %sign3A_59 = arith.cmpi sgt, %jit3A_49, %sign3A_58 : i32
    %sign3A_60 = arith.extui %sign3A_59 : i1 to i32
    %sign3A_61 = arith.constant 0 : i32
    %sign3A_62 = arith.cmpi slt, %jit3A_49, %sign3A_61 : i32
    %sign3A_63 = arith.extui %sign3A_62 : i1 to i32
    %sign3A_64 = arith.subi %sign3A_60, %sign3A_63 : i32
    %ne3A_65 = arith.cmpi ne, %sign3A_57, %sign3A_64 : i32
    %rem3A_66 = arith.remsi %add3A_48, %jit3A_49 : i32
    %ne3A_67 = arith.constant 0 : i32
    %ne3A_68 = arith.cmpi ne, %rem3A_66, %ne3A_67 : i32
    %and3A_69 = arith.andi %ne3A_65, %ne3A_68 : i1
    %sub3A_70 = arith.constant 1 : i32
    %sub3A_71 = arith.subi %div3A_50, %sub3A_70 : i32
    %select_n3A_72 = arith.select %and3A_69, %sub3A_71, %div3A_50 : i32
    %mul3A_73 = arith.constant 4096 : i32
    %mul3A_74 = arith.muli %add3A_45, %mul3A_73 : i32
    %add3A_75 = arith.constant 2048 : i32
    %add3A_76 = arith.addi %mul3A_74, %add3A_75 : i32
    %add3A_77 = arith.addi %add3A_76, %mul3A_43 : i32
    %jit3A_78 = arith.constant 128 : i32
    %div3A_79 = arith.divsi %add3A_77, %jit3A_78 : i32
    %sign3A_80 = arith.constant 0 : i32
    %sign3A_81 = arith.cmpi sgt, %add3A_77, %sign3A_80 : i32
    %sign3A_82 = arith.extui %sign3A_81 : i1 to i32
    %sign3A_83 = arith.constant 0 : i32
    %sign3A_84 = arith.cmpi slt, %add3A_77, %sign3A_83 : i32
    %sign3A_85 = arith.extui %sign3A_84 : i1 to i32
    %sign3A_86 = arith.subi %sign3A_82, %sign3A_85 : i32
    %sign3A_87 = arith.constant 0 : i32
    %sign3A_88 = arith.cmpi sgt, %jit3A_78, %sign3A_87 : i32
    %sign3A_89 = arith.extui %sign3A_88 : i1 to i32
    %sign3A_90 = arith.constant 0 : i32
    %sign3A_91 = arith.cmpi slt, %jit3A_78, %sign3A_90 : i32
    %sign3A_92 = arith.extui %sign3A_91 : i1 to i32
    %sign3A_93 = arith.subi %sign3A_89, %sign3A_92 : i32
    %ne3A_94 = arith.cmpi ne, %sign3A_86, %sign3A_93 : i32
    %rem3A_95 = arith.remsi %add3A_77, %jit3A_78 : i32
    %ne3A_96 = arith.constant 0 : i32
    %ne3A_97 = arith.cmpi ne, %rem3A_95, %ne3A_96 : i32
    %and3A_98 = arith.andi %ne3A_94, %ne3A_97 : i1
    %sub3A_99 = arith.constant 1 : i32
    %sub3A_100 = arith.subi %div3A_79, %sub3A_99 : i32
    %select_n3A_101 = arith.select %and3A_98, %sub3A_100, %div3A_79 : i32
    %mul3A_102 = arith.constant 2048 : i32
    %mul3A_103 = arith.muli %select_n3A, %mul3A_102 : i32
    %add3A_104 = arith.addi %mul3A_103, %mul3A_43 : i32
    %dma_wait3A = arith.constant 0 : i32
    %dma_wait3A_105 = arith.constant 0 : i32
    %dma_wait3A_106 = arith.constant 0 : i32
    %dma_wait3A_107 = tpu.memref_slice %arg7[%dma_wait3A, %dma_wait3A_105, %dma_wait3A_106] : memref<2x256x64xf32, #tpu.memory_space<vmem>> -> memref<1x256x64xf32, #tpu.memory_space<vmem>>
    %dma_wait3A_108 = tpu.memref_squeeze %dma_wait3A_107 : memref<1x256x64xf32, #tpu.memory_space<vmem>> -> memref<256x64xf32, #tpu.memory_space<vmem>>
    %dma_wait3A_109 = arith.constant 0 : i32
    %dma_wait3A_110 = tpu.memref_slice %arg4[%add3A_104, %dma_wait3A_109] : memref<204800x128xf32, #tpu.memory_space<hbm>> -> memref<256x64xf32, #tpu.memory_space<hbm>>
    %dma_wait3A_111 = arith.constant 0 : i32
    %dma_wait3A_112 = tpu.memref_slice %arg4[%add3A_104, %dma_wait3A_111] : memref<204800x128xf32, #tpu.memory_space<hbm>> -> memref<256x64xf32, #tpu.memory_space<hbm>>
    %dma_wait3A_113 = arith.constant 0 : i32
    %dma_wait3A_114 = arith.constant 0 : i32
    %dma_wait3A_115 = tpu.memref_slice %arg7[%dma_wait3A, %dma_wait3A_113, %dma_wait3A_114] : memref<2x256x64xf32, #tpu.memory_space<vmem>> -> memref<1x256x64xf32, #tpu.memory_space<vmem>>
    %dma_wait3A_116 = tpu.memref_squeeze %dma_wait3A_115 : memref<1x256x64xf32, #tpu.memory_space<vmem>> -> memref<256x64xf32, #tpu.memory_space<vmem>>
    tpu.wait_dma2 semaphore(%arg11 : memref<!tpu.dma_semaphore, #tpu.memory_space<semaphore_mem>>) src(%dma_wait3A_116 : memref<256x64xf32, #tpu.memory_space<vmem>>) dst(%dma_wait3A_112 : memref<256x64xf32, #tpu.memory_space<hbm>>)
    %dma_wait3A_117 = arith.constant 1 : i32
    %dma_wait3A_118 = arith.constant 0 : i32
    %dma_wait3A_119 = arith.constant 0 : i32
    %dma_wait3A_120 = tpu.memref_slice %arg7[%dma_wait3A_117, %dma_wait3A_118, %dma_wait3A_119] : memref<2x256x64xf32, #tpu.memory_space<vmem>> -> memref<1x256x64xf32, #tpu.memory_space<vmem>>
    %dma_wait3A_121 = tpu.memref_squeeze %dma_wait3A_120 : memref<1x256x64xf32, #tpu.memory_space<vmem>> -> memref<256x64xf32, #tpu.memory_space<vmem>>
    %dma_wait3A_122 = arith.constant 64 : i32
    %dma_wait3A_123 = tpu.memref_slice %arg4[%add3A_104, %dma_wait3A_122] : memref<204800x128xf32, #tpu.memory_space<hbm>> -> memref<256x64xf32, #tpu.memory_space<hbm>>
    %dma_wait3A_124 = arith.constant 64 : i32
    %dma_wait3A_125 = tpu.memref_slice %arg4[%add3A_104, %dma_wait3A_124] : memref<204800x128xf32, #tpu.memory_space<hbm>> -> memref<256x64xf32, #tpu.memory_space<hbm>>
    %dma_wait3A_126 = arith.constant 0 : i32
    %dma_wait3A_127 = arith.constant 0 : i32
    %dma_wait3A_128 = tpu.memref_slice %arg7[%dma_wait3A_117, %dma_wait3A_126, %dma_wait3A_127] : memref<2x256x64xf32, #tpu.memory_space<vmem>> -> memref<1x256x64xf32, #tpu.memory_space<vmem>>
    %dma_wait3A_129 = tpu.memref_squeeze %dma_wait3A_128 : memref<1x256x64xf32, #tpu.memory_space<vmem>> -> memref<256x64xf32, #tpu.memory_space<vmem>>
    tpu.wait_dma2 semaphore(%arg11 : memref<!tpu.dma_semaphore, #tpu.memory_space<semaphore_mem>>) src(%dma_wait3A_129 : memref<256x64xf32, #tpu.memory_space<vmem>>) dst(%dma_wait3A_125 : memref<256x64xf32, #tpu.memory_space<hbm>>)
    "tpu.region"() ({
      %run_scoped3A = tpu.sem_alloc : memref<!tpu.dma_semaphore, #tpu.memory_space<semaphore_mem>>
      %dma_start3A_311 = arith.constant 0 : i32
      %dma_start3A_312 = arith.constant 0 : i32
      %dma_start3A_313 = tpu.memref_slice %arg5[%dma_start3A_311, %dma_start3A_312] : memref<4x128xi32, #tpu.memory_space<vmem>> -> memref<2x128xi32, #tpu.memory_space<vmem>>
      %dma_start3A_314 = arith.constant 0 : i32
      %dma_start3A_315 = tpu.memref_slice %arg2[%select_n3A_72, %dma_start3A_314] : memref<6400x128xi32, #tpu.memory_space<hbm>> -> memref<2x128xi32, #tpu.memory_space<hbm>>
      %dma_start3A_316 = arith.constant 0 : i32
      %dma_start3A_317 = arith.constant 0 : i32
      %dma_start3A_318 = tpu.memref_slice %arg5[%dma_start3A_316, %dma_start3A_317] : memref<4x128xi32, #tpu.memory_space<vmem>> -> memref<2x128xi32, #tpu.memory_space<vmem>>
      %dma_start3A_319 = arith.constant 0 : i32
      %dma_start3A_320 = tpu.memref_slice %arg2[%select_n3A_72, %dma_start3A_319] : memref<6400x128xi32, #tpu.memory_space<hbm>> -> memref<2x128xi32, #tpu.memory_space<hbm>>
      tpu.enqueue_dma source(%dma_start3A_320 : memref<2x128xi32, #tpu.memory_space<hbm>>) target(%dma_start3A_318 : memref<2x128xi32, #tpu.memory_space<vmem>>) target_semaphore(%run_scoped3A : memref<!tpu.dma_semaphore, #tpu.memory_space<semaphore_mem>>)
      %dma_wait3A_321 = arith.constant 0 : i32
      %dma_wait3A_322 = arith.constant 0 : i32
      %dma_wait3A_323 = tpu.memref_slice %arg5[%dma_wait3A_321, %dma_wait3A_322] : memref<4x128xi32, #tpu.memory_space<vmem>> -> memref<2x128xi32, #tpu.memory_space<vmem>>
      %dma_wait3A_324 = arith.constant 0 : i32
      %dma_wait3A_325 = tpu.memref_slice %arg2[%select_n3A_72, %dma_wait3A_324] : memref<6400x128xi32, #tpu.memory_space<hbm>> -> memref<2x128xi32, #tpu.memory_space<hbm>>
      %dma_wait3A_326 = arith.constant 0 : i32
      %dma_wait3A_327 = arith.constant 0 : i32
      %dma_wait3A_328 = tpu.memref_slice %arg5[%dma_wait3A_326, %dma_wait3A_327] : memref<4x128xi32, #tpu.memory_space<vmem>> -> memref<2x128xi32, #tpu.memory_space<vmem>>
      %dma_wait3A_329 = arith.constant 0 : i32
      %dma_wait3A_330 = tpu.memref_slice %arg2[%select_n3A_72, %dma_wait3A_329] : memref<6400x128xi32, #tpu.memory_space<hbm>> -> memref<2x128xi32, #tpu.memory_space<hbm>>
      tpu.wait_dma2 semaphore(%run_scoped3A : memref<!tpu.dma_semaphore, #tpu.memory_space<semaphore_mem>>) src(%dma_wait3A_330 : memref<2x128xi32, #tpu.memory_space<hbm>>) dst(%dma_wait3A_328 : memref<2x128xi32, #tpu.memory_space<vmem>>)
      tpu.yield
    }) : () -> ()
    "tpu.region"() ({
      %run_scoped3A = tpu.sem_alloc : memref<!tpu.dma_semaphore, #tpu.memory_space<semaphore_mem>>
      %dma_start3A_311 = arith.constant 2 : i32
      %dma_start3A_312 = arith.constant 0 : i32
      %dma_start3A_313 = tpu.memref_slice %arg5[%dma_start3A_311, %dma_start3A_312] : memref<4x128xi32, #tpu.memory_space<vmem>> -> memref<2x128xi32, #tpu.memory_space<vmem>>
      %dma_start3A_314 = arith.constant 0 : i32
      %dma_start3A_315 = tpu.memref_slice %arg2[%select_n3A_101, %dma_start3A_314] : memref<6400x128xi32, #tpu.memory_space<hbm>> -> memref<2x128xi32, #tpu.memory_space<hbm>>
      %dma_start3A_316 = arith.constant 2 : i32
      %dma_start3A_317 = arith.constant 0 : i32
      %dma_start3A_318 = tpu.memref_slice %arg5[%dma_start3A_316, %dma_start3A_317] : memref<4x128xi32, #tpu.memory_space<vmem>> -> memref<2x128xi32, #tpu.memory_space<vmem>>
      %dma_start3A_319 = arith.constant 0 : i32
      %dma_start3A_320 = tpu.memref_slice %arg2[%select_n3A_101, %dma_start3A_319] : memref<6400x128xi32, #tpu.memory_space<hbm>> -> memref<2x128xi32, #tpu.memory_space<hbm>>
      tpu.enqueue_dma source(%dma_start3A_320 : memref<2x128xi32, #tpu.memory_space<hbm>>) target(%dma_start3A_318 : memref<2x128xi32, #tpu.memory_space<vmem>>) target_semaphore(%run_scoped3A : memref<!tpu.dma_semaphore, #tpu.memory_space<semaphore_mem>>)
      %dma_wait3A_321 = arith.constant 2 : i32
      %dma_wait3A_322 = arith.constant 0 : i32
      %dma_wait3A_323 = tpu.memref_slice %arg5[%dma_wait3A_321, %dma_wait3A_322] : memref<4x128xi32, #tpu.memory_space<vmem>> -> memref<2x128xi32, #tpu.memory_space<vmem>>
      %dma_wait3A_324 = arith.constant 0 : i32
      %dma_wait3A_325 = tpu.memref_slice %arg2[%select_n3A_101, %dma_wait3A_324] : memref<6400x128xi32, #tpu.memory_space<hbm>> -> memref<2x128xi32, #tpu.memory_space<hbm>>
      %dma_wait3A_326 = arith.constant 2 : i32
      %dma_wait3A_327 = arith.constant 0 : i32
      %dma_wait3A_328 = tpu.memref_slice %arg5[%dma_wait3A_326, %dma_wait3A_327] : memref<4x128xi32, #tpu.memory_space<vmem>> -> memref<2x128xi32, #tpu.memory_space<vmem>>
      %dma_wait3A_329 = arith.constant 0 : i32
      %dma_wait3A_330 = tpu.memref_slice %arg2[%select_n3A_101, %dma_wait3A_329] : memref<6400x128xi32, #tpu.memory_space<hbm>> -> memref<2x128xi32, #tpu.memory_space<hbm>>
      tpu.wait_dma2 semaphore(%run_scoped3A : memref<!tpu.dma_semaphore, #tpu.memory_space<semaphore_mem>>) src(%dma_wait3A_330 : memref<2x128xi32, #tpu.memory_space<hbm>>) dst(%dma_wait3A_328 : memref<2x128xi32, #tpu.memory_space<vmem>>)
      tpu.yield
    }) : () -> ()
    %dma_start3A = arith.constant 0 : i32
    %dma_start3A_130 = arith.constant 0 : i32
    %dma_start3A_131 = arith.constant 0 : i32
    %dma_start3A_132 = arith.constant 0 : i32
    %dma_start3A_133 = tpu.memref_slice %arg7[%dma_start3A_130, %dma_start3A_131, %dma_start3A_132] : memref<2x256x64xf32, #tpu.memory_space<vmem>> -> memref<1x128x64xf32, #tpu.memory_space<vmem>>
    %dma_start3A_134 = tpu.memref_squeeze %dma_start3A_133 : memref<1x128x64xf32, #tpu.memory_space<vmem>> -> memref<128x64xf32, #tpu.memory_space<vmem>>
    %dma_start3A_135 = arith.constant 0 : i32
    %dma_start3A_136 = tpu.memref_slice %arg5[%dma_start3A, %dma_start3A_135] : memref<4x128xi32, #tpu.memory_space<vmem>> -> memref<1x128xi32, #tpu.memory_space<vmem>>
    %dma_start3A_137 = tpu.memref_squeeze %dma_start3A_136 : memref<1x128xi32, #tpu.memory_space<vmem>> -> memref<128xi32, #tpu.memory_space<vmem>>
    %dma_start3A_138 = arith.constant 0 : i32
    %dma_start3A_139 = arith.constant 0 : i32
    %dma_start3A_140 = tpu.memref_slice %arg3[%dma_start3A_138, %dma_start3A_139] : memref<1015808x64xf32, #tpu.memory_space<hbm>> -> memref<1015808x64xf32, #tpu.memory_space<hbm>>
    tpu.enqueue_indirect_dma source(%dma_start3A_140 : memref<1015808x64xf32, #tpu.memory_space<hbm>>) target(%dma_start3A_134 : memref<128x64xf32, #tpu.memory_space<vmem>>) offsets(%dma_start3A_137 : memref<128xi32, #tpu.memory_space<vmem>>) semaphore(%arg9 : memref<!tpu.dma_semaphore, #tpu.memory_space<semaphore_mem>>)
    %dma_start3A_141 = arith.constant 1 : i32
    %dma_start3A_142 = arith.constant 0 : i32
    %dma_start3A_143 = arith.constant 128 : i32
    %dma_start3A_144 = arith.constant 0 : i32
    %dma_start3A_145 = tpu.memref_slice %arg7[%dma_start3A_142, %dma_start3A_143, %dma_start3A_144] : memref<2x256x64xf32, #tpu.memory_space<vmem>> -> memref<1x128x64xf32, #tpu.memory_space<vmem>>
    %dma_start3A_146 = tpu.memref_squeeze %dma_start3A_145 : memref<1x128x64xf32, #tpu.memory_space<vmem>> -> memref<128x64xf32, #tpu.memory_space<vmem>>
    %dma_start3A_147 = arith.constant 0 : i32
    %dma_start3A_148 = tpu.memref_slice %arg5[%dma_start3A_141, %dma_start3A_147] : memref<4x128xi32, #tpu.memory_space<vmem>> -> memref<1x128xi32, #tpu.memory_space<vmem>>
    %dma_start3A_149 = tpu.memref_squeeze %dma_start3A_148 : memref<1x128xi32, #tpu.memory_space<vmem>> -> memref<128xi32, #tpu.memory_space<vmem>>
    %dma_start3A_150 = arith.constant 0 : i32
    %dma_start3A_151 = arith.constant 0 : i32
    %dma_start3A_152 = tpu.memref_slice %arg3[%dma_start3A_150, %dma_start3A_151] : memref<1015808x64xf32, #tpu.memory_space<hbm>> -> memref<1015808x64xf32, #tpu.memory_space<hbm>>
    tpu.enqueue_indirect_dma source(%dma_start3A_152 : memref<1015808x64xf32, #tpu.memory_space<hbm>>) target(%dma_start3A_146 : memref<128x64xf32, #tpu.memory_space<vmem>>) offsets(%dma_start3A_149 : memref<128xi32, #tpu.memory_space<vmem>>) semaphore(%arg9 : memref<!tpu.dma_semaphore, #tpu.memory_space<semaphore_mem>>)
    %dma_start3A_153 = arith.constant 2 : i32
    %dma_start3A_154 = arith.constant 1 : i32
    %dma_start3A_155 = arith.constant 0 : i32
    %dma_start3A_156 = arith.constant 0 : i32
    %dma_start3A_157 = tpu.memref_slice %arg7[%dma_start3A_154, %dma_start3A_155, %dma_start3A_156] : memref<2x256x64xf32, #tpu.memory_space<vmem>> -> memref<1x128x64xf32, #tpu.memory_space<vmem>>
    %dma_start3A_158 = tpu.memref_squeeze %dma_start3A_157 : memref<1x128x64xf32, #tpu.memory_space<vmem>> -> memref<128x64xf32, #tpu.memory_space<vmem>>
    %dma_start3A_159 = arith.constant 0 : i32
    %dma_start3A_160 = tpu.memref_slice %arg5[%dma_start3A_153, %dma_start3A_159] : memref<4x128xi32, #tpu.memory_space<vmem>> -> memref<1x128xi32, #tpu.memory_space<vmem>>
    %dma_start3A_161 = tpu.memref_squeeze %dma_start3A_160 : memref<1x128xi32, #tpu.memory_space<vmem>> -> memref<128xi32, #tpu.memory_space<vmem>>
    %dma_start3A_162 = arith.constant 0 : i32
    %dma_start3A_163 = arith.constant 0 : i32
    %dma_start3A_164 = tpu.memref_slice %arg3[%dma_start3A_162, %dma_start3A_163] : memref<1015808x64xf32, #tpu.memory_space<hbm>> -> memref<1015808x64xf32, #tpu.memory_space<hbm>>
    tpu.enqueue_indirect_dma source(%dma_start3A_164 : memref<1015808x64xf32, #tpu.memory_space<hbm>>) target(%dma_start3A_158 : memref<128x64xf32, #tpu.memory_space<vmem>>) offsets(%dma_start3A_161 : memref<128xi32, #tpu.memory_space<vmem>>) semaphore(%arg9 : memref<!tpu.dma_semaphore, #tpu.memory_space<semaphore_mem>>)
    %dma_start3A_165 = arith.constant 3 : i32
    %dma_start3A_166 = arith.constant 1 : i32
    %dma_start3A_167 = arith.constant 128 : i32
    %dma_start3A_168 = arith.constant 0 : i32
    %dma_start3A_169 = tpu.memref_slice %arg7[%dma_start3A_166, %dma_start3A_167, %dma_start3A_168] : memref<2x256x64xf32, #tpu.memory_space<vmem>> -> memref<1x128x64xf32, #tpu.memory_space<vmem>>
    %dma_start3A_170 = tpu.memref_squeeze %dma_start3A_169 : memref<1x128x64xf32, #tpu.memory_space<vmem>> -> memref<128x64xf32, #tpu.memory_space<vmem>>
    %dma_start3A_171 = arith.constant 0 : i32
    %dma_start3A_172 = tpu.memref_slice %arg5[%dma_start3A_165, %dma_start3A_171] : memref<4x128xi32, #tpu.memory_space<vmem>> -> memref<1x128xi32, #tpu.memory_space<vmem>>
    %dma_start3A_173 = tpu.memref_squeeze %dma_start3A_172 : memref<1x128xi32, #tpu.memory_space<vmem>> -> memref<128xi32, #tpu.memory_space<vmem>>
    %dma_start3A_174 = arith.constant 0 : i32
    %dma_start3A_175 = arith.constant 0 : i32
    %dma_start3A_176 = tpu.memref_slice %arg3[%dma_start3A_174, %dma_start3A_175] : memref<1015808x64xf32, #tpu.memory_space<hbm>> -> memref<1015808x64xf32, #tpu.memory_space<hbm>>
    tpu.enqueue_indirect_dma source(%dma_start3A_176 : memref<1015808x64xf32, #tpu.memory_space<hbm>>) target(%dma_start3A_170 : memref<128x64xf32, #tpu.memory_space<vmem>>) offsets(%dma_start3A_173 : memref<128xi32, #tpu.memory_space<vmem>>) semaphore(%arg9 : memref<!tpu.dma_semaphore, #tpu.memory_space<semaphore_mem>>)
    %dma_wait3A_177 = arith.constant 0 : i32
    %dma_wait3A_178 = arith.constant 0 : i32
    %dma_wait3A_179 = arith.constant 0 : i32
    %dma_wait3A_180 = arith.constant 0 : i32
    %dma_wait3A_181 = tpu.memref_slice %arg7[%dma_wait3A_178, %dma_wait3A_179, %dma_wait3A_180] : memref<2x256x64xf32, #tpu.memory_space<vmem>> -> memref<1x128x64xf32, #tpu.memory_space<vmem>>
    %dma_wait3A_182 = tpu.memref_squeeze %dma_wait3A_181 : memref<1x128x64xf32, #tpu.memory_space<vmem>> -> memref<128x64xf32, #tpu.memory_space<vmem>>
    %dma_wait3A_183 = arith.constant 0 : i32
    %dma_wait3A_184 = tpu.memref_slice %arg5[%dma_wait3A_177, %dma_wait3A_183] : memref<4x128xi32, #tpu.memory_space<vmem>> -> memref<1x128xi32, #tpu.memory_space<vmem>>
    %dma_wait3A_185 = tpu.memref_squeeze %dma_wait3A_184 : memref<1x128xi32, #tpu.memory_space<vmem>> -> memref<128xi32, #tpu.memory_space<vmem>>
    %dma_wait3A_186 = arith.constant 0 : i32
    %dma_wait3A_187 = arith.constant 0 : i32
    %dma_wait3A_188 = tpu.memref_slice %arg3[%dma_wait3A_186, %dma_wait3A_187] : memref<1015808x64xf32, #tpu.memory_space<hbm>> -> memref<1015808x64xf32, #tpu.memory_space<hbm>>
    tpu.wait_indirect_dma semaphore(%arg9 : memref<!tpu.dma_semaphore, #tpu.memory_space<semaphore_mem>>) src(%dma_wait3A_188 : memref<1015808x64xf32, #tpu.memory_space<hbm>>) dst(%dma_wait3A_182 : memref<128x64xf32, #tpu.memory_space<vmem>>)
    %dma_wait3A_189 = arith.constant 1 : i32
    %dma_wait3A_190 = arith.constant 0 : i32
    %dma_wait3A_191 = arith.constant 128 : i32
    %dma_wait3A_192 = arith.constant 0 : i32
    %dma_wait3A_193 = tpu.memref_slice %arg7[%dma_wait3A_190, %dma_wait3A_191, %dma_wait3A_192] : memref<2x256x64xf32, #tpu.memory_space<vmem>> -> memref<1x128x64xf32, #tpu.memory_space<vmem>>
    %dma_wait3A_194 = tpu.memref_squeeze %dma_wait3A_193 : memref<1x128x64xf32, #tpu.memory_space<vmem>> -> memref<128x64xf32, #tpu.memory_space<vmem>>
    %dma_wait3A_195 = arith.constant 0 : i32
    %dma_wait3A_196 = tpu.memref_slice %arg5[%dma_wait3A_189, %dma_wait3A_195] : memref<4x128xi32, #tpu.memory_space<vmem>> -> memref<1x128xi32, #tpu.memory_space<vmem>>
    %dma_wait3A_197 = tpu.memref_squeeze %dma_wait3A_196 : memref<1x128xi32, #tpu.memory_space<vmem>> -> memref<128xi32, #tpu.memory_space<vmem>>
    %dma_wait3A_198 = arith.constant 0 : i32
    %dma_wait3A_199 = arith.constant 0 : i32
    %dma_wait3A_200 = tpu.memref_slice %arg3[%dma_wait3A_198, %dma_wait3A_199] : memref<1015808x64xf32, #tpu.memory_space<hbm>> -> memref<1015808x64xf32, #tpu.memory_space<hbm>>
    tpu.wait_indirect_dma semaphore(%arg9 : memref<!tpu.dma_semaphore, #tpu.memory_space<semaphore_mem>>) src(%dma_wait3A_200 : memref<1015808x64xf32, #tpu.memory_space<hbm>>) dst(%dma_wait3A_194 : memref<128x64xf32, #tpu.memory_space<vmem>>)
    %dma_wait3A_201 = arith.constant 2 : i32
    %dma_wait3A_202 = arith.constant 1 : i32
    %dma_wait3A_203 = arith.constant 0 : i32
    %dma_wait3A_204 = arith.constant 0 : i32
    %dma_wait3A_205 = tpu.memref_slice %arg7[%dma_wait3A_202, %dma_wait3A_203, %dma_wait3A_204] : memref<2x256x64xf32, #tpu.memory_space<vmem>> -> memref<1x128x64xf32, #tpu.memory_space<vmem>>
    %dma_wait3A_206 = tpu.memref_squeeze %dma_wait3A_205 : memref<1x128x64xf32, #tpu.memory_space<vmem>> -> memref<128x64xf32, #tpu.memory_space<vmem>>
    %dma_wait3A_207 = arith.constant 0 : i32
    %dma_wait3A_208 = tpu.memref_slice %arg5[%dma_wait3A_201, %dma_wait3A_207] : memref<4x128xi32, #tpu.memory_space<vmem>> -> memref<1x128xi32, #tpu.memory_space<vmem>>
    %dma_wait3A_209 = tpu.memref_squeeze %dma_wait3A_208 : memref<1x128xi32, #tpu.memory_space<vmem>> -> memref<128xi32, #tpu.memory_space<vmem>>
    %dma_wait3A_210 = arith.constant 0 : i32
    %dma_wait3A_211 = arith.constant 0 : i32
    %dma_wait3A_212 = tpu.memref_slice %arg3[%dma_wait3A_210, %dma_wait3A_211] : memref<1015808x64xf32, #tpu.memory_space<hbm>> -> memref<1015808x64xf32, #tpu.memory_space<hbm>>
    tpu.wait_indirect_dma semaphore(%arg9 : memref<!tpu.dma_semaphore, #tpu.memory_space<semaphore_mem>>) src(%dma_wait3A_212 : memref<1015808x64xf32, #tpu.memory_space<hbm>>) dst(%dma_wait3A_206 : memref<128x64xf32, #tpu.memory_space<vmem>>)
    %dma_wait3A_213 = arith.constant 3 : i32
    %dma_wait3A_214 = arith.constant 1 : i32
    %dma_wait3A_215 = arith.constant 128 : i32
    %dma_wait3A_216 = arith.constant 0 : i32
    %dma_wait3A_217 = tpu.memref_slice %arg7[%dma_wait3A_214, %dma_wait3A_215, %dma_wait3A_216] : memref<2x256x64xf32, #tpu.memory_space<vmem>> -> memref<1x128x64xf32, #tpu.memory_space<vmem>>
    %dma_wait3A_218 = tpu.memref_squeeze %dma_wait3A_217 : memref<1x128x64xf32, #tpu.memory_space<vmem>> -> memref<128x64xf32, #tpu.memory_space<vmem>>
    %dma_wait3A_219 = arith.constant 0 : i32
    %dma_wait3A_220 = tpu.memref_slice %arg5[%dma_wait3A_213, %dma_wait3A_219] : memref<4x128xi32, #tpu.memory_space<vmem>> -> memref<1x128xi32, #tpu.memory_space<vmem>>
    %dma_wait3A_221 = tpu.memref_squeeze %dma_wait3A_220 : memref<1x128xi32, #tpu.memory_space<vmem>> -> memref<128xi32, #tpu.memory_space<vmem>>
    %dma_wait3A_222 = arith.constant 0 : i32
    %dma_wait3A_223 = arith.constant 0 : i32
    %dma_wait3A_224 = tpu.memref_slice %arg3[%dma_wait3A_222, %dma_wait3A_223] : memref<1015808x64xf32, #tpu.memory_space<hbm>> -> memref<1015808x64xf32, #tpu.memory_space<hbm>>
    tpu.wait_indirect_dma semaphore(%arg9 : memref<!tpu.dma_semaphore, #tpu.memory_space<semaphore_mem>>) src(%dma_wait3A_224 : memref<1015808x64xf32, #tpu.memory_space<hbm>>) dst(%dma_wait3A_218 : memref<128x64xf32, #tpu.memory_space<vmem>>)
    %dma_start3A_225 = arith.constant 0 : i32
    %dma_start3A_226 = arith.constant 0 : i32
    %dma_start3A_227 = arith.constant 0 : i32
    %dma_start3A_228 = tpu.memref_slice %arg7[%dma_start3A_225, %dma_start3A_226, %dma_start3A_227] : memref<2x256x64xf32, #tpu.memory_space<vmem>> -> memref<1x256x64xf32, #tpu.memory_space<vmem>>
    %dma_start3A_229 = tpu.memref_squeeze %dma_start3A_228 : memref<1x256x64xf32, #tpu.memory_space<vmem>> -> memref<256x64xf32, #tpu.memory_space<vmem>>
    %dma_start3A_230 = arith.constant 0 : i32
    %dma_start3A_231 = tpu.memref_slice %arg4[%add3A_104, %dma_start3A_230] : memref<204800x128xf32, #tpu.memory_space<hbm>> -> memref<256x64xf32, #tpu.memory_space<hbm>>
    %dma_start3A_232 = arith.constant 0 : i32
    %dma_start3A_233 = tpu.memref_slice %arg4[%add3A_104, %dma_start3A_232] : memref<204800x128xf32, #tpu.memory_space<hbm>> -> memref<256x64xf32, #tpu.memory_space<hbm>>
    %dma_start3A_234 = arith.constant 0 : i32
    %dma_start3A_235 = arith.constant 0 : i32
    %dma_start3A_236 = tpu.memref_slice %arg7[%dma_start3A_225, %dma_start3A_234, %dma_start3A_235] : memref<2x256x64xf32, #tpu.memory_space<vmem>> -> memref<1x256x64xf32, #tpu.memory_space<vmem>>
    %dma_start3A_237 = tpu.memref_squeeze %dma_start3A_236 : memref<1x256x64xf32, #tpu.memory_space<vmem>> -> memref<256x64xf32, #tpu.memory_space<vmem>>
    tpu.enqueue_dma source(%dma_start3A_237 : memref<256x64xf32, #tpu.memory_space<vmem>>) target(%dma_start3A_233 : memref<256x64xf32, #tpu.memory_space<hbm>>) target_semaphore(%arg11 : memref<!tpu.dma_semaphore, #tpu.memory_space<semaphore_mem>>)
    %dma_start3A_238 = arith.constant 1 : i32
    %dma_start3A_239 = arith.constant 0 : i32
    %dma_start3A_240 = arith.constant 0 : i32
    %dma_start3A_241 = tpu.memref_slice %arg7[%dma_start3A_238, %dma_start3A_239, %dma_start3A_240] : memref<2x256x64xf32, #tpu.memory_space<vmem>> -> memref<1x256x64xf32, #tpu.memory_space<vmem>>
    %dma_start3A_242 = tpu.memref_squeeze %dma_start3A_241 : memref<1x256x64xf32, #tpu.memory_space<vmem>> -> memref<256x64xf32, #tpu.memory_space<vmem>>
    %dma_start3A_243 = arith.constant 64 : i32
    %dma_start3A_244 = tpu.memref_slice %arg4[%add3A_104, %dma_start3A_243] : memref<204800x128xf32, #tpu.memory_space<hbm>> -> memref<256x64xf32, #tpu.memory_space<hbm>>
    %dma_start3A_245 = arith.constant 64 : i32
    %dma_start3A_246 = tpu.memref_slice %arg4[%add3A_104, %dma_start3A_245] : memref<204800x128xf32, #tpu.memory_space<hbm>> -> memref<256x64xf32, #tpu.memory_space<hbm>>
    %dma_start3A_247 = arith.constant 0 : i32
    %dma_start3A_248 = arith.constant 0 : i32
    %dma_start3A_249 = tpu.memref_slice %arg7[%dma_start3A_238, %dma_start3A_247, %dma_start3A_248] : memref<2x256x64xf32, #tpu.memory_space<vmem>> -> memref<1x256x64xf32, #tpu.memory_space<vmem>>
    %dma_start3A_250 = tpu.memref_squeeze %dma_start3A_249 : memref<1x256x64xf32, #tpu.memory_space<vmem>> -> memref<256x64xf32, #tpu.memory_space<vmem>>
    tpu.enqueue_dma source(%dma_start3A_250 : memref<256x64xf32, #tpu.memory_space<vmem>>) target(%dma_start3A_246 : memref<256x64xf32, #tpu.memory_space<hbm>>) target_semaphore(%arg11 : memref<!tpu.dma_semaphore, #tpu.memory_space<semaphore_mem>>)
    %dma_wait3A_251 = arith.constant 0 : i32
    %dma_wait3A_252 = arith.constant 0 : i32
    %dma_wait3A_253 = arith.constant 0 : i32
    %dma_wait3A_254 = tpu.memref_slice %arg7[%dma_wait3A_251, %dma_wait3A_252, %dma_wait3A_253] : memref<2x256x64xf32, #tpu.memory_space<vmem>> -> memref<1x256x64xf32, #tpu.memory_space<vmem>>
    %dma_wait3A_255 = tpu.memref_squeeze %dma_wait3A_254 : memref<1x256x64xf32, #tpu.memory_space<vmem>> -> memref<256x64xf32, #tpu.memory_space<vmem>>
    %dma_wait3A_256 = arith.constant 0 : i32
    %dma_wait3A_257 = arith.constant 0 : i32
    %dma_wait3A_258 = tpu.memref_slice %arg4[%dma_wait3A_256, %dma_wait3A_257] : memref<204800x128xf32, #tpu.memory_space<hbm>> -> memref<256x64xf32, #tpu.memory_space<hbm>>
    %dma_wait3A_259 = arith.constant 0 : i32
    %dma_wait3A_260 = arith.constant 0 : i32
    %dma_wait3A_261 = tpu.memref_slice %arg4[%dma_wait3A_259, %dma_wait3A_260] : memref<204800x128xf32, #tpu.memory_space<hbm>> -> memref<256x64xf32, #tpu.memory_space<hbm>>
    %dma_wait3A_262 = arith.constant 0 : i32
    %dma_wait3A_263 = arith.constant 0 : i32
    %dma_wait3A_264 = tpu.memref_slice %arg7[%dma_wait3A_251, %dma_wait3A_262, %dma_wait3A_263] : memref<2x256x64xf32, #tpu.memory_space<vmem>> -> memref<1x256x64xf32, #tpu.memory_space<vmem>>
    %dma_wait3A_265 = tpu.memref_squeeze %dma_wait3A_264 : memref<1x256x64xf32, #tpu.memory_space<vmem>> -> memref<256x64xf32, #tpu.memory_space<vmem>>
    tpu.wait_dma2 semaphore(%arg11 : memref<!tpu.dma_semaphore, #tpu.memory_space<semaphore_mem>>) src(%dma_wait3A_265 : memref<256x64xf32, #tpu.memory_space<vmem>>) dst(%dma_wait3A_261 : memref<256x64xf32, #tpu.memory_space<hbm>>)
    %dma_wait3A_266 = arith.constant 1 : i32
    %dma_wait3A_267 = arith.constant 0 : i32
    %dma_wait3A_268 = arith.constant 0 : i32
    %dma_wait3A_269 = tpu.memref_slice %arg7[%dma_wait3A_266, %dma_wait3A_267, %dma_wait3A_268] : memref<2x256x64xf32, #tpu.memory_space<vmem>> -> memref<1x256x64xf32, #tpu.memory_space<vmem>>
    %dma_wait3A_270 = tpu.memref_squeeze %dma_wait3A_269 : memref<1x256x64xf32, #tpu.memory_space<vmem>> -> memref<256x64xf32, #tpu.memory_space<vmem>>
    %dma_wait3A_271 = arith.constant 0 : i32
    %dma_wait3A_272 = arith.constant 64 : i32
    %dma_wait3A_273 = tpu.memref_slice %arg4[%dma_wait3A_271, %dma_wait3A_272] : memref<204800x128xf32, #tpu.memory_space<hbm>> -> memref<256x64xf32, #tpu.memory_space<hbm>>
    %dma_wait3A_274 = arith.constant 0 : i32
    %dma_wait3A_275 = arith.constant 64 : i32
    %dma_wait3A_276 = tpu.memref_slice %arg4[%dma_wait3A_274, %dma_wait3A_275] : memref<204800x128xf32, #tpu.memory_space<hbm>> -> memref<256x64xf32, #tpu.memory_space<hbm>>
    %dma_wait3A_277 = arith.constant 0 : i32
    %dma_wait3A_278 = arith.constant 0 : i32
    %dma_wait3A_279 = tpu.memref_slice %arg7[%dma_wait3A_266, %dma_wait3A_277, %dma_wait3A_278] : memref<2x256x64xf32, #tpu.memory_space<vmem>> -> memref<1x256x64xf32, #tpu.memory_space<vmem>>
    %dma_wait3A_280 = tpu.memref_squeeze %dma_wait3A_279 : memref<1x256x64xf32, #tpu.memory_space<vmem>> -> memref<256x64xf32, #tpu.memory_space<vmem>>
    tpu.wait_dma2 semaphore(%arg11 : memref<!tpu.dma_semaphore, #tpu.memory_space<semaphore_mem>>) src(%dma_wait3A_280 : memref<256x64xf32, #tpu.memory_space<vmem>>) dst(%dma_wait3A_276 : memref<256x64xf32, #tpu.memory_space<hbm>>)
    %dma_wait3A_281 = arith.constant 0 : i32
    %dma_wait3A_282 = arith.constant 0 : i32
    %dma_wait3A_283 = arith.constant 0 : i32
    %dma_wait3A_284 = tpu.memref_slice %arg8[%dma_wait3A_281, %dma_wait3A_282, %dma_wait3A_283] : memref<2x256x64xf32, #tpu.memory_space<vmem>> -> memref<1x256x64xf32, #tpu.memory_space<vmem>>
    %dma_wait3A_285 = tpu.memref_squeeze %dma_wait3A_284 : memref<1x256x64xf32, #tpu.memory_space<vmem>> -> memref<256x64xf32, #tpu.memory_space<vmem>>
    %dma_wait3A_286 = arith.constant 0 : i32
    %dma_wait3A_287 = arith.constant 0 : i32
    %dma_wait3A_288 = tpu.memref_slice %arg4[%dma_wait3A_286, %dma_wait3A_287] : memref<204800x128xf32, #tpu.memory_space<hbm>> -> memref<256x64xf32, #tpu.memory_space<hbm>>
    %dma_wait3A_289 = arith.constant 0 : i32
    %dma_wait3A_290 = arith.constant 0 : i32
    %dma_wait3A_291 = tpu.memref_slice %arg4[%dma_wait3A_289, %dma_wait3A_290] : memref<204800x128xf32, #tpu.memory_space<hbm>> -> memref<256x64xf32, #tpu.memory_space<hbm>>
    %dma_wait3A_292 = arith.constant 0 : i32
    %dma_wait3A_293 = arith.constant 0 : i32
    %dma_wait3A_294 = tpu.memref_slice %arg8[%dma_wait3A_281, %dma_wait3A_292, %dma_wait3A_293] : memref<2x256x64xf32, #tpu.memory_space<vmem>> -> memref<1x256x64xf32, #tpu.memory_space<vmem>>
    %dma_wait3A_295 = tpu.memref_squeeze %dma_wait3A_294 : memref<1x256x64xf32, #tpu.memory_space<vmem>> -> memref<256x64xf32, #tpu.memory_space<vmem>>
    tpu.wait_dma2 semaphore(%arg12 : memref<!tpu.dma_semaphore, #tpu.memory_space<semaphore_mem>>) src(%dma_wait3A_295 : memref<256x64xf32, #tpu.memory_space<vmem>>) dst(%dma_wait3A_291 : memref<256x64xf32, #tpu.memory_space<hbm>>)
    %dma_wait3A_296 = arith.constant 1 : i32
    %dma_wait3A_297 = arith.constant 0 : i32
    %dma_wait3A_298 = arith.constant 0 : i32
    %dma_wait3A_299 = tpu.memref_slice %arg8[%dma_wait3A_296, %dma_wait3A_297, %dma_wait3A_298] : memref<2x256x64xf32, #tpu.memory_space<vmem>> -> memref<1x256x64xf32, #tpu.memory_space<vmem>>
    %dma_wait3A_300 = tpu.memref_squeeze %dma_wait3A_299 : memref<1x256x64xf32, #tpu.memory_space<vmem>> -> memref<256x64xf32, #tpu.memory_space<vmem>>
    %dma_wait3A_301 = arith.constant 0 : i32
    %dma_wait3A_302 = arith.constant 64 : i32
    %dma_wait3A_303 = tpu.memref_slice %arg4[%dma_wait3A_301, %dma_wait3A_302] : memref<204800x128xf32, #tpu.memory_space<hbm>> -> memref<256x64xf32, #tpu.memory_space<hbm>>
    %dma_wait3A_304 = arith.constant 0 : i32
    %dma_wait3A_305 = arith.constant 64 : i32
    %dma_wait3A_306 = tpu.memref_slice %arg4[%dma_wait3A_304, %dma_wait3A_305] : memref<204800x128xf32, #tpu.memory_space<hbm>> -> memref<256x64xf32, #tpu.memory_space<hbm>>
    %dma_wait3A_307 = arith.constant 0 : i32
    %dma_wait3A_308 = arith.constant 0 : i32
    %dma_wait3A_309 = tpu.memref_slice %arg8[%dma_wait3A_296, %dma_wait3A_307, %dma_wait3A_308] : memref<2x256x64xf32, #tpu.memory_space<vmem>> -> memref<1x256x64xf32, #tpu.memory_space<vmem>>
    %dma_wait3A_310 = tpu.memref_squeeze %dma_wait3A_309 : memref<1x256x64xf32, #tpu.memory_space<vmem>> -> memref<256x64xf32, #tpu.memory_space<vmem>>
    tpu.wait_dma2 semaphore(%arg12 : memref<!tpu.dma_semaphore, #tpu.memory_space<semaphore_mem>>) src(%dma_wait3A_310 : memref<256x64xf32, #tpu.memory_space<vmem>>) dst(%dma_wait3A_306 : memref<256x64xf32, #tpu.memory_space<hbm>>)
    return
  }
}

module attributes {stable_mosaic.version = 14 : i64} {
  func.func @_fuse_body(%arg0: i32, %arg1: memref<64x8192xf32, #tpu.memory_space<vmem>>, %arg2: memref<64x8192xf32, #tpu.memory_space<vmem>>, %arg3: memref<64x8192xf32, #tpu.memory_space<vmem>>, %arg4: memref<64x8192xf32, #tpu.memory_space<vmem>>, %arg5: memref<64x64xf32, #tpu.memory_space<vmem>>, %arg6: memref<64x64xf32, #tpu.memory_space<vmem>>, %arg7: memref<8192x128xf32, #tpu.memory_space<vmem>>) attributes {dimension_semantics = [#tpu.dimension_semantics<arbitrary>], iteration_bounds = array<i64: 62>, scalar_prefetch = 0 : i64, scratch_operands = 0 : i64, tpu.core_type = #tpu.core_type<tc>, window_params = [{transform_indices = @transform_0, window_bounds = array<i64: 64, 8192>}, {transform_indices = @transform_1, window_bounds = array<i64: 64, 8192>}, {transform_indices = @transform_2, window_bounds = array<i64: 64, 8192>}, {transform_indices = @transform_3, window_bounds = array<i64: 64, 8192>}, {pipeline_mode = #tpu.pipeline_mode<synchronous>, transform_indices = @transform_4, window_bounds = array<i64: 64, 64>}, {pipeline_mode = #tpu.pipeline_mode<synchronous>, transform_indices = @transform_5, window_bounds = array<i64: 64, 64>}, {transform_indices = @transform_6, window_bounds = array<i64: 8192, 128>}]} {
    %get3A = arith.constant 0 : index
    %get3A_0 = arith.constant 0 : index
    %get3A_1 = vector.load %arg5[%get3A, %get3A_0] : memref<64x64xf32, #tpu.memory_space<vmem>>, vector<64x64xf32>
    %get3A_2 = arith.constant 0 : index
    %get3A_3 = arith.constant 0 : index
    %get3A_4 = vector.load %arg6[%get3A_2, %get3A_3] : memref<64x64xf32, #tpu.memory_space<vmem>>, vector<64x64xf32>
    %get3A_5 = arith.constant 0 : index
    %get3A_6 = arith.constant 0 : index
    %get3A_7 = vector.load %arg1[%get3A_5, %get3A_6] : memref<64x8192xf32, #tpu.memory_space<vmem>>, vector<64x8192xf32>
    %dot_general3A = arith.constant dense<0.000000e+00> : vector<8192x64xf32>
    %dot_general3A_8 = tpu.matmul %get3A_7, %get3A_1, %dot_general3A {dimension_numbers = #tpu.dot_dimension_numbers<[0], [1], [1], [0], [0, 1, 1, 0], [], []>, transpose_lhs_hint = false} : vector<64x8192xf32>, vector<64x64xf32>, vector<8192x64xf32> -> vector<8192x64xf32>
    %get3A_9 = arith.constant 0 : index
    %get3A_10 = arith.constant 0 : index
    %get3A_11 = vector.load %arg2[%get3A_9, %get3A_10] : memref<64x8192xf32, #tpu.memory_space<vmem>>, vector<64x8192xf32>
    %dot_general3A_12 = arith.constant dense<0.000000e+00> : vector<8192x64xf32>
    %dot_general3A_13 = tpu.matmul %get3A_11, %get3A_4, %dot_general3A_12 {dimension_numbers = #tpu.dot_dimension_numbers<[0], [1], [1], [0], [0, 1, 1, 0], [], []>, transpose_lhs_hint = false} : vector<64x8192xf32>, vector<64x64xf32>, vector<8192x64xf32> -> vector<8192x64xf32>
    %add3A = arith.addf %dot_general3A_8, %dot_general3A_13 : vector<8192x64xf32>
    %get3A_14 = arith.constant 0 : index
    %get3A_15 = arith.constant 0 : index
    %get3A_16 = vector.load %arg3[%get3A_14, %get3A_15] : memref<64x8192xf32, #tpu.memory_space<vmem>>, vector<64x8192xf32>
    %dot_general3A_17 = arith.constant dense<0.000000e+00> : vector<8192x64xf32>
    %dot_general3A_18 = tpu.matmul %get3A_16, %get3A_1, %dot_general3A_17 {dimension_numbers = #tpu.dot_dimension_numbers<[0], [1], [1], [0], [0, 1, 1, 0], [], []>, transpose_lhs_hint = false} : vector<64x8192xf32>, vector<64x64xf32>, vector<8192x64xf32> -> vector<8192x64xf32>
    %get3A_19 = arith.constant 0 : index
    %get3A_20 = arith.constant 0 : index
    %get3A_21 = vector.load %arg4[%get3A_19, %get3A_20] : memref<64x8192xf32, #tpu.memory_space<vmem>>, vector<64x8192xf32>
    %dot_general3A_22 = arith.constant dense<0.000000e+00> : vector<8192x64xf32>
    %dot_general3A_23 = tpu.matmul %get3A_21, %get3A_4, %dot_general3A_22 {dimension_numbers = #tpu.dot_dimension_numbers<[0], [1], [1], [0], [0, 1, 1, 0], [], []>, transpose_lhs_hint = false} : vector<64x8192xf32>, vector<64x64xf32>, vector<8192x64xf32> -> vector<8192x64xf32>
    %add3A_24 = arith.addf %dot_general3A_18, %dot_general3A_23 : vector<8192x64xf32>
    %concatenate3A = tpu.concatenate %add3A, %add3A_24 in 1 : vector<8192x64xf32>, vector<8192x64xf32> -> vector<8192x128xf32>
    %swap3A = arith.constant 0 : index
    %swap3A_25 = arith.constant 0 : index
    %swap3A_26 = vector.load %arg7[%swap3A, %swap3A_25] : memref<8192x128xf32, #tpu.memory_space<vmem>>, vector<8192x128xf32>
    tpu.vector_store %arg7[%swap3A, %swap3A_25], %concatenate3A {strides = array<i32>} : memref<8192x128xf32, #tpu.memory_space<vmem>>, vector<8192x128xf32>,
    return
  }
  func.func @transform_0(%arg0: i32) -> (i32, i32) {
    %c0_i32 = arith.constant 0 : i32
    %c0_i32_0 = arith.constant 0 : i32
    return %c0_i32, %arg0 : i32, i32
  }
  func.func @transform_1(%arg0: i32) -> (i32, i32) {
    %c0_i32 = arith.constant 0 : i32
    %c0_i32_0 = arith.constant 0 : i32
    return %c0_i32, %arg0 : i32, i32
  }
  func.func @transform_2(%arg0: i32) -> (i32, i32) {
    %add3A = arith.constant 62 : i32
    %add3A_0 = arith.addi %arg0, %add3A : i32
    %min3A = arith.constant 122 : i32
    %min3A_1 = arith.minsi %add3A_0, %min3A : i32
    %c0_i32 = arith.constant 0 : i32
    %c0_i32_2 = arith.constant 0 : i32
    return %c0_i32, %min3A_1 : i32, i32
  }
  func.func @transform_3(%arg0: i32) -> (i32, i32) {
    %add3A = arith.constant 62 : i32
    %add3A_0 = arith.addi %arg0, %add3A : i32
    %min3A = arith.constant 122 : i32
    %min3A_1 = arith.minsi %add3A_0, %min3A : i32
    %c0_i32 = arith.constant 0 : i32
    %c0_i32_2 = arith.constant 0 : i32
    return %c0_i32, %min3A_1 : i32, i32
  }
  func.func @transform_4(%arg0: i32) -> (i32, i32) {
    %c0_i32 = arith.constant 0 : i32
    %c0_i32_0 = arith.constant 0 : i32
    %c0_i32_1 = arith.constant 0 : i32
    return %c0_i32, %c0_i32_0 : i32, i32
  }
  func.func @transform_5(%arg0: i32) -> (i32, i32) {
    %c0_i32 = arith.constant 0 : i32
    %c0_i32_0 = arith.constant 0 : i32
    %c0_i32_1 = arith.constant 0 : i32
    return %c0_i32, %c0_i32_0 : i32, i32
  }
  func.func @transform_6(%arg0: i32) -> (i32, i32) {
    %c0_i32 = arith.constant 0 : i32
    %c0_i32_0 = arith.constant 0 : i32
    return %arg0, %c0_i32 : i32, i32
  }
}

module attributes {stable_mosaic.version = 14 : i64} {
  func.func @_pe_body(%arg0: i32, %arg1: memref<10240x128xf32, #tpu.memory_space<vmem>>, %arg2: memref<5x64x1xf32, #tpu.memory_space<vmem>>, %arg3: memref<5x64x4096xf32, #tpu.memory_space<vmem>>) attributes {dimension_semantics = [#tpu.dimension_semantics<arbitrary>], iteration_bounds = array<i64: 20>, scalar_prefetch = 0 : i64, scratch_operands = 0 : i64, tpu.core_type = #tpu.core_type<tc>, window_params = [{transform_indices = @transform_0, window_bounds = array<i64: 10240, 128>}, {transform_indices = @transform_1, window_bounds = array<i64: 5, 64, 1>}, {transform_indices = @transform_2, window_bounds = array<i64: 5, 64, 4096>}]} {
    %get3A = arith.constant 0 : index
    %get3A_0 = arith.constant 0 : index
    %get3A_1 = vector.load %arg1[%get3A, %get3A_0] : memref<10240x128xf32, #tpu.memory_space<vmem>>, vector<2048x128xf32>
    %slice3A = vector.extract_strided_slice %get3A_1 {offsets = [0, 0], sizes = [2048, 64], strides = [1, 1]} : vector<2048x128xf32> to vector<2048x64xf32>
    %transpose3A = tpu.transpose %slice3A, [1, 0] : vector<2048x64xf32> -> vector<64x2048xf32>
    %slice3A_2 = vector.extract_strided_slice %get3A_1 {offsets = [0, 64], sizes = [2048, 64], strides = [1, 1]} : vector<2048x128xf32> to vector<2048x64xf32>
    %transpose3A_3 = tpu.transpose %slice3A_2, [1, 0] : vector<2048x64xf32> -> vector<64x2048xf32>
    %concatenate3A = tpu.concatenate %transpose3A, %transpose3A_3 in 1 : vector<64x2048xf32>, vector<64x2048xf32> -> vector<64x4096xf32>
    %get3A_4 = arith.constant 0 : index
    %get3A_5 = arith.constant 0 : index
    %get3A_6 = arith.constant 0 : index
    %get3A_7 = vector.load %arg2[%get3A_4, %get3A_5, %get3A_6] : memref<5x64x1xf32, #tpu.memory_space<vmem>>, vector<1x64x1xf32>
    %get3A_8 = vector.shape_cast %get3A_7 : vector<1x64x1xf32> to vector<64x1xf32>
    %add3A = vector.broadcast %get3A_8 : vector<64x1xf32> to vector<64x4096xf32>
    %add3A_9 = arith.addf %concatenate3A, %add3A : vector<64x4096xf32>
    %swap3A = arith.constant 0 : index
    %swap3A_10 = arith.constant 0 : index
    %swap3A_11 = arith.constant 0 : index
    %swap3A_12 = vector.load %arg3[%swap3A, %swap3A_10, %swap3A_11] : memref<5x64x4096xf32, #tpu.memory_space<vmem>>, vector<1x64x4096xf32>
    %swap3A_13 = vector.shape_cast %swap3A_12 : vector<1x64x4096xf32> to vector<64x4096xf32>
    %swap3A_14 = vector.shape_cast %add3A_9 : vector<64x4096xf32> to vector<1x64x4096xf32>
    tpu.vector_store %arg3[%swap3A, %swap3A_10, %swap3A_11], %swap3A_14 {strides = array<i32>} : memref<5x64x4096xf32, #tpu.memory_space<vmem>>, vector<1x64x4096xf32>,
    %get3A_15 = arith.constant 2048 : index
    %get3A_16 = arith.constant 0 : index
    %get3A_17 = vector.load %arg1[%get3A_15, %get3A_16] : memref<10240x128xf32, #tpu.memory_space<vmem>>, vector<2048x128xf32>
    %slice3A_18 = vector.extract_strided_slice %get3A_17 {offsets = [0, 0], sizes = [2048, 64], strides = [1, 1]} : vector<2048x128xf32> to vector<2048x64xf32>
    %transpose3A_19 = tpu.transpose %slice3A_18, [1, 0] : vector<2048x64xf32> -> vector<64x2048xf32>
    %slice3A_20 = vector.extract_strided_slice %get3A_17 {offsets = [0, 64], sizes = [2048, 64], strides = [1, 1]} : vector<2048x128xf32> to vector<2048x64xf32>
    %transpose3A_21 = tpu.transpose %slice3A_20, [1, 0] : vector<2048x64xf32> -> vector<64x2048xf32>
    %concatenate3A_22 = tpu.concatenate %transpose3A_19, %transpose3A_21 in 1 : vector<64x2048xf32>, vector<64x2048xf32> -> vector<64x4096xf32>
    %get3A_23 = arith.constant 1 : index
    %get3A_24 = arith.constant 0 : index
    %get3A_25 = arith.constant 0 : index
    %get3A_26 = vector.load %arg2[%get3A_23, %get3A_24, %get3A_25] : memref<5x64x1xf32, #tpu.memory_space<vmem>>, vector<1x64x1xf32>
    %get3A_27 = vector.shape_cast %get3A_26 : vector<1x64x1xf32> to vector<64x1xf32>
    %add3A_28 = vector.broadcast %get3A_27 : vector<64x1xf32> to vector<64x4096xf32>
    %add3A_29 = arith.addf %concatenate3A_22, %add3A_28 : vector<64x4096xf32>
    %swap3A_30 = arith.constant 1 : index
    %swap3A_31 = arith.constant 0 : index
    %swap3A_32 = arith.constant 0 : index
    %swap3A_33 = vector.load %arg3[%swap3A_30, %swap3A_31, %swap3A_32] : memref<5x64x4096xf32, #tpu.memory_space<vmem>>, vector<1x64x4096xf32>
    %swap3A_34 = vector.shape_cast %swap3A_33 : vector<1x64x4096xf32> to vector<64x4096xf32>
    %swap3A_35 = vector.shape_cast %add3A_29 : vector<64x4096xf32> to vector<1x64x4096xf32>
    tpu.vector_store %arg3[%swap3A_30, %swap3A_31, %swap3A_32], %swap3A_35 {strides = array<i32>} : memref<5x64x4096xf32, #tpu.memory_space<vmem>>, vector<1x64x4096xf32>,
    %get3A_36 = arith.constant 4096 : index
    %get3A_37 = arith.constant 0 : index
    %get3A_38 = vector.load %arg1[%get3A_36, %get3A_37] : memref<10240x128xf32, #tpu.memory_space<vmem>>, vector<2048x128xf32>
    %slice3A_39 = vector.extract_strided_slice %get3A_38 {offsets = [0, 0], sizes = [2048, 64], strides = [1, 1]} : vector<2048x128xf32> to vector<2048x64xf32>
    %transpose3A_40 = tpu.transpose %slice3A_39, [1, 0] : vector<2048x64xf32> -> vector<64x2048xf32>
    %slice3A_41 = vector.extract_strided_slice %get3A_38 {offsets = [0, 64], sizes = [2048, 64], strides = [1, 1]} : vector<2048x128xf32> to vector<2048x64xf32>
    %transpose3A_42 = tpu.transpose %slice3A_41, [1, 0] : vector<2048x64xf32> -> vector<64x2048xf32>
    %concatenate3A_43 = tpu.concatenate %transpose3A_40, %transpose3A_42 in 1 : vector<64x2048xf32>, vector<64x2048xf32> -> vector<64x4096xf32>
    %get3A_44 = arith.constant 2 : index
    %get3A_45 = arith.constant 0 : index
    %get3A_46 = arith.constant 0 : index
    %get3A_47 = vector.load %arg2[%get3A_44, %get3A_45, %get3A_46] : memref<5x64x1xf32, #tpu.memory_space<vmem>>, vector<1x64x1xf32>
    %get3A_48 = vector.shape_cast %get3A_47 : vector<1x64x1xf32> to vector<64x1xf32>
    %add3A_49 = vector.broadcast %get3A_48 : vector<64x1xf32> to vector<64x4096xf32>
    %add3A_50 = arith.addf %concatenate3A_43, %add3A_49 : vector<64x4096xf32>
    %swap3A_51 = arith.constant 2 : index
    %swap3A_52 = arith.constant 0 : index
    %swap3A_53 = arith.constant 0 : index
    %swap3A_54 = vector.load %arg3[%swap3A_51, %swap3A_52, %swap3A_53] : memref<5x64x4096xf32, #tpu.memory_space<vmem>>, vector<1x64x4096xf32>
    %swap3A_55 = vector.shape_cast %swap3A_54 : vector<1x64x4096xf32> to vector<64x4096xf32>
    %swap3A_56 = vector.shape_cast %add3A_50 : vector<64x4096xf32> to vector<1x64x4096xf32>
    tpu.vector_store %arg3[%swap3A_51, %swap3A_52, %swap3A_53], %swap3A_56 {strides = array<i32>} : memref<5x64x4096xf32, #tpu.memory_space<vmem>>, vector<1x64x4096xf32>,
    %get3A_57 = arith.constant 6144 : index
    %get3A_58 = arith.constant 0 : index
    %get3A_59 = vector.load %arg1[%get3A_57, %get3A_58] : memref<10240x128xf32, #tpu.memory_space<vmem>>, vector<2048x128xf32>
    %slice3A_60 = vector.extract_strided_slice %get3A_59 {offsets = [0, 0], sizes = [2048, 64], strides = [1, 1]} : vector<2048x128xf32> to vector<2048x64xf32>
    %transpose3A_61 = tpu.transpose %slice3A_60, [1, 0] : vector<2048x64xf32> -> vector<64x2048xf32>
    %slice3A_62 = vector.extract_strided_slice %get3A_59 {offsets = [0, 64], sizes = [2048, 64], strides = [1, 1]} : vector<2048x128xf32> to vector<2048x64xf32>
    %transpose3A_63 = tpu.transpose %slice3A_62, [1, 0] : vector<2048x64xf32> -> vector<64x2048xf32>
    %concatenate3A_64 = tpu.concatenate %transpose3A_61, %transpose3A_63 in 1 : vector<64x2048xf32>, vector<64x2048xf32> -> vector<64x4096xf32>
    %get3A_65 = arith.constant 3 : index
    %get3A_66 = arith.constant 0 : index
    %get3A_67 = arith.constant 0 : index
    %get3A_68 = vector.load %arg2[%get3A_65, %get3A_66, %get3A_67] : memref<5x64x1xf32, #tpu.memory_space<vmem>>, vector<1x64x1xf32>
    %get3A_69 = vector.shape_cast %get3A_68 : vector<1x64x1xf32> to vector<64x1xf32>
    %add3A_70 = vector.broadcast %get3A_69 : vector<64x1xf32> to vector<64x4096xf32>
    %add3A_71 = arith.addf %concatenate3A_64, %add3A_70 : vector<64x4096xf32>
    %swap3A_72 = arith.constant 3 : index
    %swap3A_73 = arith.constant 0 : index
    %swap3A_74 = arith.constant 0 : index
    %swap3A_75 = vector.load %arg3[%swap3A_72, %swap3A_73, %swap3A_74] : memref<5x64x4096xf32, #tpu.memory_space<vmem>>, vector<1x64x4096xf32>
    %swap3A_76 = vector.shape_cast %swap3A_75 : vector<1x64x4096xf32> to vector<64x4096xf32>
    %swap3A_77 = vector.shape_cast %add3A_71 : vector<64x4096xf32> to vector<1x64x4096xf32>
    tpu.vector_store %arg3[%swap3A_72, %swap3A_73, %swap3A_74], %swap3A_77 {strides = array<i32>} : memref<5x64x4096xf32, #tpu.memory_space<vmem>>, vector<1x64x4096xf32>,
    %get3A_78 = arith.constant 8192 : index
    %get3A_79 = arith.constant 0 : index
    %get3A_80 = vector.load %arg1[%get3A_78, %get3A_79] : memref<10240x128xf32, #tpu.memory_space<vmem>>, vector<2048x128xf32>
    %slice3A_81 = vector.extract_strided_slice %get3A_80 {offsets = [0, 0], sizes = [2048, 64], strides = [1, 1]} : vector<2048x128xf32> to vector<2048x64xf32>
    %transpose3A_82 = tpu.transpose %slice3A_81, [1, 0] : vector<2048x64xf32> -> vector<64x2048xf32>
    %slice3A_83 = vector.extract_strided_slice %get3A_80 {offsets = [0, 64], sizes = [2048, 64], strides = [1, 1]} : vector<2048x128xf32> to vector<2048x64xf32>
    %transpose3A_84 = tpu.transpose %slice3A_83, [1, 0] : vector<2048x64xf32> -> vector<64x2048xf32>
    %concatenate3A_85 = tpu.concatenate %transpose3A_82, %transpose3A_84 in 1 : vector<64x2048xf32>, vector<64x2048xf32> -> vector<64x4096xf32>
    %get3A_86 = arith.constant 4 : index
    %get3A_87 = arith.constant 0 : index
    %get3A_88 = arith.constant 0 : index
    %get3A_89 = vector.load %arg2[%get3A_86, %get3A_87, %get3A_88] : memref<5x64x1xf32, #tpu.memory_space<vmem>>, vector<1x64x1xf32>
    %get3A_90 = vector.shape_cast %get3A_89 : vector<1x64x1xf32> to vector<64x1xf32>
    %add3A_91 = vector.broadcast %get3A_90 : vector<64x1xf32> to vector<64x4096xf32>
    %add3A_92 = arith.addf %concatenate3A_85, %add3A_91 : vector<64x4096xf32>
    %swap3A_93 = arith.constant 4 : index
    %swap3A_94 = arith.constant 0 : index
    %swap3A_95 = arith.constant 0 : index
    %swap3A_96 = vector.load %arg3[%swap3A_93, %swap3A_94, %swap3A_95] : memref<5x64x4096xf32, #tpu.memory_space<vmem>>, vector<1x64x4096xf32>
    %swap3A_97 = vector.shape_cast %swap3A_96 : vector<1x64x4096xf32> to vector<64x4096xf32>
    %swap3A_98 = vector.shape_cast %add3A_92 : vector<64x4096xf32> to vector<1x64x4096xf32>
    tpu.vector_store %arg3[%swap3A_93, %swap3A_94, %swap3A_95], %swap3A_98 {strides = array<i32>} : memref<5x64x4096xf32, #tpu.memory_space<vmem>>, vector<1x64x4096xf32>,
    return
  }
  func.func @transform_0(%arg0: i32) -> (i32, i32) {
    %c0_i32 = arith.constant 0 : i32
    %c0_i32_0 = arith.constant 0 : i32
    return %arg0, %c0_i32 : i32, i32
  }
  func.func @transform_1(%arg0: i32) -> (i32, i32, i32) {
    %add3A = arith.constant 0 : i32
    %add3A_0 = arith.addi %arg0, %add3A : i32
    %c0_i32 = arith.constant 0 : i32
    %c0_i32_1 = arith.constant 0 : i32
    %c0_i32_2 = arith.constant 0 : i32
    return %add3A_0, %c0_i32, %c0_i32_1 : i32, i32, i32
  }
  func.func @transform_2(%arg0: i32) -> (i32, i32, i32) {
    %add3A = arith.constant 0 : i32
    %add3A_0 = arith.addi %arg0, %add3A : i32
    %c0_i32 = arith.constant 0 : i32
    %c0_i32_1 = arith.constant 0 : i32
    %c0_i32_2 = arith.constant 0 : i32
    return %add3A_0, %c0_i32, %c0_i32_1 : i32, i32, i32
  }
}

module attributes {stable_mosaic.version = 14 : i64} {
  func.func @_pe_body_alias(%arg0: i32, %arg1: memref<10240x128xf32, #tpu.memory_space<vmem>>, %arg2: memref<5x64x1xf32, #tpu.memory_space<vmem>>, %arg3: memref<200x64x4096xf32, #tpu.memory_space<hbm>>, %arg4: memref<5x64x4096xf32, #tpu.memory_space<vmem>>) attributes {dimension_semantics = [#tpu.dimension_semantics<arbitrary>], iteration_bounds = array<i64: 20>, scalar_prefetch = 0 : i64, scratch_operands = 0 : i64, tpu.core_type = #tpu.core_type<tc>, window_params = [{transform_indices = @transform_0, window_bounds = array<i64: 10240, 128>}, {transform_indices = @transform_1, window_bounds = array<i64: 5, 64, 1>}, {}, {transform_indices = @transform_3, window_bounds = array<i64: 5, 64, 4096>}]} {
    %get3A = arith.constant 0 : index
    %get3A_0 = arith.constant 0 : index
    %get3A_1 = vector.load %arg1[%get3A, %get3A_0] : memref<10240x128xf32, #tpu.memory_space<vmem>>, vector<2048x128xf32>
    %slice3A = vector.extract_strided_slice %get3A_1 {offsets = [0, 0], sizes = [2048, 64], strides = [1, 1]} : vector<2048x128xf32> to vector<2048x64xf32>
    %transpose3A = tpu.transpose %slice3A, [1, 0] : vector<2048x64xf32> -> vector<64x2048xf32>
    %slice3A_2 = vector.extract_strided_slice %get3A_1 {offsets = [0, 64], sizes = [2048, 64], strides = [1, 1]} : vector<2048x128xf32> to vector<2048x64xf32>
    %transpose3A_3 = tpu.transpose %slice3A_2, [1, 0] : vector<2048x64xf32> -> vector<64x2048xf32>
    %concatenate3A = tpu.concatenate %transpose3A, %transpose3A_3 in 1 : vector<64x2048xf32>, vector<64x2048xf32> -> vector<64x4096xf32>
    %get3A_4 = arith.constant 0 : index
    %get3A_5 = arith.constant 0 : index
    %get3A_6 = arith.constant 0 : index
    %get3A_7 = vector.load %arg2[%get3A_4, %get3A_5, %get3A_6] : memref<5x64x1xf32, #tpu.memory_space<vmem>>, vector<1x64x1xf32>
    %get3A_8 = vector.shape_cast %get3A_7 : vector<1x64x1xf32> to vector<64x1xf32>
    %add3A = vector.broadcast %get3A_8 : vector<64x1xf32> to vector<64x4096xf32>
    %add3A_9 = arith.addf %concatenate3A, %add3A : vector<64x4096xf32>
    %swap3A = arith.constant 0 : index
    %swap3A_10 = arith.constant 0 : index
    %swap3A_11 = arith.constant 0 : index
    %swap3A_12 = vector.load %arg4[%swap3A, %swap3A_10, %swap3A_11] : memref<5x64x4096xf32, #tpu.memory_space<vmem>>, vector<1x64x4096xf32>
    %swap3A_13 = vector.shape_cast %swap3A_12 : vector<1x64x4096xf32> to vector<64x4096xf32>
    %swap3A_14 = vector.shape_cast %add3A_9 : vector<64x4096xf32> to vector<1x64x4096xf32>
    tpu.vector_store %arg4[%swap3A, %swap3A_10, %swap3A_11], %swap3A_14 {strides = array<i32>} : memref<5x64x4096xf32, #tpu.memory_space<vmem>>, vector<1x64x4096xf32>,
    %get3A_15 = arith.constant 2048 : index
    %get3A_16 = arith.constant 0 : index
    %get3A_17 = vector.load %arg1[%get3A_15, %get3A_16] : memref<10240x128xf32, #tpu.memory_space<vmem>>, vector<2048x128xf32>
    %slice3A_18 = vector.extract_strided_slice %get3A_17 {offsets = [0, 0], sizes = [2048, 64], strides = [1, 1]} : vector<2048x128xf32> to vector<2048x64xf32>
    %transpose3A_19 = tpu.transpose %slice3A_18, [1, 0] : vector<2048x64xf32> -> vector<64x2048xf32>
    %slice3A_20 = vector.extract_strided_slice %get3A_17 {offsets = [0, 64], sizes = [2048, 64], strides = [1, 1]} : vector<2048x128xf32> to vector<2048x64xf32>
    %transpose3A_21 = tpu.transpose %slice3A_20, [1, 0] : vector<2048x64xf32> -> vector<64x2048xf32>
    %concatenate3A_22 = tpu.concatenate %transpose3A_19, %transpose3A_21 in 1 : vector<64x2048xf32>, vector<64x2048xf32> -> vector<64x4096xf32>
    %get3A_23 = arith.constant 1 : index
    %get3A_24 = arith.constant 0 : index
    %get3A_25 = arith.constant 0 : index
    %get3A_26 = vector.load %arg2[%get3A_23, %get3A_24, %get3A_25] : memref<5x64x1xf32, #tpu.memory_space<vmem>>, vector<1x64x1xf32>
    %get3A_27 = vector.shape_cast %get3A_26 : vector<1x64x1xf32> to vector<64x1xf32>
    %add3A_28 = vector.broadcast %get3A_27 : vector<64x1xf32> to vector<64x4096xf32>
    %add3A_29 = arith.addf %concatenate3A_22, %add3A_28 : vector<64x4096xf32>
    %swap3A_30 = arith.constant 1 : index
    %swap3A_31 = arith.constant 0 : index
    %swap3A_32 = arith.constant 0 : index
    %swap3A_33 = vector.load %arg4[%swap3A_30, %swap3A_31, %swap3A_32] : memref<5x64x4096xf32, #tpu.memory_space<vmem>>, vector<1x64x4096xf32>
    %swap3A_34 = vector.shape_cast %swap3A_33 : vector<1x64x4096xf32> to vector<64x4096xf32>
    %swap3A_35 = vector.shape_cast %add3A_29 : vector<64x4096xf32> to vector<1x64x4096xf32>
    tpu.vector_store %arg4[%swap3A_30, %swap3A_31, %swap3A_32], %swap3A_35 {strides = array<i32>} : memref<5x64x4096xf32, #tpu.memory_space<vmem>>, vector<1x64x4096xf32>,
    %get3A_36 = arith.constant 4096 : index
    %get3A_37 = arith.constant 0 : index
    %get3A_38 = vector.load %arg1[%get3A_36, %get3A_37] : memref<10240x128xf32, #tpu.memory_space<vmem>>, vector<2048x128xf32>
    %slice3A_39 = vector.extract_strided_slice %get3A_38 {offsets = [0, 0], sizes = [2048, 64], strides = [1, 1]} : vector<2048x128xf32> to vector<2048x64xf32>
    %transpose3A_40 = tpu.transpose %slice3A_39, [1, 0] : vector<2048x64xf32> -> vector<64x2048xf32>
    %slice3A_41 = vector.extract_strided_slice %get3A_38 {offsets = [0, 64], sizes = [2048, 64], strides = [1, 1]} : vector<2048x128xf32> to vector<2048x64xf32>
    %transpose3A_42 = tpu.transpose %slice3A_41, [1, 0] : vector<2048x64xf32> -> vector<64x2048xf32>
    %concatenate3A_43 = tpu.concatenate %transpose3A_40, %transpose3A_42 in 1 : vector<64x2048xf32>, vector<64x2048xf32> -> vector<64x4096xf32>
    %get3A_44 = arith.constant 2 : index
    %get3A_45 = arith.constant 0 : index
    %get3A_46 = arith.constant 0 : index
    %get3A_47 = vector.load %arg2[%get3A_44, %get3A_45, %get3A_46] : memref<5x64x1xf32, #tpu.memory_space<vmem>>, vector<1x64x1xf32>
    %get3A_48 = vector.shape_cast %get3A_47 : vector<1x64x1xf32> to vector<64x1xf32>
    %add3A_49 = vector.broadcast %get3A_48 : vector<64x1xf32> to vector<64x4096xf32>
    %add3A_50 = arith.addf %concatenate3A_43, %add3A_49 : vector<64x4096xf32>
    %swap3A_51 = arith.constant 2 : index
    %swap3A_52 = arith.constant 0 : index
    %swap3A_53 = arith.constant 0 : index
    %swap3A_54 = vector.load %arg4[%swap3A_51, %swap3A_52, %swap3A_53] : memref<5x64x4096xf32, #tpu.memory_space<vmem>>, vector<1x64x4096xf32>
    %swap3A_55 = vector.shape_cast %swap3A_54 : vector<1x64x4096xf32> to vector<64x4096xf32>
    %swap3A_56 = vector.shape_cast %add3A_50 : vector<64x4096xf32> to vector<1x64x4096xf32>
    tpu.vector_store %arg4[%swap3A_51, %swap3A_52, %swap3A_53], %swap3A_56 {strides = array<i32>} : memref<5x64x4096xf32, #tpu.memory_space<vmem>>, vector<1x64x4096xf32>,
    %get3A_57 = arith.constant 6144 : index
    %get3A_58 = arith.constant 0 : index
    %get3A_59 = vector.load %arg1[%get3A_57, %get3A_58] : memref<10240x128xf32, #tpu.memory_space<vmem>>, vector<2048x128xf32>
    %slice3A_60 = vector.extract_strided_slice %get3A_59 {offsets = [0, 0], sizes = [2048, 64], strides = [1, 1]} : vector<2048x128xf32> to vector<2048x64xf32>
    %transpose3A_61 = tpu.transpose %slice3A_60, [1, 0] : vector<2048x64xf32> -> vector<64x2048xf32>
    %slice3A_62 = vector.extract_strided_slice %get3A_59 {offsets = [0, 64], sizes = [2048, 64], strides = [1, 1]} : vector<2048x128xf32> to vector<2048x64xf32>
    %transpose3A_63 = tpu.transpose %slice3A_62, [1, 0] : vector<2048x64xf32> -> vector<64x2048xf32>
    %concatenate3A_64 = tpu.concatenate %transpose3A_61, %transpose3A_63 in 1 : vector<64x2048xf32>, vector<64x2048xf32> -> vector<64x4096xf32>
    %get3A_65 = arith.constant 3 : index
    %get3A_66 = arith.constant 0 : index
    %get3A_67 = arith.constant 0 : index
    %get3A_68 = vector.load %arg2[%get3A_65, %get3A_66, %get3A_67] : memref<5x64x1xf32, #tpu.memory_space<vmem>>, vector<1x64x1xf32>
    %get3A_69 = vector.shape_cast %get3A_68 : vector<1x64x1xf32> to vector<64x1xf32>
    %add3A_70 = vector.broadcast %get3A_69 : vector<64x1xf32> to vector<64x4096xf32>
    %add3A_71 = arith.addf %concatenate3A_64, %add3A_70 : vector<64x4096xf32>
    %swap3A_72 = arith.constant 3 : index
    %swap3A_73 = arith.constant 0 : index
    %swap3A_74 = arith.constant 0 : index
    %swap3A_75 = vector.load %arg4[%swap3A_72, %swap3A_73, %swap3A_74] : memref<5x64x4096xf32, #tpu.memory_space<vmem>>, vector<1x64x4096xf32>
    %swap3A_76 = vector.shape_cast %swap3A_75 : vector<1x64x4096xf32> to vector<64x4096xf32>
    %swap3A_77 = vector.shape_cast %add3A_71 : vector<64x4096xf32> to vector<1x64x4096xf32>
    tpu.vector_store %arg4[%swap3A_72, %swap3A_73, %swap3A_74], %swap3A_77 {strides = array<i32>} : memref<5x64x4096xf32, #tpu.memory_space<vmem>>, vector<1x64x4096xf32>,
    %get3A_78 = arith.constant 8192 : index
    %get3A_79 = arith.constant 0 : index
    %get3A_80 = vector.load %arg1[%get3A_78, %get3A_79] : memref<10240x128xf32, #tpu.memory_space<vmem>>, vector<2048x128xf32>
    %slice3A_81 = vector.extract_strided_slice %get3A_80 {offsets = [0, 0], sizes = [2048, 64], strides = [1, 1]} : vector<2048x128xf32> to vector<2048x64xf32>
    %transpose3A_82 = tpu.transpose %slice3A_81, [1, 0] : vector<2048x64xf32> -> vector<64x2048xf32>
    %slice3A_83 = vector.extract_strided_slice %get3A_80 {offsets = [0, 64], sizes = [2048, 64], strides = [1, 1]} : vector<2048x128xf32> to vector<2048x64xf32>
    %transpose3A_84 = tpu.transpose %slice3A_83, [1, 0] : vector<2048x64xf32> -> vector<64x2048xf32>
    %concatenate3A_85 = tpu.concatenate %transpose3A_82, %transpose3A_84 in 1 : vector<64x2048xf32>, vector<64x2048xf32> -> vector<64x4096xf32>
    %get3A_86 = arith.constant 4 : index
    %get3A_87 = arith.constant 0 : index
    %get3A_88 = arith.constant 0 : index
    %get3A_89 = vector.load %arg2[%get3A_86, %get3A_87, %get3A_88] : memref<5x64x1xf32, #tpu.memory_space<vmem>>, vector<1x64x1xf32>
    %get3A_90 = vector.shape_cast %get3A_89 : vector<1x64x1xf32> to vector<64x1xf32>
    %add3A_91 = vector.broadcast %get3A_90 : vector<64x1xf32> to vector<64x4096xf32>
    %add3A_92 = arith.addf %concatenate3A_85, %add3A_91 : vector<64x4096xf32>
    %swap3A_93 = arith.constant 4 : index
    %swap3A_94 = arith.constant 0 : index
    %swap3A_95 = arith.constant 0 : index
    %swap3A_96 = vector.load %arg4[%swap3A_93, %swap3A_94, %swap3A_95] : memref<5x64x4096xf32, #tpu.memory_space<vmem>>, vector<1x64x4096xf32>
    %swap3A_97 = vector.shape_cast %swap3A_96 : vector<1x64x4096xf32> to vector<64x4096xf32>
    %swap3A_98 = vector.shape_cast %add3A_92 : vector<64x4096xf32> to vector<1x64x4096xf32>
    tpu.vector_store %arg4[%swap3A_93, %swap3A_94, %swap3A_95], %swap3A_98 {strides = array<i32>} : memref<5x64x4096xf32, #tpu.memory_space<vmem>>, vector<1x64x4096xf32>,
    return
  }
  func.func @transform_0(%arg0: i32) -> (i32, i32) {
    %c0_i32 = arith.constant 0 : i32
    %c0_i32_0 = arith.constant 0 : i32
    return %arg0, %c0_i32 : i32, i32
  }
  func.func @transform_1(%arg0: i32) -> (i32, i32, i32) {
    %add3A = arith.constant 20 : i32
    %add3A_0 = arith.addi %arg0, %add3A : i32
    %c0_i32 = arith.constant 0 : i32
    %c0_i32_1 = arith.constant 0 : i32
    %c0_i32_2 = arith.constant 0 : i32
    return %add3A_0, %c0_i32, %c0_i32_1 : i32, i32, i32
  }
  func.func @transform_3(%arg0: i32) -> (i32, i32, i32) {
    %add3A = arith.constant 20 : i32
    %add3A_0 = arith.addi %arg0, %add3A : i32
    %c0_i32 = arith.constant 0 : i32
    %c0_i32_1 = arith.constant 0 : i32
    %c0_i32_2 = arith.constant 0 : i32
    return %add3A_0, %c0_i32, %c0_i32_1 : i32, i32, i32
  }
}

</mosaic_0001>

<sc_bundles>
// kernel: kernel.10.cloned.1.call-start
scs
__scs_entry_jumppad:
0x0: {  	(pc) =	sbr.rel $0x88, $3  }
0x1: {  	(tag) =	ssettag $0x0;
	lr =	simm.s32 $0x1  }
0x2: {  	[smem:$0x3F9B] =	sst lr;
	_ =	strace $0xD0000000  }
0x3: {  	_ = 	snop  }
0x4: {  	_ = 	snop  }
0x5: {  	_ = 	snop  }
0x6: {  	_ = 	snop  }
0x7: {  	_ = 	snop  }
__scs_overlays_trampoline_lowered:
0x8: {  	[smem:$0x3FAA] =	sst s0  }
0x9: {  	[smem:$0x3FAB] =	sst s1  }
0xa: {  	[smem:$0x3FAC] =	sst s2  }
0xb: {  	[smem:$0x3FAD] =	sst s3  }
0xc: {  	[smem:$0x3FAE] =	sst s4  }
0xd: {  	[smem:$0x3FAF] =	sst s5  }
0xe: {  	[smem:$0x3FB0] =	sst s6  }
0xf: {  	[smem:$0x3FB1] =	sst s7  }
0x10: {  	[smem:$0x3FB2] =	sst s8  }
0x11: {  	[smem:$0x3FB3] =	sst s9;
	s0 =	simm.s32 @!p0 $0x0  }
0x12: {  	s1 =	sld [smem:$0x3F99];
	s0 =	simm.s32 @p0 $0x1  }
0x13: {  	[smem:$0x3FB4] =	sst s0;
	s0 =	simm.s32 @!p1 $0x0  }
0x14: {  	s2 =	sld [smem:$0x3F98];
	s0 =	simm.s32 @p1 $0x1  }
0x15: {  	[smem:$0x3FB5] =	sst s0;
	s0 =	simm.s32 @!p2 $0x0  }
0x16: {  	s3 =	sld [smem:$0x3FDB];
	s0 =	simm.s32 @p2 $0x1  }
0x17: {  	s4 =	simm.s32 $0x1BF5;
	[smem:$0x3FB7] =	sst s0  }
0x18: {  	s0 =	sld [smem:$0x3F9A];
	_ =	swait.ge [sflag:s4], $0x0  }
0x19: {  	s7 =	sld [smem:$0x3F9B]  }
0x1a: {  	s8 =	sadd.s32 $0xFFFFE003, lr  }
0x1b: {  	s9 =	sadd.s32 $0xFFFFFEF7, lr;
	s5 =	simm.s32 $0xFFFFFFFF;
	p2 =	slt.u32 s8, $0xFFFFF086  }
0x1c: {  	p1 =	slt.u32 s9, $0xF7A;
	s5 =	simm.s32 @!p2 $0x0  }
0x1d: {  	s5 =	simm.s32 @p1 $0x1;
	p0 =	seq.s32 s7, s2  }
0x1e: {  	s7 =	smul.u32 @!p0 $0xF7A, s2;
	p2 =	seq.s32 @!p0 s5, $0x0  }
0x1f: {  	s9 =	smul.u32 $0xF7A, s1;
	s8 =	simm.s32 @!p0 $0x1BF5;
	p2 =	por !p2, p0  }
0x20: {  	[sflag:s8] =	ssyncset.s32 @!p0 $0xFFFFF086;
	s6 =	sadd.s32 @!p0 s3, s7;
	s7 =	simm.s32 @!p0 $0x108  }
0x21: {  	s3 =	sadd.s32 s3, s9;
	s6 =	sadd.s32 @!p0 $0x88, s6;
	s7 =	simm.s32 @p2 $0x1082  }
0x22: {  	[simem:s7], [sflag:s8] =	dma.local @!p0 [hbm:s6], $0xF7A  }
0x23: {  	s9 =	sor.u32 $0xD0000000, s2;
	s6 =	simm.s32 $0x108;
	_ =	swait.ge @!p0 [sflag:s8], $0x0  }
0x24: {  	s3 =	sadd.s32 $0x88, s3;
	s6 =	simm.s32 @!p1 $0x1082;
	[sflag:s4] =	ssyncset.s32 $0xFFFFF086  }
0x25: {  	[simem:s6], [sflag:s4] =	dma.local [hbm:s3], $0xF7A  }
0x26: {  	[smem:$0x3F9B] =	sst s1;
	(tag) =	ssettag s2;
	_ =	strace s9  }
0x27: {  	s1 =	sld [smem:$0x3FAB]  }
0x28: {  	s2 =	sld [smem:$0x3FAC]  }
0x29: {  	s4 =	sld [smem:$0x3FAE]  }
0x2a: {  	p0 =	seq.s32 s5, $0x0;
	s5 =	sld [smem:$0x3FAF]  }
0x2b: {  	s6 =	sld [smem:$0x3FB0]  }
0x2c: {  	s7 =	sld [smem:$0x3FB1]  }
0x2d: {  	s3 =	simm.s32 $0x108;
	s8 =	sld [smem:$0x3FB2]  }
0x2e: {  	s3 =	simm.s32 @!p0 $0x1082;
	s9 =	sld [smem:$0x3FB3]  }
0x2f: {  	lr =	sadd.s32 s0, s3;
	s0 =	sld [smem:$0x3FAA]  }
0x30: {  	s3 =	sld [smem:$0x3FAD]  }
0x31: {  	[smem:$0x3FB6] =	sst s10  }
0x32: {  	s10 =	sld [smem:$0x3FB4];
	_ =	sdelay $0x3  }
0x33: {  	p0 =	seq.s32 s10, $0x1;
	s10 =	sld [smem:$0x3FB6];
	_ =	sdelay $0x3  }
0x34: {  	[smem:$0x3FB6] =	sst s10  }
0x35: {  	s10 =	sld [smem:$0x3FB5];
	_ =	sdelay $0x3  }
0x36: {  	p1 =	seq.s32 s10, $0x1;
	s10 =	sld [smem:$0x3FB6];
	_ =	sdelay $0x3  }
0x37: {  	[smem:$0x3FB6] =	sst s10  }
0x38: {  	s10 =	sld [smem:$0x3FB7]  }
0x39: {  	_ = 	snop;
	(pc) =	sbr.ind lr, $3  }
0x3a: {  	_ = 	snop  }
0x3b: {  	_ = 	snop  }
0x3c: {  	p2 =	seq.s32 s10, $0x1;
	s10 =	sld [smem:$0x3FB6]  }
0x3d: {  	_ =	shalt  }
0x3e: {  	_ =	shalt  }
0x3f: {  	_ =	shalt  }
0x40: {  	_ =	shalt  }
0x41: {  	_ =	shalt  }
0x42: {  	_ =	shalt  }
0x43: {  	_ =	shalt  }
0x44: {  	_ =	shalt  }
0x45: {  	_ =	shalt  }
0x46: {  	_ =	shalt  }
0x47: {  	_ =	shalt  }
0x48: {  	_ =	shalt  }
0x49: {  	_ =	shalt  }
0x4a: {  	_ =	shalt  }
0x4b: {  	_ =	shalt  }
0x4c: {  	_ =	shalt  }
0x4d: {  	_ =	shalt  }
0x4e: {  	_ =	shalt  }
0x4f: {  	_ =	shalt  }
0x50: {  	_ =	shalt  }
0x51: {  	_ =	shalt  }
0x52: {  	_ =	shalt  }
0x53: {  	_ =	shalt  }
0x54: {  	_ =	shalt  }
0x55: {  	_ =	shalt  }
0x56: {  	_ =	shalt  }
0x57: {  	_ =	shalt  }
0x58: {  	_ =	shalt  }
0x59: {  	_ =	shalt  }
0x5a: {  	_ =	shalt  }
0x5b: {  	_ =	shalt  }
0x5c: {  	_ =	shalt  }
0x5d: {  	_ =	shalt  }
0x5e: {  	_ =	shalt  }
0x5f: {  	_ =	shalt  }
0x60: {  	_ =	shalt  }
0x61: {  	_ =	shalt  }
0x62: {  	_ =	shalt  }
0x63: {  	_ =	shalt  }
0x64: {  	_ =	shalt  }
0x65: {  	_ =	shalt  }
0x66: {  	_ =	shalt  }
0x67: {  	_ =	shalt  }
0x68: {  	_ =	shalt  }
0x69: {  	_ =	shalt  }
0x6a: {  	_ =	shalt  }
0x6b: {  	_ =	shalt  }
0x6c: {  	_ =	shalt  }
0x6d: {  	_ =	shalt  }
0x6e: {  	_ =	shalt  }
0x6f: {  	_ =	shalt  }
0x70: {  	_ =	shalt  }
0x71: {  	_ =	shalt  }
0x72: {  	_ =	shalt  }
0x73: {  	_ =	shalt  }
0x74: {  	_ =	shalt  }
0x75: {  	_ =	shalt  }
0x76: {  	_ =	shalt  }
0x77: {  	_ =	shalt  }
0x78: {  	_ =	shalt  }
0x79: {  	_ =	shalt  }
0x7a: {  	_ =	shalt  }
0x7b: {  	_ =	shalt  }
0x7c: {  	_ =	shalt  }
0x7d: {  	_ =	shalt  }
0x7e: {  	_ =	shalt  }
0x7f: {  	_ =	shalt  }
0x80: {  	_ =	shalt  }
0x81: {  	_ =	shalt  }
0x82: {  	_ =	shalt  }
0x83: {  	_ =	shalt  }
0x84: {  	_ =	shalt  }
0x85: {  	_ =	shalt  }
0x86: {  	_ =	shalt  }
0x87: {  	_ =	shalt  }
.Lfunc_end0:
.L_simem_size_0:
called_computation.1_lowered:
.L_overlay_start_0:
0x88: {  	s2 =	sld [smem:$0x3FD9]  }
0x89: {  	s3 =	sld [smem:$0x3FFE];
	_ =	sdelay $0x1  }
0x8a: {  	s1 =	srdreg.scid  }
0x8b: {  	s0 =	sand.u32 $0x1, s1  }
0x8c: {  	s17 =	sshll.u32 s0, $0xA;
	s2 =	sadd.s32 s3, s2  }
0x8d: {  	s2 =	sadd.s32 s2, s17  }
0x8e: {  	[smem:$0x3FC2] =	sst s2  }
0x8f: {  	_ = 	snop  }
0x90: {  	(tm) =	ssettm $0x1  }
0x91: {  	s18 =	sld [smem:$0x3FFB];
	_ =	sdelay $0x3  }
0x92: {  	_ =	strace s18  }
0x93: {  	s2 =	sld [smem:$0x3FFC];
	_ =	sdelay $0x3  }
0x94: {  	_ =	strace s2  }
0x95: {  	s2 =	sld [smem:$0x3FFD];
	_ =	sdelay $0x3  }
0x96: {  	_ =	strace s2  }
0x97: {  	_ =	strace $0x8FFFFFFF  }
0x98: {  	s19 =	sld [smem:$0x3FDB];
	_ =	sdelay $0x1  }
0x99: {  	s20 =	simm.s32 $_scs_section_size  }
0x9a: {  	s4 =	simm.s32 $_size__tile_overlayer_lowered;
	s5 =	simm.s32 $_tile_overlayer_lowered  }
0x9b: {  	s6 =	simm.s32 $0x1BFF;
	s21 =	sshll.u32 s5, $0x1;
	s3 =	sadd.s32 s20, s19  }
0x9c: {  	s22 =	simm.s32 $0x0;
	s4 =	sshll.u32 s4, $0x1;
	s5 =	sadd.s32 s21, s3  }
0x9d: {  	[timem:s22], [sflag:s6] =	dma.local [hbm:s5], s4  }
0x9e: {  	_ =	swait.ge [sflag:s6], s4  }
0x9f: {  	s4 =	ssub.s32 $0x0, s4;
	[sflag:s6] =	ssyncset.done $0x0  }
0xa0: {  	[sflag:s6] =	ssyncadd.s32 s4;
	_ =	sdelay $0x1  }
0xa1: {  	s23 =	simm.s32 $0x1B8B  }
0xa2: {  	_ =	swait.ge [sflag:s23], $0x1  }
0xa3: {  	[sflag:s23] =	ssyncset.done $0x0  }
0xa4: {  	[sflag:s23] =	ssyncadd.s32 $0xFFFFFFFF  }
0xa5: {  	s4 =	sld [smem:$0x0]  }
0xa6: {  	s5 =	sand.u32 $0xFFFFFFFE, s1  }
0xa7: {  	p0 =	sne.s32 s1, s5  }
0xa8: {  	s5 =	sshll.u32 @p0 s5, $0xE  }
0xa9: {  	s5 =	sadd.s32 @p0 $0x11B8D, s5;
	s6 =	sshll.u32 @p0 s4, $0x11  }
0xaa: {  	s5 =	sor.u32 @p0 s6, s5  }
0xab: {  	[sflag:s5] =	ssyncadd.remote.s32 @p0 $0x1;
	_ =	sdelay $0x1  }
0xac: {  	s5 =	simm.s32 @p0 $0x1B8D  }
0xad: {  	_ =	swait.eq @p0 [sflag:s5], $0x1  }
0xae: {  	[sflag:s5] =	ssyncadd.s32 @p0 $0xFFFFFFFF  }
0xaf: {  	s6 =	sshll.u32 @!p0 s1, $0xE  }
0xb0: {  	s6 =	sor.u32 @!p0 $0x4000, s6;
	s5 =	simm.s32 @!p0 $0x1B8D  }
0xb1: {  	s4 =	sshll.u32 @!p0 s4, $0x11;
	s6 =	sadd.s32 @!p0 $0x11B8D, s6;
	_ =	swait.eq @!p0 [sflag:s5], $0x1  }
0xb2: {  	s4 =	sor.u32 @!p0 s4, s6;
	[sflag:s5] =	ssyncadd.s32 @!p0 $0xFFFFFFFF  }
0xb3: {  	s25 =	simm.s32 $0x1B8E;
	s24 =	sld [smem:$0x3FFE];
	[sflag:s4] =	ssyncadd.remote.s32 @!p0 $0x1  }
0xb4: {  	s26 =	simm.s32 $execute0_lowered;
	[smem:$0x3FD2] =	sst s25  }
0xb5: {  	s5 =	sshll.u32 s26, $0x1;
	_ =	strace $0x80000049;
	[dreg:$0x1] =	wrdreg $0xFFFFFFFF  }
0xb6: {  	s28 =	simm.s32 $_size_execute0_lowered;
	s3 =	sadd.s32 s3, s5;
	[dreg:$0x0] =	wrdreg $0x0  }
0xb7: {  	s5 =	sshll.u32 s28, $0x1;
	[dreg:$0x2] =	wrdreg s3  }
0xb8: {  	[dreg:$0x3] =	wrdreg s5  }
0xb9: {  	[dreg:$0x4] =	wrdreg $0xC0  }
0xba: {  	_ =	task [dreg:s22], $0x5FFFF  }
0xbb: {  	[dreg:$0x1] =	wrdreg $0xFFFFFFFF  }
0xbc: {  	[dreg:$0x0] =	wrdreg $0x60  }
0xbd: {  	[dreg:$0x2] =	wrdreg s24  }
0xbe: {  	[dreg:$0x3] =	wrdreg $0xA  }
0xbf: {  	_ =	task.clear_ibuf [dreg:s22], $0x4FFFF;
	_ =	strace $0x90000049  }
0xc0: {  	s29 =	simm.s32 $0xA;
	_ =	strace $0x8000004B  }
0xc1: {  	_ =	swait.ge [sflag:s29], $0x1  }
0xc2: {  	[sflag:s29] =	ssyncadd.s32 $0xFFFFFFFF  }
0xc3: {  	_ =	strace $0x9000004B  }
0xc4: {  	_ =	sfence  }
0xc5: {  	s30 =	sld [smem:$0x0];
	_ =	sdelay $0x2  }
0xc6: {  	s31 =	sshll.u32 s1, $0xD;
	s1 =	sshrl.u32 s1, $0x2  }
0xc7: {  	s4 =	sand.u32 $0x4000, s31;
	s1 =	sadd.s32 s1, s30  }
0xc8: {  	s0 =	sor.u32 s4, s0;
	s1 =	sshll.u32 s1, $0x11  }
0xc9: {  	s0 =	sor.u32 s1, s0  }
0xca: {  	s0 =	sadd.s32 $0x8F2B, s0  }
0xcb: {  	[sflag:s0] =	ssyncadd.remote.s32 $0x1  }
0xcc: {  	_ =	sfence.sel $0xFFFF  }
0xcd: {  	[dreg:$0x0] =	wrdreg $0xFFFFFFFF;
	(pc) =	sbr.abs _section_cstart, $3  }
0xce: {  	[dreg:$0x1] =	wrdreg $0xFFFFFFFF  }
0xcf: {  	_ =	task.clear_ibuf [dreg:s22], $0x2FFFF;
	_ =	strace $0x9FFFFFFF  }
0xd0: {  	(tm) =	ssettm $0x7FFFFFFF  }
0xd1: {  	_ =	shalt  }
tec
execute0_lowered:
.L_overlay_start_1:
0x0: {  	(tag) =	ssettag $0x1  }
0x1: {  	s0 =	srdreg.scid  }
0x2: {  	s12 =	stileid.u32;
	s1 =	rddreg [dreg:$0x0]  }
0x3: {  	s2 =	simm.s32 $0x0;
	s13 =	simm.s32 $0x5;
	s14 =	simm.s32 $0x100  }
0x4: {  	s15 =	simm.s32 $0x80;
	s25 =	simm.s32 $0x280;
	s26 =	simm.s32 $0xA400  }
0x5: {  	s29 =	simm.s32 $0x380;
	s30 =	simm.s32 $0xE400;
	s28 =	simm.s32 $0x2  }
0x6: {  	s31 =	simm.s32 $0x0;
	s0 =	sand.u32 $0x1, s0;
	s3 =	sshll.u32 s12, $0x1  }
0x7: {  	[smem:$0x7FF] =	sst s2;
	s4 =	sadd.s32 $0x1A000, s1;
	s5 =	sadd.s32 $0xAFA000, s1  }
0x8: {  	s18 =	smul.u32 $0x3200, s12;
	_ =	strace $0x8000004A;
	[dreg:$0x3] =	wrdreg s25  }
0x9: {  	s22 =	smul.u32 $0x32, s12;
	s6 =	sor.u32 s0, s3;
	[dreg:$0x4] =	wrdreg s26  }
0xa: {  	s3 =	sadd.s32 $0x1000, s1;
	s20 =	smul.u32 $0x1900, s0;
	[dreg:$0x5] =	wrdreg s29  }
0xb: {  	s8 =	ssub.s32 $0x2, s0;
	s0 =	smul.u32 $0x19, s0;
	[dreg:$0x6] =	wrdreg s30  }
0xc: {  	s25 =	simm.s32 $0x8400;
	s7 =	smul.u32 $0x19, s6;
	s6 =	sshll.u32 s6, $0x8  }
0xd: {  	s26 =	simm.s32 $0xC400;
	s9 =	sshrl.u32 s8, $0x1;
	s10 =	sand.u32 $0x700, s6  }
0xe: {  	s8 =	ssub.s32 s8, s9;
	s6 =	sadd.s32 $0xAFA008, s1;
	s23 =	sadd.s32 s20, s18  }
0xf: {  	s0 =	sadd.s32 s0, s22;
	s18 =	simm.s32 $0x4400;
	s20 =	simm.s32 $0x6400  }
0x10: {  	s22 =	simm.s32 $0x40;
	s7 =	sadd.s32 $0x18, s7;
	[dreg:$0x2] =	wrdreg s23  }
0x11: {  	s24 =	smax.u32 s8, $0x1;
	[dreg:$0xc] =	wrdreg s0;
	s7 =	sshrl.u32 s7, $0x3  }
0x12: {  	s23 =	simm.s32 $0x200;
	[dreg:$0xb] =	wrdreg s24;
	s11 =	sshll.u32 s7, $0xC  }
0x13: {  	s7 =	sshll.u32 s7, $0xF;
	s16 =	sor.u32 s10, s11;
	s10 =	sshll.u32 s10, $0x4  }
0x14: {  	s24 =	simm.s32 $0x300;
	s17 =	sadd.s32 $0x64000, s16;
	s7 =	sor.u32 s10, s7  }
0x15: {  	s1 =	sadd.s32 $0x64800, s16;
	s16 =	simm.s32 $0x400;
	s19 =	sadd.s32 s5, s7  }
0x16: {  	s9 =	sshrl.u32 s17, $0x3;
	s7 =	sadd.s32 s7, s6;
	[dreg:$0x7] =	wrdreg s19  }
0x17: {  	s1 =	sshrl.u32 s1, $0x3;
	[dreg:$0x8] =	wrdreg s7;
	s21 =	sadd.s32 s3, s9  }
0x18: {  	s17 =	simm.s32 $0x2400;
	s1 =	sadd.s32 s3, s1;
	[dreg:$0x9] =	wrdreg s21  }
0x19: {  	s19 =	simm.s32 $0x180;
	[dreg:$0xa] =	wrdreg s1;
	s21 =	simm.s32 $0x1  }
.LBB2_1:
0x1a: {  	s0 =	rddreg [dreg:$0x2];
	p0 =	por $0x1, $0x1  }
0x1b: {  	s12 =	rddreg [dreg:$0xc];
	s1 =	simm.s32 @!p0 $0x3  }
0x1c: {  	s7 =	sshrl.u32 s12, $0x3;
	s0 =	sadd.s32 $0x0, s0;
	_ =	swait.ge @!p0 [sflag:s1], $0x4000  }
0x1d: {  	s8 =	sand.u32 $0x700, s0;
	s9 =	sshll.u32 s7, $0xC;
	[sflag:s1] =	ssyncset.done @!p0 $0x0  }
0x1e: {  	s9 =	sor.u32 s8, s9;
	[sflag:s1] =	ssyncadd.s32 @!p0 $0xFFFFC000  }
0x1f: {  	s10 =	sadd.s32 $0x64000, s9;
	_ =	swait.ge @!p0 [sflag:s1], $0x4000  }
0x20: {  	s10 =	sshrl.u32 s10, $0x3;
	[sflag:s1] =	ssyncset.done @!p0 $0x0  }
0x21: {  	s29 =	sadd.s32 s3, s10;
	[sflag:s1] =	ssyncadd.s32 @!p0 $0xFFFFC000  }
0x22: {  	[tilespmem:s2], [sflag:$0x5] =	stream.linear.gather [hbm4b:s29+s2], $0x100, $0x38;
	[tilespmem:$0x10400] =	vst v63  }
0x23: {  	s30 =	sadd.s32 $0x64800, s9;
	_ =	swait.ge [sflag:s13], $0x100  }
0x24: {  	s1 =	sshrl.u32 s30, $0x3;
	[sflag:s13] =	ssyncset.done $0x0  }
0x25: {  	s1 =	sadd.s32 s3, s1;
	[sflag:s13] =	ssyncadd.s32 $0xFFFFFF00  }
0x26: {  	[tilespmem:s14], [sflag:$0x5] =	stream.linear.gather [hbm4b:s1+s2], $0x100, $0x38;
	[tilespmem:$0x10400] =	vst v63  }
0x27: {  	_ =	swait.ge [sflag:s13], $0x100  }
0x28: {  	[sflag:s13] =	ssyncset.done $0x0  }
0x29: {  	[sflag:s13] =	ssyncadd.s32 $0xFFFFFF00  }
0x2a: {  	[tilespmem:s16], [sflag:$0x1] =	stream.indirect.gather [hbm4b:s4+s15], $0x40, s2, s15, $0xb8;
	[tilespmem:$0x10400] =	vst v63  }
0x2b: {  	_ = 	snop  }
0x2c: {  	[tilespmem:s17], [sflag:$0x1] =	stream.indirect.gather [hbm4b:s4+s15], $0x40, s15, s15, $0xb8;
	[tilespmem:$0x10400] =	vst v63  }
0x2d: {  	_ = 	snop  }
0x2e: {  	[tilespmem:s18], [sflag:$0x1] =	stream.indirect.gather [hbm4b:s4+s15], $0x40, s14, s15, $0xb8;
	[tilespmem:$0x10400] =	vst v63  }
0x2f: {  	_ = 	snop  }
0x30: {  	[tilespmem:s20], [sflag:$0x1] =	stream.indirect.gather [hbm4b:s4+s15], $0x40, s19, s15, $0xb8;
	[tilespmem:$0x10400] =	vst v63  }
0x31: {  	_ =	swait.ge [sflag:s21], $0x2000  }
0x32: {  	[sflag:s21] =	ssyncset.done $0x0  }
0x33: {  	[sflag:s21] =	ssyncadd.s32 $0xFFFFE000  }
0x34: {  	_ =	swait.ge [sflag:s21], $0x2000  }
0x35: {  	[sflag:s21] =	ssyncset.done $0x0  }
0x36: {  	[sflag:s21] =	ssyncadd.s32 $0xFFFFE000  }
0x37: {  	_ =	swait.ge [sflag:s21], $0x2000  }
0x38: {  	[sflag:s21] =	ssyncset.done $0x0  }
0x39: {  	[sflag:s21] =	ssyncadd.s32 $0xFFFFE000  }
0x3a: {  	s9 =	sshll.u32 s7, $0xF;
	s10 =	sshll.u32 s8, $0x4;
	_ =	swait.ge [sflag:s21], $0x2000  }
0x3b: {  	s1 =	sor.u32 s9, s10;
	[sflag:s21] =	ssyncset.done $0x0  }
0x3c: {  	s7 =	sadd.s32 s5, s1;
	[sflag:s21] =	ssyncadd.s32 $0xFFFFE000  }
0x3d: {  	[hbm4b:s7+s22] =	stream.strided.scatter [tilespmem:s16], [sflag:$0x3], $0x4000, s15, s22, $0x38;
	[tilespmem:$0x10400] =	vst v63  }
0x3e: {  	s11 =	sadd.s32 $0x1, s12;
	s8 =	simm.s32 @!p0 $0x4;
	s1 =	sadd.s32 s1, s6  }
0x3f: {  	[hbm4b:s1+s22] =	stream.strided.scatter [tilespmem:s18], [sflag:$0x3], $0x4000, s15, s22, $0x38;
	[tilespmem:$0x10400] =	vst v63  }
0x40: {  	s0 =	sadd.s32 $0x100, s0;
	s1 =	sshrl.u32 s11, $0x3;
	_ =	swait.ge @!p0 [sflag:s8], $0x4000  }
0x41: {  	s0 =	sand.u32 $0x700, s0;
	s7 =	sshll.u32 s1, $0xC;
	[sflag:s8] =	ssyncset.done @!p0 $0x0  }
0x42: {  	s7 =	sor.u32 s0, s7;
	[sflag:s8] =	ssyncadd.s32 @!p0 $0xFFFFC000  }
0x43: {  	s29 =	sadd.s32 $0x64000, s7;
	_ =	swait.ge @!p0 [sflag:s8], $0x4000  }
0x44: {  	s9 =	sshrl.u32 s29, $0x3;
	[sflag:s8] =	ssyncset.done @!p0 $0x0  }
0x45: {  	s30 =	sadd.s32 s3, s9;
	[sflag:s8] =	ssyncadd.s32 @!p0 $0xFFFFC000  }
0x46: {  	[tilespmem:s23], [sflag:$0x5] =	stream.linear.gather [hbm4b:s30+s2], $0x100, $0x38;
	[tilespmem:$0x10400] =	vst v63  }
0x47: {  	s7 =	sadd.s32 $0x64800, s7;
	_ =	swait.ge [sflag:s13], $0x100  }
0x48: {  	s7 =	sshrl.u32 s7, $0x3;
	[sflag:s13] =	ssyncset.done $0x0  }
0x49: {  	s7 =	sadd.s32 s3, s7;
	[sflag:s13] =	ssyncadd.s32 $0xFFFFFF00  }
0x4a: {  	[tilespmem:s24], [sflag:$0x5] =	stream.linear.gather [hbm4b:s7+s2], $0x100, $0x38;
	[tilespmem:$0x10400] =	vst v63  }
0x4b: {  	_ =	swait.ge [sflag:s13], $0x100  }
0x4c: {  	[sflag:s13] =	ssyncset.done $0x0  }
0x4d: {  	s9 =	rddreg [dreg:$0x4];
	[sflag:s13] =	ssyncadd.s32 $0xFFFFFF00  }
0x4e: {  	[tilespmem:s25], [sflag:$0x2] =	stream.indirect.gather [hbm4b:s4+s15], $0x40, s23, s15, $0xb8;
	[tilespmem:$0x10400] =	vst v63  }
0x4f: {  	s10 =	rddreg [dreg:$0x3]  }
0x50: {  	[tilespmem:s9], [sflag:$0x2] =	stream.indirect.gather [hbm4b:s4+s15], $0x40, s10, s15, $0xb8;
	[tilespmem:$0x10400] =	vst v63  }
0x51: {  	s11 =	rddreg [dreg:$0x6]  }
0x52: {  	[tilespmem:s26], [sflag:$0x2] =	stream.indirect.gather [hbm4b:s4+s15], $0x40, s24, s15, $0xb8;
	[tilespmem:$0x10400] =	vst v63  }
0x53: {  	s29 =	rddreg [dreg:$0x5]  }
0x54: {  	[tilespmem:s11], [sflag:$0x2] =	stream.indirect.gather [hbm4b:s4+s15], $0x40, s29, s15, $0xb8;
	[tilespmem:$0x10400] =	vst v63  }
0x55: {  	_ =	swait.ge [sflag:s28], $0x2000  }
0x56: {  	[sflag:s28] =	ssyncset.done $0x0  }
0x57: {  	[sflag:s28] =	ssyncadd.s32 $0xFFFFE000  }
0x58: {  	s0 =	sshll.u32 s0, $0x7;
	s30 =	sshll.u32 s1, $0x12;
	_ =	swait.ge [sflag:s28], $0x2000  }
0x59: {  	s1 =	simm.s32 $0x200;
	s0 =	sor.u32 s30, s0;
	[sflag:s28] =	ssyncset.done $0x0  }
0x5a: {  	s8 =	sshrl.u32 s0, $0x3;
	s7 =	simm.s32 $0x400;
	[sflag:s28] =	ssyncadd.s32 $0xFFFFE000  }
.LBB2_2:
0x5b: {  	_ =	swait.ge [sflag:s28], $0x2000  }
0x5c: {  	[sflag:s28] =	ssyncset.done $0x0  }
0x5d: {  	[sflag:s28] =	ssyncadd.s32 $0xFFFFE000  }
0x5e: {  	_ =	swait.ge [sflag:s28], $0x2000  }
0x5f: {  	s12 =	sadd.s32 $0x2, s12;
	s0 =	smov.u32 s7;
	[sflag:s28] =	ssyncset.done $0x0  }
0x60: {  	p1 =	seq.s32 s1, $0x0;
	s10 =	sadd.s32 s5, s8;
	[sflag:s28] =	ssyncadd.s32 $0xFFFFE000  }
0x61: {  	[hbm4b:s10+s22] =	stream.strided.scatter [tilespmem:s25], [sflag:$0x4], $0x4000, s15, s22, $0x38;
	[tilespmem:$0x10400] =	vst v63  }
0x62: {  	s30 =	sadd.s32 s8, s6;
	s9 =	simm.s32 @!p1 $0x3;
	s11 =	rddreg [dreg:$0x2]  }
0x63: {  	[hbm4b:s30+s22] =	stream.strided.scatter [tilespmem:s26], [sflag:$0x4], $0x4000, s15, s22, $0x38;
	[tilespmem:$0x10400] =	vst v63  }
0x64: {  	s8 =	sadd.s32 s1, s11;
	s10 =	sshrl.u32 s12, $0x3;
	_ =	swait.ge @!p1 [sflag:s9], $0x4000  }
0x65: {  	s11 =	sand.u32 $0x700, s8;
	s30 =	sshll.u32 s10, $0xC;
	[sflag:s9] =	ssyncset.done @!p1 $0x0  }
0x66: {  	s1 =	smov.u32 s0;
	s0 =	sor.u32 s11, s30;
	[sflag:s9] =	ssyncadd.s32 @!p1 $0xFFFFC000  }
0x67: {  	s29 =	sadd.s32 $0x64000, s0;
	_ =	swait.ge @!p1 [sflag:s9], $0x4000  }
0x68: {  	s29 =	sshrl.u32 s29, $0x3;
	[sflag:s9] =	ssyncset.done @!p1 $0x0  }
0x69: {  	s29 =	sadd.s32 s3, s29;
	[sflag:s9] =	ssyncadd.s32 @!p1 $0xFFFFC000  }
0x6a: {  	[tilespmem:s2], [sflag:$0x5] =	stream.linear.gather [hbm4b:s29+s2], $0x100, $0x38;
	[tilespmem:$0x10400] =	vst v63  }
0x6b: {  	s0 =	sadd.s32 $0x64800, s0;
	_ =	swait.ge [sflag:s13], $0x100  }
0x6c: {  	s0 =	sshrl.u32 s0, $0x3;
	[sflag:s13] =	ssyncset.done $0x0  }
0x6d: {  	s0 =	sadd.s32 s3, s0;
	[sflag:s13] =	ssyncadd.s32 $0xFFFFFF00  }
0x6e: {  	[tilespmem:s14], [sflag:$0x5] =	stream.linear.gather [hbm4b:s0+s2], $0x100, $0x38;
	[tilespmem:$0x10400] =	vst v63  }
0x6f: {  	_ =	swait.ge [sflag:s13], $0x100  }
0x70: {  	[sflag:s13] =	ssyncset.done $0x0  }
0x71: {  	[sflag:s13] =	ssyncadd.s32 $0xFFFFFF00  }
0x72: {  	[tilespmem:s16], [sflag:$0x1] =	stream.indirect.gather [hbm4b:s4+s15], $0x40, s2, s15, $0xb8;
	[tilespmem:$0x10400] =	vst v63  }
0x73: {  	_ = 	snop  }
0x74: {  	[tilespmem:s17], [sflag:$0x1] =	stream.indirect.gather [hbm4b:s4+s15], $0x40, s15, s15, $0xb8;
	[tilespmem:$0x10400] =	vst v63  }
0x75: {  	_ = 	snop  }
0x76: {  	[tilespmem:s18], [sflag:$0x1] =	stream.indirect.gather [hbm4b:s4+s15], $0x40, s14, s15, $0xb8;
	[tilespmem:$0x10400] =	vst v63  }
0x77: {  	_ = 	snop  }
0x78: {  	[tilespmem:s20], [sflag:$0x1] =	stream.indirect.gather [hbm4b:s4+s15], $0x40, s19, s15, $0xb8;
	[tilespmem:$0x10400] =	vst v63  }
0x79: {  	_ =	swait.ge [sflag:s21], $0x2000  }
0x7a: {  	[sflag:s21] =	ssyncset.done $0x0  }
0x7b: {  	[sflag:s21] =	ssyncadd.s32 $0xFFFFE000  }
0x7c: {  	_ =	swait.ge [sflag:s21], $0x2000  }
0x7d: {  	[sflag:s21] =	ssyncset.done $0x0  }
0x7e: {  	[sflag:s21] =	ssyncadd.s32 $0xFFFFE000  }
0x7f: {  	_ =	swait.ge [sflag:s21], $0x2000  }
0x80: {  	[sflag:s21] =	ssyncset.done $0x0  }
0x81: {  	[sflag:s21] =	ssyncadd.s32 $0xFFFFE000  }
0x82: {  	s10 =	sshll.u32 s10, $0xF;
	s11 =	sshll.u32 s11, $0x4;
	_ =	swait.ge [sflag:s21], $0x2000  }
0x83: {  	s10 =	sor.u32 s10, s11;
	[sflag:s21] =	ssyncset.done $0x0  }
0x84: {  	s11 =	sadd.s32 s5, s10;
	[sflag:s21] =	ssyncadd.s32 $0xFFFFE000  }
0x85: {  	[hbm4b:s11+s22] =	stream.strided.scatter [tilespmem:s16], [sflag:$0x3], $0x4000, s15, s22, $0x38;
	[tilespmem:$0x10400] =	vst v63  }
0x86: {  	s30 =	sadd.s32 $0x1, s12;
	s10 =	sadd.s32 s10, s6;
	s11 =	simm.s32 @!p1 $0x4  }
0x87: {  	[hbm4b:s10+s22] =	stream.strided.scatter [tilespmem:s18], [sflag:$0x3], $0x4000, s15, s22, $0x38;
	[tilespmem:$0x10400] =	vst v63  }
0x88: {  	s8 =	sadd.s32 $0x100, s8;
	s30 =	sshrl.u32 s30, $0x3;
	_ =	swait.ge @!p1 [sflag:s11], $0x4000  }
0x89: {  	s8 =	sand.u32 $0x700, s8;
	s29 =	sshll.u32 s30, $0xC;
	[sflag:s11] =	ssyncset.done @!p1 $0x0  }
0x8a: {  	s9 =	sor.u32 s8, s29;
	[sflag:s11] =	ssyncadd.s32 @!p1 $0xFFFFC000  }
0x8b: {  	s29 =	sshll.u32 s30, $0x12;
	s30 =	sadd.s32 $0x64000, s9;
	_ =	swait.ge @!p1 [sflag:s11], $0x4000  }
0x8c: {  	s0 =	sshrl.u32 s30, $0x3;
	[sflag:s11] =	ssyncset.done @!p1 $0x0  }
0x8d: {  	s0 =	sadd.s32 s3, s0;
	[sflag:s11] =	ssyncadd.s32 @!p1 $0xFFFFC000  }
0x8e: {  	[tilespmem:s23], [sflag:$0x5] =	stream.linear.gather [hbm4b:s0+s2], $0x100, $0x38;
	[tilespmem:$0x10400] =	vst v63  }
0x8f: {  	s9 =	sadd.s32 $0x64800, s9;
	_ =	swait.ge [sflag:s13], $0x100  }
0x90: {  	s9 =	sshrl.u32 s9, $0x3;
	[sflag:s13] =	ssyncset.done $0x0  }
0x91: {  	s9 =	sadd.s32 s3, s9;
	[sflag:s13] =	ssyncadd.s32 $0xFFFFFF00  }
0x92: {  	[tilespmem:s24], [sflag:$0x5] =	stream.linear.gather [hbm4b:s9+s2], $0x100, $0x38;
	[tilespmem:$0x10400] =	vst v63  }
0x93: {  	_ =	swait.ge [sflag:s13], $0x100  }
0x94: {  	[sflag:s13] =	ssyncset.done $0x0  }
0x95: {  	s10 =	rddreg [dreg:$0x4];
	[sflag:s13] =	ssyncadd.s32 $0xFFFFFF00  }
0x96: {  	[tilespmem:s25], [sflag:$0x2] =	stream.indirect.gather [hbm4b:s4+s15], $0x40, s23, s15, $0xb8;
	[tilespmem:$0x10400] =	vst v63  }
0x97: {  	s8 =	sshll.u32 s8, $0x7;
	s11 =	rddreg [dreg:$0x3]  }
0x98: {  	[tilespmem:s10], [sflag:$0x2] =	stream.indirect.gather [hbm4b:s4+s15], $0x40, s11, s15, $0xb8;
	[tilespmem:$0x10400] =	vst v63  }
0x99: {  	s8 =	sor.u32 s29, s8;
	s29 =	rddreg [dreg:$0x6]  }
0x9a: {  	[tilespmem:s26], [sflag:$0x2] =	stream.indirect.gather [hbm4b:s4+s15], $0x40, s24, s15, $0xb8;
	[tilespmem:$0x10400] =	vst v63  }
0x9b: {  	s7 =	sadd.s32 $0x200, s7;
	s30 =	rddreg [dreg:$0x5]  }
0x9c: {  	[tilespmem:s29], [sflag:$0x2] =	stream.indirect.gather [hbm4b:s4+s15], $0x40, s30, s15, $0xb8;
	[tilespmem:$0x10400] =	vst v63  }
0x9d: {  	p0 =	sne.s32 s7, $0x1800;
	_ =	swait.ge [sflag:s28], $0x2000  }
.Ltmp0:
0x9e: {  	[sflag:s28] =	ssyncset.done $0x0;
	(pc) =	sbr.rel @p0 .LBB2_2-.Ltmp0, $4  }
0x9f: {  	[sflag:s28] =	ssyncadd.s32 $0xFFFFE000  }
0xa0: {  	_ =	swait.ge [sflag:s28], $0x2000  }
0xa1: {  	[sflag:s28] =	ssyncset.done $0x0  }
0xa2: {  	s8 =	sshrl.u32 s8, $0x3;
	[sflag:s28] =	ssyncadd.s32 $0xFFFFE000  }
0xa3: {  	_ =	swait.ge [sflag:s28], $0x2000  }
0xa4: {  	[sflag:s28] =	ssyncset.done $0x0  }
0xa5: {  	[sflag:s28] =	ssyncadd.s32 $0xFFFFE000  }
0xa6: {  	_ =	swait.ge [sflag:s28], $0x2000  }
0xa7: {  	p0 =	seq.s32 s1, $0x0;
	[sflag:s28] =	ssyncset.done $0x0  }
0xa8: {  	s7 =	sadd.s32 s5, s8;
	s29 =	sadd.s32 s8, s6;
	[sflag:s28] =	ssyncadd.s32 $0xFFFFE000  }
0xa9: {  	[hbm4b:s7+s22] =	stream.strided.scatter [tilespmem:s25], [sflag:$0x4], $0x4000, s15, s22, $0x38;
	[tilespmem:$0x10400] =	vst v63  }
0xaa: {  	s9 =	simm.s32 @!p0 $0x3;
	s0 =	rddreg [dreg:$0x2];
	s7 =	sadd.s32 $0x2, s12  }
0xab: {  	[hbm4b:s29+s22] =	stream.strided.scatter [tilespmem:s26], [sflag:$0x4], $0x4000, s15, s22, $0x38;
	[tilespmem:$0x10400] =	vst v63  }
0xac: {  	s0 =	sadd.s32 s1, s0;
	s30 =	sshrl.u32 s7, $0x3;
	_ =	swait.ge @!p0 [sflag:s9], $0x4000  }
0xad: {  	s1 =	sand.u32 $0x700, s0;
	s10 =	sshll.u32 s30, $0xC;
	[sflag:s9] =	ssyncset.done @!p0 $0x0  }
0xae: {  	s10 =	sor.u32 s1, s10;
	[sflag:s9] =	ssyncadd.s32 @!p0 $0xFFFFC000  }
0xaf: {  	s11 =	sadd.s32 $0x64000, s10;
	_ =	swait.ge @!p0 [sflag:s9], $0x4000  }
0xb0: {  	s11 =	sshrl.u32 s11, $0x3;
	[sflag:s9] =	ssyncset.done @!p0 $0x0  }
0xb1: {  	s12 =	sadd.s32 s3, s11;
	[sflag:s9] =	ssyncadd.s32 @!p0 $0xFFFFC000  }
0xb2: {  	[tilespmem:s2], [sflag:$0x5] =	stream.linear.gather [hbm4b:s12+s2], $0x100, $0x38;
	[tilespmem:$0x10400] =	vst v63  }
0xb3: {  	s29 =	sadd.s32 $0x64800, s10;
	_ =	swait.ge [sflag:s13], $0x100  }
0xb4: {  	s9 =	sshrl.u32 s29, $0x3;
	[sflag:s13] =	ssyncset.done $0x0  }
0xb5: {  	s9 =	sadd.s32 s3, s9;
	[sflag:s13] =	ssyncadd.s32 $0xFFFFFF00  }
0xb6: {  	[tilespmem:s14], [sflag:$0x5] =	stream.linear.gather [hbm4b:s9+s2], $0x100, $0x38;
	[tilespmem:$0x10400] =	vst v63  }
0xb7: {  	_ =	swait.ge [sflag:s13], $0x100  }
0xb8: {  	[sflag:s13] =	ssyncset.done $0x0  }
0xb9: {  	[sflag:s13] =	ssyncadd.s32 $0xFFFFFF00  }
0xba: {  	[tilespmem:s16], [sflag:$0x1] =	stream.indirect.gather [hbm4b:s4+s15], $0x40, s2, s15, $0xb8;
	[tilespmem:$0x10400] =	vst v63  }
0xbb: {  	_ = 	snop  }
0xbc: {  	[tilespmem:s17], [sflag:$0x1] =	stream.indirect.gather [hbm4b:s4+s15], $0x40, s15, s15, $0xb8;
	[tilespmem:$0x10400] =	vst v63  }
0xbd: {  	_ = 	snop  }
0xbe: {  	[tilespmem:s18], [sflag:$0x1] =	stream.indirect.gather [hbm4b:s4+s15], $0x40, s14, s15, $0xb8;
	[tilespmem:$0x10400] =	vst v63  }
0xbf: {  	_ = 	snop  }
0xc0: {  	[tilespmem:s20], [sflag:$0x1] =	stream.indirect.gather [hbm4b:s4+s15], $0x40, s19, s15, $0xb8;
	[tilespmem:$0x10400] =	vst v63  }
0xc1: {  	_ =	swait.ge [sflag:s21], $0x2000  }
0xc2: {  	[sflag:s21] =	ssyncset.done $0x0  }
0xc3: {  	[sflag:s21] =	ssyncadd.s32 $0xFFFFE000  }
0xc4: {  	_ =	swait.ge [sflag:s21], $0x2000  }
0xc5: {  	[sflag:s21] =	ssyncset.done $0x0  }
0xc6: {  	[sflag:s21] =	ssyncadd.s32 $0xFFFFE000  }
0xc7: {  	_ =	swait.ge [sflag:s21], $0x2000  }
0xc8: {  	[sflag:s21] =	ssyncset.done $0x0  }
0xc9: {  	[sflag:s21] =	ssyncadd.s32 $0xFFFFE000  }
0xca: {  	s8 =	sshll.u32 s30, $0xF;
	s1 =	sshll.u32 s1, $0x4;
	_ =	swait.ge [sflag:s21], $0x2000  }
0xcb: {  	s1 =	sor.u32 s8, s1;
	[sflag:s21] =	ssyncset.done $0x0  }
0xcc: {  	s8 =	sadd.s32 s5, s1;
	[sflag:s21] =	ssyncadd.s32 $0xFFFFE000  }
0xcd: {  	[hbm4b:s8+s22] =	stream.strided.scatter [tilespmem:s16], [sflag:$0x3], $0x4000, s15, s22, $0x38;
	[tilespmem:$0x10400] =	vst v63  }
0xce: {  	s7 =	sadd.s32 $0x1, s7;
	s1 =	sadd.s32 s1, s6;
	s8 =	simm.s32 @!p0 $0x4  }
0xcf: {  	[hbm4b:s1+s22] =	stream.strided.scatter [tilespmem:s18], [sflag:$0x3], $0x4000, s15, s22, $0x38;
	[tilespmem:$0x10400] =	vst v63  }
0xd0: {  	s0 =	sadd.s32 $0x100, s0;
	s1 =	sshrl.u32 s7, $0x3;
	_ =	swait.ge @!p0 [sflag:s8], $0x4000  }
0xd1: {  	s0 =	sand.u32 $0x700, s0;
	s7 =	sshll.u32 s1, $0xC;
	[sflag:s8] =	ssyncset.done @!p0 $0x0  }
0xd2: {  	s7 =	sor.u32 s0, s7;
	[sflag:s8] =	ssyncadd.s32 @!p0 $0xFFFFC000  }
0xd3: {  	s30 =	sadd.s32 $0x64000, s7;
	_ =	swait.ge @!p0 [sflag:s8], $0x4000  }
0xd4: {  	s9 =	sshrl.u32 s30, $0x3;
	[sflag:s8] =	ssyncset.done @!p0 $0x0  }
0xd5: {  	s10 =	sadd.s32 s3, s9;
	[sflag:s8] =	ssyncadd.s32 @!p0 $0xFFFFC000  }
0xd6: {  	[tilespmem:s23], [sflag:$0x5] =	stream.linear.gather [hbm4b:s10+s2], $0x100, $0x38;
	[tilespmem:$0x10400] =	vst v63  }
0xd7: {  	s7 =	sadd.s32 $0x64800, s7;
	_ =	swait.ge [sflag:s13], $0x100  }
0xd8: {  	s7 =	sshrl.u32 s7, $0x3;
	[sflag:s13] =	ssyncset.done $0x0  }
0xd9: {  	s7 =	sadd.s32 s3, s7;
	[sflag:s13] =	ssyncadd.s32 $0xFFFFFF00  }
0xda: {  	[tilespmem:s24], [sflag:$0x5] =	stream.linear.gather [hbm4b:s7+s2], $0x100, $0x38;
	[tilespmem:$0x10400] =	vst v63  }
0xdb: {  	_ =	swait.ge [sflag:s13], $0x100  }
0xdc: {  	[sflag:s13] =	ssyncset.done $0x0  }
0xdd: {  	s11 =	rddreg [dreg:$0x4];
	[sflag:s13] =	ssyncadd.s32 $0xFFFFFF00  }
0xde: {  	[tilespmem:s25], [sflag:$0x2] =	stream.indirect.gather [hbm4b:s4+s15], $0x40, s23, s15, $0xb8;
	[tilespmem:$0x10400] =	vst v63  }
0xdf: {  	s12 =	rddreg [dreg:$0x3]  }
0xe0: {  	[tilespmem:s11], [sflag:$0x2] =	stream.indirect.gather [hbm4b:s4+s15], $0x40, s12, s15, $0xb8;
	[tilespmem:$0x10400] =	vst v63  }
0xe1: {  	s29 =	rddreg [dreg:$0x6]  }
0xe2: {  	[tilespmem:s26], [sflag:$0x2] =	stream.indirect.gather [hbm4b:s4+s15], $0x40, s24, s15, $0xb8;
	[tilespmem:$0x10400] =	vst v63  }
0xe3: {  	s30 =	rddreg [dreg:$0x5]  }
0xe4: {  	[tilespmem:s29], [sflag:$0x2] =	stream.indirect.gather [hbm4b:s4+s15], $0x40, s30, s15, $0xb8;
	[tilespmem:$0x10400] =	vst v63  }
0xe5: {  	_ =	swait.ge [sflag:s28], $0x2000  }
0xe6: {  	[sflag:s28] =	ssyncset.done $0x0  }
0xe7: {  	[sflag:s28] =	ssyncadd.s32 $0xFFFFE000  }
0xe8: {  	_ =	swait.ge [sflag:s28], $0x2000  }
0xe9: {  	[sflag:s28] =	ssyncset.done $0x0  }
0xea: {  	[sflag:s28] =	ssyncadd.s32 $0xFFFFE000  }
0xeb: {  	_ =	swait.ge [sflag:s28], $0x2000  }
0xec: {  	[sflag:s28] =	ssyncset.done $0x0  }
0xed: {  	s1 =	sshll.u32 s1, $0x12;
	s0 =	sshll.u32 s0, $0x7;
	[sflag:s28] =	ssyncadd.s32 $0xFFFFE000  }
0xee: {  	s0 =	sor.u32 s1, s0;
	_ =	swait.ge [sflag:s28], $0x2000  }
0xef: {  	s0 =	sshrl.u32 s0, $0x3;
	[sflag:s28] =	ssyncset.done $0x0  }
0xf0: {  	s7 =	sadd.s32 s5, s0;
	[sflag:s28] =	ssyncadd.s32 $0xFFFFE000  }
0xf1: {  	[hbm4b:s7+s22] =	stream.strided.scatter [tilespmem:s25], [sflag:$0x4], $0x4000, s15, s22, $0x38;
	[tilespmem:$0x10400] =	vst v63  }
0xf2: {  	s8 =	simm.s32 $0x3;
	s0 =	sadd.s32 s0, s6  }
0xf3: {  	[hbm4b:s0+s22] =	stream.strided.scatter [tilespmem:s26], [sflag:$0x4], $0x4000, s15, s22, $0x38;
	[tilespmem:$0x10400] =	vst v63  }
0xf4: {  	_ =	swait.ge [sflag:s8], $0x4000  }
0xf5: {  	[sflag:s8] =	ssyncset.done $0x0  }
0xf6: {  	[sflag:s8] =	ssyncadd.s32 $0xFFFFC000  }
0xf7: {  	_ =	swait.ge [sflag:s8], $0x4000  }
0xf8: {  	[sflag:s8] =	ssyncset.done $0x0  }
0xf9: {  	s9 =	rddreg [dreg:$0x9];
	[sflag:s8] =	ssyncadd.s32 $0xFFFFC000  }
0xfa: {  	[tilespmem:s2], [sflag:$0x5] =	stream.linear.gather [hbm4b:s9+s2], $0x100, $0x38;
	[tilespmem:$0x10400] =	vst v63  }
0xfb: {  	_ =	swait.ge [sflag:s13], $0x100  }
0xfc: {  	[sflag:s13] =	ssyncset.done $0x0  }
0xfd: {  	s10 =	rddreg [dreg:$0xa];
	[sflag:s13] =	ssyncadd.s32 $0xFFFFFF00  }
0xfe: {  	[tilespmem:s14], [sflag:$0x5] =	stream.linear.gather [hbm4b:s10+s2], $0x100, $0x38;
	[tilespmem:$0x10400] =	vst v63  }
0xff: {  	_ =	swait.ge [sflag:s13], $0x100  }
0x100: {  	[sflag:s13] =	ssyncset.done $0x0  }
0x101: {  	[sflag:s13] =	ssyncadd.s32 $0xFFFFFF00  }
0x102: {  	[tilespmem:s16], [sflag:$0x1] =	stream.indirect.gather [hbm4b:s4+s15], $0x40, s2, s15, $0xb8;
	[tilespmem:$0x10400] =	vst v63  }
0x103: {  	_ = 	snop  }
0x104: {  	[tilespmem:s17], [sflag:$0x1] =	stream.indirect.gather [hbm4b:s4+s15], $0x40, s15, s15, $0xb8;
	[tilespmem:$0x10400] =	vst v63  }
0x105: {  	_ = 	snop  }
0x106: {  	[tilespmem:s18], [sflag:$0x1] =	stream.indirect.gather [hbm4b:s4+s15], $0x40, s14, s15, $0xb8;
	[tilespmem:$0x10400] =	vst v63  }
0x107: {  	_ = 	snop  }
0x108: {  	[tilespmem:s20], [sflag:$0x1] =	stream.indirect.gather [hbm4b:s4+s15], $0x40, s19, s15, $0xb8;
	[tilespmem:$0x10400] =	vst v63  }
0x109: {  	_ =	swait.ge [sflag:s21], $0x2000  }
0x10a: {  	[sflag:s21] =	ssyncset.done $0x0  }
0x10b: {  	[sflag:s21] =	ssyncadd.s32 $0xFFFFE000  }
0x10c: {  	_ =	swait.ge [sflag:s21], $0x2000  }
0x10d: {  	[sflag:s21] =	ssyncset.done $0x0  }
0x10e: {  	[sflag:s21] =	ssyncadd.s32 $0xFFFFE000  }
0x10f: {  	_ =	swait.ge [sflag:s21], $0x2000  }
0x110: {  	[sflag:s21] =	ssyncset.done $0x0  }
0x111: {  	[sflag:s21] =	ssyncadd.s32 $0xFFFFE000  }
0x112: {  	_ =	swait.ge [sflag:s21], $0x2000  }
0x113: {  	[sflag:s21] =	ssyncset.done $0x0  }
0x114: {  	s11 =	rddreg [dreg:$0x7];
	[sflag:s21] =	ssyncadd.s32 $0xFFFFE000  }
0x115: {  	[hbm4b:s11+s22] =	stream.strided.scatter [tilespmem:s16], [sflag:$0x3], $0x4000, s15, s22, $0x38;
	[tilespmem:$0x10400] =	vst v63  }
0x116: {  	s12 =	rddreg [dreg:$0x8]  }
0x117: {  	[hbm4b:s12+s22] =	stream.strided.scatter [tilespmem:s18], [sflag:$0x3], $0x4000, s15, s22, $0x38;
	[tilespmem:$0x10400] =	vst v63  }
0x118: {  	_ =	swait.ge [sflag:s8], $0x4000  }
0x119: {  	[sflag:s8] =	ssyncset.done $0x0  }
0x11a: {  	[sflag:s8] =	ssyncadd.s32 $0xFFFFC000  }
0x11b: {  	_ =	swait.ge [sflag:s8], $0x4000  }
0x11c: {  	[sflag:s8] =	ssyncset.done $0x0  }
0x11d: {  	s29 =	simm.s32 $0x4;
	[sflag:s8] =	ssyncadd.s32 $0xFFFFC000  }
0x11e: {  	_ =	swait.ge [sflag:s29], $0x4000  }
0x11f: {  	[sflag:s29] =	ssyncset.done $0x0  }
0x120: {  	[sflag:s29] =	ssyncadd.s32 $0xFFFFC000  }
0x121: {  	_ =	swait.ge [sflag:s29], $0x4000  }
0x122: {  	s31 =	sadd.s32 $0x1, s31;
	s30 =	rddreg [dreg:$0xb]  }
0x123: {  	p0 =	sne.s32 s31, s30  }
.Ltmp1:
0x124: {  	_ = 	snop;
	(pc) =	sbr.rel @p0 .LBB2_1-.Ltmp1, $3  }
0x125: {  	_ =	sdelay $0x1  }
0x126: {  	[sflag:s29] =	ssyncset.done $0x0  }
0x127: {  	[sflag:s29] =	ssyncadd.s32 $0xFFFFC000  }
0x128: {  	_ =	sfence.sel $0x180000  }
0x129: {  	[bflag:$0x0] =	sbarrier.arrive $0xFFFF  }
0x12a: {  	_ =	strace $0x9000004A  }
0x12b: {  	s0 =	stileid.u32;
	[bflag:$0x2] =	sbarrier.arrive $0xFFFF  }
0x12c: {  	p0 =	sne.s32 s0, $0x0;
	s0 =	rddreg [dreg:$0x1]  }
0x12d: {  	s0 =	sadd.s32 @!p0 $0x100000, s0  }
0x12e: {  	[sflag:s0] =	ssyncadd.tile.s32 @!p0 $0x1;
	_ =	shalt  }
.Lfunc_end2:
_tile_overlayer_lowered:
.L_overlay_start_2:
0x12f: {  	(tag) =	ssettag $0x2  }
0x130: {  	s0 =	rddreg [dreg:$0x0];
	s2 =	stileid.u32  }
0x131: {  	s1 =	rddreg [dreg:$0x1];
	p0 =	sne.s32 s2, $0x0  }
0x132: {  	s3 =	rddreg [dreg:$0x2];
	[bflag:$0x3] =	sbarrier.arrive $0xFFFF;
	s2 =	simm.s32 @!p0 $0x1C05  }
0x133: {  	[timem:s3], [sflag:s2] =	dma.local @!p0 [hbm:s0], s1  }
0x134: {  	s0 =	simm.s32 @!p0 $0x5  }
0x135: {  	_ =	swait.ge @!p0 [sflag:s0], s1  }
0x136: {  	s1 =	ssub.s32 @!p0 $0x0, s1;
	[sflag:s0] =	ssyncset.done @!p0 $0x0  }
0x137: {  	[sflag:s0] =	ssyncadd.s32 @!p0 s1  }
0x138: {  	[bflag:$0x3] =	sbarrier.arrive $0xFFFF  }
0x139: {  	_ =	shalt  }

// kernel: kernel.7.cloned.1.call-start
scs
__scs_entry_jumppad:
0x0: {  	(pc) =	sbr.rel $0x88, $3  }
0x1: {  	(tag) =	ssettag $0x0;
	lr =	simm.s32 $0x1  }
0x2: {  	[smem:$0x3F9B] =	sst lr;
	_ =	strace $0xD0000000  }
0x3: {  	_ = 	snop  }
0x4: {  	_ = 	snop  }
0x5: {  	_ = 	snop  }
0x6: {  	_ = 	snop  }
0x7: {  	_ = 	snop  }
__scs_overlays_trampoline_lowered:
0x8: {  	[smem:$0x3FAA] =	sst s0  }
0x9: {  	[smem:$0x3FAB] =	sst s1  }
0xa: {  	[smem:$0x3FAC] =	sst s2  }
0xb: {  	[smem:$0x3FAD] =	sst s3  }
0xc: {  	[smem:$0x3FAE] =	sst s4  }
0xd: {  	[smem:$0x3FAF] =	sst s5  }
0xe: {  	[smem:$0x3FB0] =	sst s6  }
0xf: {  	[smem:$0x3FB1] =	sst s7  }
0x10: {  	[smem:$0x3FB2] =	sst s8  }
0x11: {  	[smem:$0x3FB3] =	sst s9;
	s0 =	simm.s32 @!p0 $0x0  }
0x12: {  	s1 =	sld [smem:$0x3F99];
	s0 =	simm.s32 @p0 $0x1  }
0x13: {  	[smem:$0x3FB4] =	sst s0;
	s0 =	simm.s32 @!p1 $0x0  }
0x14: {  	s2 =	sld [smem:$0x3F98];
	s0 =	simm.s32 @p1 $0x1  }
0x15: {  	[smem:$0x3FB5] =	sst s0;
	s0 =	simm.s32 @!p2 $0x0  }
0x16: {  	s3 =	sld [smem:$0x3FDB];
	s0 =	simm.s32 @p2 $0x1  }
0x17: {  	s4 =	simm.s32 $0x1BF5;
	[smem:$0x3FB7] =	sst s0  }
0x18: {  	s0 =	sld [smem:$0x3F9A];
	_ =	swait.ge [sflag:s4], $0x0  }
0x19: {  	s7 =	sld [smem:$0x3F9B]  }
0x1a: {  	s8 =	sadd.s32 $0xFFFFE003, lr  }
0x1b: {  	s9 =	sadd.s32 $0xFFFFFEF7, lr;
	s5 =	simm.s32 $0xFFFFFFFF;
	p2 =	slt.u32 s8, $0xFFFFF086  }
0x1c: {  	p1 =	slt.u32 s9, $0xF7A;
	s5 =	simm.s32 @!p2 $0x0  }
0x1d: {  	s5 =	simm.s32 @p1 $0x1;
	p0 =	seq.s32 s7, s2  }
0x1e: {  	s7 =	smul.u32 @!p0 $0xF7A, s2;
	p2 =	seq.s32 @!p0 s5, $0x0  }
0x1f: {  	s9 =	smul.u32 $0xF7A, s1;
	s8 =	simm.s32 @!p0 $0x1BF5;
	p2 =	por !p2, p0  }
0x20: {  	[sflag:s8] =	ssyncset.s32 @!p0 $0xFFFFF086;
	s6 =	sadd.s32 @!p0 s3, s7;
	s7 =	simm.s32 @!p0 $0x108  }
0x21: {  	s3 =	sadd.s32 s3, s9;
	s6 =	sadd.s32 @!p0 $0x88, s6;
	s7 =	simm.s32 @p2 $0x1082  }
0x22: {  	[simem:s7], [sflag:s8] =	dma.local @!p0 [hbm:s6], $0xF7A  }
0x23: {  	s9 =	sor.u32 $0xD0000000, s2;
	s6 =	simm.s32 $0x108;
	_ =	swait.ge @!p0 [sflag:s8], $0x0  }
0x24: {  	s3 =	sadd.s32 $0x88, s3;
	s6 =	simm.s32 @!p1 $0x1082;
	[sflag:s4] =	ssyncset.s32 $0xFFFFF086  }
0x25: {  	[simem:s6], [sflag:s4] =	dma.local [hbm:s3], $0xF7A  }
0x26: {  	[smem:$0x3F9B] =	sst s1;
	(tag) =	ssettag s2;
	_ =	strace s9  }
0x27: {  	s1 =	sld [smem:$0x3FAB]  }
0x28: {  	s2 =	sld [smem:$0x3FAC]  }
0x29: {  	s4 =	sld [smem:$0x3FAE]  }
0x2a: {  	p0 =	seq.s32 s5, $0x0;
	s5 =	sld [smem:$0x3FAF]  }
0x2b: {  	s6 =	sld [smem:$0x3FB0]  }
0x2c: {  	s7 =	sld [smem:$0x3FB1]  }
0x2d: {  	s3 =	simm.s32 $0x108;
	s8 =	sld [smem:$0x3FB2]  }
0x2e: {  	s3 =	simm.s32 @!p0 $0x1082;
	s9 =	sld [smem:$0x3FB3]  }
0x2f: {  	lr =	sadd.s32 s0, s3;
	s0 =	sld [smem:$0x3FAA]  }
0x30: {  	s3 =	sld [smem:$0x3FAD]  }
0x31: {  	[smem:$0x3FB6] =	sst s10  }
0x32: {  	s10 =	sld [smem:$0x3FB4];
	_ =	sdelay $0x3  }
0x33: {  	p0 =	seq.s32 s10, $0x1;
	s10 =	sld [smem:$0x3FB6];
	_ =	sdelay $0x3  }
0x34: {  	[smem:$0x3FB6] =	sst s10  }
0x35: {  	s10 =	sld [smem:$0x3FB5];
	_ =	sdelay $0x3  }
0x36: {  	p1 =	seq.s32 s10, $0x1;
	s10 =	sld [smem:$0x3FB6];
	_ =	sdelay $0x3  }
0x37: {  	[smem:$0x3FB6] =	sst s10  }
0x38: {  	s10 =	sld [smem:$0x3FB7]  }
0x39: {  	_ = 	snop;
	(pc) =	sbr.ind lr, $3  }
0x3a: {  	_ = 	snop  }
0x3b: {  	_ = 	snop  }
0x3c: {  	p2 =	seq.s32 s10, $0x1;
	s10 =	sld [smem:$0x3FB6]  }
0x3d: {  	_ =	shalt  }
0x3e: {  	_ =	shalt  }
0x3f: {  	_ =	shalt  }
0x40: {  	_ =	shalt  }
0x41: {  	_ =	shalt  }
0x42: {  	_ =	shalt  }
0x43: {  	_ =	shalt  }
0x44: {  	_ =	shalt  }
0x45: {  	_ =	shalt  }
0x46: {  	_ =	shalt  }
0x47: {  	_ =	shalt  }
0x48: {  	_ =	shalt  }
0x49: {  	_ =	shalt  }
0x4a: {  	_ =	shalt  }
0x4b: {  	_ =	shalt  }
0x4c: {  	_ =	shalt  }
0x4d: {  	_ =	shalt  }
0x4e: {  	_ =	shalt  }
0x4f: {  	_ =	shalt  }
0x50: {  	_ =	shalt  }
0x51: {  	_ =	shalt  }
0x52: {  	_ =	shalt  }
0x53: {  	_ =	shalt  }
0x54: {  	_ =	shalt  }
0x55: {  	_ =	shalt  }
0x56: {  	_ =	shalt  }
0x57: {  	_ =	shalt  }
0x58: {  	_ =	shalt  }
0x59: {  	_ =	shalt  }
0x5a: {  	_ =	shalt  }
0x5b: {  	_ =	shalt  }
0x5c: {  	_ =	shalt  }
0x5d: {  	_ =	shalt  }
0x5e: {  	_ =	shalt  }
0x5f: {  	_ =	shalt  }
0x60: {  	_ =	shalt  }
0x61: {  	_ =	shalt  }
0x62: {  	_ =	shalt  }
0x63: {  	_ =	shalt  }
0x64: {  	_ =	shalt  }
0x65: {  	_ =	shalt  }
0x66: {  	_ =	shalt  }
0x67: {  	_ =	shalt  }
0x68: {  	_ =	shalt  }
0x69: {  	_ =	shalt  }
0x6a: {  	_ =	shalt  }
0x6b: {  	_ =	shalt  }
0x6c: {  	_ =	shalt  }
0x6d: {  	_ =	shalt  }
0x6e: {  	_ =	shalt  }
0x6f: {  	_ =	shalt  }
0x70: {  	_ =	shalt  }
0x71: {  	_ =	shalt  }
0x72: {  	_ =	shalt  }
0x73: {  	_ =	shalt  }
0x74: {  	_ =	shalt  }
0x75: {  	_ =	shalt  }
0x76: {  	_ =	shalt  }
0x77: {  	_ =	shalt  }
0x78: {  	_ =	shalt  }
0x79: {  	_ =	shalt  }
0x7a: {  	_ =	shalt  }
0x7b: {  	_ =	shalt  }
0x7c: {  	_ =	shalt  }
0x7d: {  	_ =	shalt  }
0x7e: {  	_ =	shalt  }
0x7f: {  	_ =	shalt  }
0x80: {  	_ =	shalt  }
0x81: {  	_ =	shalt  }
0x82: {  	_ =	shalt  }
0x83: {  	_ =	shalt  }
0x84: {  	_ =	shalt  }
0x85: {  	_ =	shalt  }
0x86: {  	_ =	shalt  }
0x87: {  	_ =	shalt  }
.Lfunc_end0:
.L_simem_size_0:
called_computation_lowered:
.L_overlay_start_0:
0x88: {  	s2 =	sld [smem:$0x3FD9]  }
0x89: {  	s3 =	sld [smem:$0x3FFE];
	_ =	sdelay $0x1  }
0x8a: {  	s1 =	srdreg.scid  }
0x8b: {  	s0 =	sand.u32 $0x1, s1  }
0x8c: {  	s16 =	sshll.u32 s0, $0xA;
	s2 =	sadd.s32 s3, s2  }
0x8d: {  	s2 =	sadd.s32 s2, s16  }
0x8e: {  	[smem:$0x3FC2] =	sst s2  }
0x8f: {  	_ = 	snop  }
0x90: {  	(tm) =	ssettm $0x1  }
0x91: {  	s17 =	sld [smem:$0x3FFB];
	_ =	sdelay $0x3  }
0x92: {  	_ =	strace s17  }
0x93: {  	s2 =	sld [smem:$0x3FFC];
	_ =	sdelay $0x3  }
0x94: {  	_ =	strace s2  }
0x95: {  	s2 =	sld [smem:$0x3FFD];
	_ =	sdelay $0x3  }
0x96: {  	_ =	strace s2  }
0x97: {  	_ =	strace $0x8FFFFFFF  }
0x98: {  	s18 =	sld [smem:$0x3FDB];
	_ =	sdelay $0x1  }
0x99: {  	s19 =	simm.s32 $_scs_section_size  }
0x9a: {  	s4 =	simm.s32 $_size__tile_overlayer_lowered;
	s5 =	simm.s32 $_tile_overlayer_lowered  }
0x9b: {  	s22 =	simm.s32 $0x1BFF;
	s21 =	sshll.u32 s5, $0x1;
	s2 =	sadd.s32 s19, s18  }
0x9c: {  	s6 =	simm.s32 $0x0;
	s20 =	sshll.u32 s4, $0x1;
	s4 =	sadd.s32 s21, s2  }
0x9d: {  	[timem:s6], [sflag:s22] =	dma.local [hbm:s4], s20  }
0x9e: {  	_ =	swait.ge [sflag:s22], s20  }
0x9f: {  	s3 =	ssub.s32 $0x0, s20;
	[sflag:s22] =	ssyncset.done $0x0  }
0xa0: {  	[sflag:s22] =	ssyncadd.s32 s3;
	_ =	sdelay $0x1  }
0xa1: {  	s23 =	simm.s32 $0x1B8B  }
0xa2: {  	_ =	swait.ge [sflag:s23], $0x1  }
0xa3: {  	[sflag:s23] =	ssyncset.done $0x0  }
0xa4: {  	s25 =	simm.s32 $0x1B8E;
	s24 =	sld [smem:$0x3FFE];
	[sflag:s23] =	ssyncadd.s32 $0xFFFFFFFF  }
0xa5: {  	s26 =	simm.s32 $execute0_lowered;
	[smem:$0x3FD2] =	sst s25  }
0xa6: {  	s4 =	sshll.u32 s26, $0x1;
	_ =	strace $0x80000046;
	[dreg:$0x1] =	wrdreg $0xFFFFFFFF  }
0xa7: {  	s28 =	simm.s32 $_size_execute0_lowered;
	s2 =	sadd.s32 s2, s4;
	[dreg:$0x0] =	wrdreg $0x0  }
0xa8: {  	s4 =	sshll.u32 s28, $0x1;
	[dreg:$0x2] =	wrdreg s2  }
0xa9: {  	[dreg:$0x3] =	wrdreg s4  }
0xaa: {  	[dreg:$0x4] =	wrdreg $0xC0  }
0xab: {  	_ =	task [dreg:s6], $0x5FFFF  }
0xac: {  	[dreg:$0x1] =	wrdreg $0xFFFFFFFF  }
0xad: {  	[dreg:$0x0] =	wrdreg $0x60  }
0xae: {  	[dreg:$0x2] =	wrdreg s24  }
0xaf: {  	[dreg:$0x3] =	wrdreg $0x9  }
0xb0: {  	_ =	task.clear_ibuf [dreg:s6], $0x4FFFF;
	_ =	strace $0x90000046  }
0xb1: {  	s29 =	simm.s32 $0x9;
	_ =	strace $0x80000048  }
0xb2: {  	_ =	swait.ge [sflag:s29], $0x1  }
0xb3: {  	[sflag:s29] =	ssyncadd.s32 $0xFFFFFFFF  }
0xb4: {  	_ =	strace $0x90000048  }
0xb5: {  	_ =	sfence  }
0xb6: {  	s30 =	sld [smem:$0x0];
	_ =	sdelay $0x2  }
0xb7: {  	s31 =	sshll.u32 s1, $0xD;
	s1 =	sshrl.u32 s1, $0x2  }
0xb8: {  	s3 =	sand.u32 $0x4000, s31;
	s1 =	sadd.s32 s1, s30  }
0xb9: {  	s0 =	sor.u32 s3, s0;
	s1 =	sshll.u32 s1, $0x11  }
0xba: {  	s0 =	sor.u32 s1, s0  }
0xbb: {  	s0 =	sadd.s32 $0x8F2B, s0  }
0xbc: {  	[sflag:s0] =	ssyncadd.remote.s32 $0x1  }
0xbd: {  	_ =	sfence.sel $0xFFFF  }
0xbe: {  	[dreg:$0x0] =	wrdreg $0xFFFFFFFF;
	(pc) =	sbr.abs _section_cstart, $3  }
0xbf: {  	[dreg:$0x1] =	wrdreg $0xFFFFFFFF  }
0xc0: {  	_ =	task.clear_ibuf [dreg:s6], $0x2FFFF;
	_ =	strace $0x9FFFFFFF  }
0xc1: {  	(tm) =	ssettm $0x7FFFFFFF  }
tec
execute0_lowered:
.L_overlay_start_1:
0x0: {  	(tag) =	ssettag $0x1  }
0x1: {  	s0 =	rddreg [dreg:$0x0]  }
0x2: {  	s2 =	simm.s32 $0x0;
	s1 =	srdreg.scid;
	s12 =	stileid.u32  }
0x3: {  	s25 =	simm.s32 $0x280;
	s26 =	simm.s32 $0xA400;
	s30 =	simm.s32 $0x380  }
0x4: {  	s31 =	simm.s32 $0xE400;
	s28 =	simm.s32 $0xC400;
	s29 =	simm.s32 $0x2  }
0x5: {  	[smem:$0x7FF] =	sst s2;
	s1 =	sand.u32 $0x1, s1;
	s3 =	sshll.u32 s12, $0x1  }
0x6: {  	s4 =	sadd.s32 $0x1A000, s0;
	s5 =	sadd.s32 $0x7DA000, s0;
	s17 =	smul.u32 $0x3200, s12  }
0x7: {  	s21 =	smul.u32 $0x32, s12;
	_ =	strace $0x80000047;
	[dreg:$0x3] =	wrdreg s25  }
0x8: {  	s6 =	sor.u32 s1, s3;
	s3 =	sadd.s32 $0x1000, s0;
	[dreg:$0x4] =	wrdreg s26  }
0x9: {  	s7 =	ssub.s32 $0x2, s1;
	s19 =	smul.u32 $0x1900, s1;
	[dreg:$0x5] =	wrdreg s30  }
0xa: {  	s1 =	smul.u32 $0x19, s1;
	[dreg:$0x6] =	wrdreg s31;
	s25 =	simm.s32 $0x300  }
0xb: {  	s26 =	simm.s32 $0x8400;
	s8 =	smul.u32 $0x19, s6;
	s9 =	sshrl.u32 s7, $0x1  }
0xc: {  	s15 =	sshll.u32 s6, $0x8;
	s6 =	sadd.s32 $0x1100, s0;
	s9 =	ssub.s32 s7, s9  }
0xd: {  	s7 =	sadd.s32 $0x7DA008, s0;
	s24 =	sadd.s32 s1, s21;
	s21 =	simm.s32 $0x6400  }
0xe: {  	s14 =	sadd.s32 $0x18, s8;
	s8 =	sand.u32 $0x700, s15;
	s23 =	smax.u32 s9, $0x1  }
0xf: {  	[dreg:$0xc] =	wrdreg s24;
	s15 =	simm.s32 $0x100;
	s24 =	simm.s32 $0x200  }
0x10: {  	s10 =	sshrl.u32 s14, $0x3;
	s11 =	sshll.u32 s8, $0x4;
	[dreg:$0xb] =	wrdreg s23  }
0x11: {  	s14 =	simm.s32 $0x5;
	s16 =	sshll.u32 s10, $0xF;
	s10 =	sshll.u32 s10, $0xC  }
0x12: {  	s23 =	simm.s32 $0x40;
	s0 =	sor.u32 s11, s16;
	s8 =	sor.u32 s8, s10  }
0x13: {  	s10 =	sadd.s32 s19, s17;
	s16 =	simm.s32 $0x80;
	s17 =	simm.s32 $0x400  }
0x14: {  	s19 =	simm.s32 $0x4400;
	s18 =	sadd.s32 s5, s0;
	[dreg:$0x2] =	wrdreg s10  }
0x15: {  	s0 =	sadd.s32 s0, s7;
	s20 =	sshrl.u32 s8, $0x3;
	[dreg:$0x7] =	wrdreg s18  }
0x16: {  	s8 =	simm.s32 $0x0;
	[dreg:$0x8] =	wrdreg s0;
	s22 =	sadd.s32 s3, s20  }
0x17: {  	s0 =	sadd.s32 s20, s6;
	s18 =	simm.s32 $0x2400;
	[dreg:$0x9] =	wrdreg s22  }
0x18: {  	s20 =	simm.s32 $0x180;
	[dreg:$0xa] =	wrdreg s0;
	s22 =	simm.s32 $0x1  }
.LBB2_1:
0x19: {  	p0 =	por $0x1, $0x1  }
0x1a: {  	p0 =	por p0, p0  }
0x1b: {  	[dreg:$0xd] =	wrdreg s8;
	s8 =	simm.s32 @!p0 $0x3  }
0x1c: {  	s1 =	rddreg [dreg:$0x2];
	_ =	swait.ge @!p0 [sflag:s8], $0x4000  }
0x1d: {  	s0 =	rddreg [dreg:$0xc]  }
0x1e: {  	s1 =	sadd.s32 $0x0, s1;
	[sflag:s8] =	ssyncset.done @!p0 $0x0;
	s9 =	sshrl.u32 s0, $0x3  }
0x1f: {  	s10 =	sand.u32 $0x700, s1;
	[sflag:s8] =	ssyncadd.s32 @!p0 $0xFFFFC000;
	s11 =	sshll.u32 s9, $0xC  }
0x20: {  	_ =	swait.ge @!p0 [sflag:s8], $0x4000;
	s11 =	sor.u32 s10, s11  }
0x21: {  	[sflag:s8] =	ssyncset.done @!p0 $0x0;
	s11 =	sshrl.u32 s11, $0x3  }
0x22: {  	[sflag:s8] =	ssyncadd.s32 @!p0 $0xFFFFC000;
	s30 =	sadd.s32 s3, s11  }
0x23: {  	[tilespmem:s2], [sflag:$0x5] =	stream.linear.gather [hbm4b:s30+s2], $0x100, $0x38;
	[tilespmem:$0x10400] =	vst v63  }
0x24: {  	_ =	swait.ge [sflag:s14], $0x100  }
0x25: {  	[sflag:s14] =	ssyncset.done $0x0  }
0x26: {  	s31 =	sadd.s32 s11, s6;
	[sflag:s14] =	ssyncadd.s32 $0xFFFFFF00  }
0x27: {  	[tilespmem:s15], [sflag:$0x5] =	stream.linear.gather [hbm4b:s31+s2], $0x100, $0x38;
	[tilespmem:$0x10400] =	vst v63  }
0x28: {  	_ =	swait.ge [sflag:s14], $0x100  }
0x29: {  	[sflag:s14] =	ssyncset.done $0x0  }
0x2a: {  	[sflag:s14] =	ssyncadd.s32 $0xFFFFFF00  }
0x2b: {  	[tilespmem:s17], [sflag:$0x1] =	stream.indirect.gather [hbm4b:s4+s16], $0x40, s2, s16, $0xb8;
	[tilespmem:$0x10400] =	vst v63  }
0x2c: {  	_ = 	snop  }
0x2d: {  	[tilespmem:s18], [sflag:$0x1] =	stream.indirect.gather [hbm4b:s4+s16], $0x40, s16, s16, $0xb8;
	[tilespmem:$0x10400] =	vst v63  }
0x2e: {  	_ = 	snop  }
0x2f: {  	[tilespmem:s19], [sflag:$0x1] =	stream.indirect.gather [hbm4b:s4+s16], $0x40, s15, s16, $0xb8;
	[tilespmem:$0x10400] =	vst v63  }
0x30: {  	_ = 	snop  }
0x31: {  	[tilespmem:s21], [sflag:$0x1] =	stream.indirect.gather [hbm4b:s4+s16], $0x40, s20, s16, $0xb8;
	[tilespmem:$0x10400] =	vst v63  }
0x32: {  	_ =	swait.ge [sflag:s22], $0x2000  }
0x33: {  	[sflag:s22] =	ssyncset.done $0x0  }
0x34: {  	[sflag:s22] =	ssyncadd.s32 $0xFFFFE000  }
0x35: {  	_ =	swait.ge [sflag:s22], $0x2000  }
0x36: {  	[sflag:s22] =	ssyncset.done $0x0  }
0x37: {  	[sflag:s22] =	ssyncadd.s32 $0xFFFFE000  }
0x38: {  	_ =	swait.ge [sflag:s22], $0x2000  }
0x39: {  	[sflag:s22] =	ssyncset.done $0x0  }
0x3a: {  	[sflag:s22] =	ssyncadd.s32 $0xFFFFE000  }
0x3b: {  	s12 =	sshll.u32 s10, $0x4;
	s11 =	sshll.u32 s9, $0xF;
	_ =	swait.ge [sflag:s22], $0x2000  }
0x3c: {  	s8 =	sor.u32 s11, s12;
	[sflag:s22] =	ssyncset.done $0x0  }
0x3d: {  	s9 =	sadd.s32 s5, s8;
	[sflag:s22] =	ssyncadd.s32 $0xFFFFE000  }
0x3e: {  	[hbm4b:s9+s23] =	stream.strided.scatter [tilespmem:s17], [sflag:$0x3], $0x4000, s16, s23, $0x38;
	[tilespmem:$0x10400] =	vst v63  }
0x3f: {  	s8 =	sadd.s32 s8, s7;
	s9 =	simm.s32 @!p0 $0x4  }
0x40: {  	[hbm4b:s8+s23] =	stream.strided.scatter [tilespmem:s19], [sflag:$0x3], $0x4000, s16, s23, $0x38;
	[tilespmem:$0x10400] =	vst v63  }
0x41: {  	s13 =	sadd.s32 $0x1, s0;
	_ =	swait.ge @!p0 [sflag:s9], $0x4000  }
0x42: {  	s1 =	sadd.s32 $0x100, s1;
	s8 =	sshrl.u32 s13, $0x3;
	[sflag:s9] =	ssyncset.done @!p0 $0x0  }
0x43: {  	s1 =	sand.u32 $0x700, s1;
	s30 =	sshll.u32 s8, $0xC;
	[sflag:s9] =	ssyncadd.s32 @!p0 $0xFFFFC000  }
0x44: {  	s10 =	sor.u32 s1, s30;
	_ =	swait.ge @!p0 [sflag:s9], $0x4000  }
0x45: {  	s10 =	sshrl.u32 s10, $0x3;
	[sflag:s9] =	ssyncset.done @!p0 $0x0  }
0x46: {  	s31 =	sadd.s32 s3, s10;
	[sflag:s9] =	ssyncadd.s32 @!p0 $0xFFFFC000  }
0x47: {  	[tilespmem:s24], [sflag:$0x5] =	stream.linear.gather [hbm4b:s31+s2], $0x100, $0x38;
	[tilespmem:$0x10400] =	vst v63  }
0x48: {  	_ =	swait.ge [sflag:s14], $0x100  }
0x49: {  	[sflag:s14] =	ssyncset.done $0x0  }
0x4a: {  	s10 =	sadd.s32 s10, s6;
	[sflag:s14] =	ssyncadd.s32 $0xFFFFFF00  }
0x4b: {  	[tilespmem:s25], [sflag:$0x5] =	stream.linear.gather [hbm4b:s10+s2], $0x100, $0x38;
	[tilespmem:$0x10400] =	vst v63  }
0x4c: {  	_ =	swait.ge [sflag:s14], $0x100  }
0x4d: {  	[sflag:s14] =	ssyncset.done $0x0  }
0x4e: {  	s11 =	rddreg [dreg:$0x4];
	[sflag:s14] =	ssyncadd.s32 $0xFFFFFF00  }
0x4f: {  	[tilespmem:s26], [sflag:$0x2] =	stream.indirect.gather [hbm4b:s4+s16], $0x40, s24, s16, $0xb8;
	[tilespmem:$0x10400] =	vst v63  }
0x50: {  	s12 =	rddreg [dreg:$0x3]  }
0x51: {  	[tilespmem:s11], [sflag:$0x2] =	stream.indirect.gather [hbm4b:s4+s16], $0x40, s12, s16, $0xb8;
	[tilespmem:$0x10400] =	vst v63  }
0x52: {  	s13 =	rddreg [dreg:$0x6]  }
0x53: {  	[tilespmem:s28], [sflag:$0x2] =	stream.indirect.gather [hbm4b:s4+s16], $0x40, s25, s16, $0xb8;
	[tilespmem:$0x10400] =	vst v63  }
0x54: {  	s30 =	rddreg [dreg:$0x5]  }
0x55: {  	[tilespmem:s13], [sflag:$0x2] =	stream.indirect.gather [hbm4b:s4+s16], $0x40, s30, s16, $0xb8;
	[tilespmem:$0x10400] =	vst v63  }
0x56: {  	_ =	swait.ge [sflag:s29], $0x2000  }
0x57: {  	[sflag:s29] =	ssyncset.done $0x0  }
0x58: {  	[sflag:s29] =	ssyncadd.s32 $0xFFFFE000  }
0x59: {  	_ =	swait.ge [sflag:s29], $0x2000  }
0x5a: {  	[sflag:s29] =	ssyncset.done $0x0  }
0x5b: {  	[sflag:s29] =	ssyncadd.s32 $0xFFFFE000  }
0x5c: {  	s8 =	sshll.u32 s8, $0x12;
	s1 =	sshll.u32 s1, $0x7;
	_ =	swait.ge [sflag:s29], $0x2000  }
0x5d: {  	p6 =	por $0x0, $0x0;
	s1 =	sor.u32 s8, s1;
	[sflag:s29] =	ssyncset.done $0x0  }
0x5e: {  	s8 =	simm.s32 $0x400;
	s1 =	sshrl.u32 s1, $0x3;
	[sflag:s29] =	ssyncadd.s32 $0xFFFFE000  }
0x5f: {  	s9 =	simm.s32 $0x200;
	p0 =	por p6, p6;
	_ =	swait.ge [sflag:s29], $0x2000  }
0x60: {  	s31 =	sadd.s32 s5, s1;
	s10 =	sadd.s32 s1, s7;
	[sflag:s29] =	ssyncset.done $0x0  }
0x61: {  	s1 =	sadd.s32 $0x2, s0;
	s12 =	rddreg [dreg:$0x2];
	[sflag:s29] =	ssyncadd.s32 $0xFFFFE000  }
0x62: {  	[hbm4b:s31+s23] =	stream.strided.scatter [tilespmem:s26], [sflag:$0x4], $0x4000, s16, s23, $0x38;
	[tilespmem:$0x10400] =	vst v63  }
.LBB2_2:
0x63: {  	s11 =	simm.s32 @!p0 $0x3  }
0x64: {  	[hbm4b:s10+s23] =	stream.strided.scatter [tilespmem:s28], [sflag:$0x4], $0x4000, s16, s23, $0x38;
	[tilespmem:$0x10400] =	vst v63  }
0x65: {  	s10 =	sshrl.u32 s1, $0x3;
	s31 =	sadd.s32 $0x1, s1;
	_ =	swait.ge @!p0 [sflag:s11], $0x4000  }
0x66: {  	s9 =	sadd.s32 s9, s12;
	s12 =	sshrl.u32 s31, $0x3;
	[sflag:s11] =	ssyncset.done @!p0 $0x0  }
0x67: {  	s31 =	sand.u32 $0x700, s9;
	s0 =	sshll.u32 s10, $0xC;
	[sflag:s11] =	ssyncadd.s32 @!p0 $0xFFFFC000  }
0x68: {  	s0 =	sor.u32 s31, s0;
	_ =	swait.ge @!p0 [sflag:s11], $0x4000  }
0x69: {  	s0 =	sshrl.u32 s0, $0x3;
	[sflag:s11] =	ssyncset.done @!p0 $0x0  }
0x6a: {  	[sflag:s11] =	ssyncadd.s32 @!p0 $0xFFFFC000;
	s11 =	sadd.s32 s3, s0  }
0x6b: {  	[tilespmem:s2], [sflag:$0x5] =	stream.linear.gather [hbm4b:s11+s2], $0x100, $0x38;
	[tilespmem:$0x10400] =	vst v63  }
0x6c: {  	_ =	swait.ge [sflag:s14], $0x100  }
0x6d: {  	[sflag:s14] =	ssyncset.done $0x0  }
0x6e: {  	s0 =	sadd.s32 s0, s6;
	[sflag:s14] =	ssyncadd.s32 $0xFFFFFF00  }
0x6f: {  	[tilespmem:s15], [sflag:$0x5] =	stream.linear.gather [hbm4b:s0+s2], $0x100, $0x38;
	[tilespmem:$0x10400] =	vst v63  }
0x70: {  	_ =	swait.ge [sflag:s14], $0x100  }
0x71: {  	[sflag:s14] =	ssyncset.done $0x0  }
0x72: {  	[sflag:s14] =	ssyncadd.s32 $0xFFFFFF00  }
0x73: {  	[tilespmem:s17], [sflag:$0x1] =	stream.indirect.gather [hbm4b:s4+s16], $0x40, s2, s16, $0xb8;
	[tilespmem:$0x10400] =	vst v63  }
0x74: {  	_ = 	snop  }
0x75: {  	[tilespmem:s18], [sflag:$0x1] =	stream.indirect.gather [hbm4b:s4+s16], $0x40, s16, s16, $0xb8;
	[tilespmem:$0x10400] =	vst v63  }
0x76: {  	_ = 	snop  }
0x77: {  	[tilespmem:s19], [sflag:$0x1] =	stream.indirect.gather [hbm4b:s4+s16], $0x40, s15, s16, $0xb8;
	[tilespmem:$0x10400] =	vst v63  }
0x78: {  	_ = 	snop  }
0x79: {  	[tilespmem:s21], [sflag:$0x1] =	stream.indirect.gather [hbm4b:s4+s16], $0x40, s20, s16, $0xb8;
	[tilespmem:$0x10400] =	vst v63  }
0x7a: {  	_ =	swait.ge [sflag:s22], $0x2000  }
0x7b: {  	[sflag:s22] =	ssyncset.done $0x0  }
0x7c: {  	[sflag:s22] =	ssyncadd.s32 $0xFFFFE000  }
0x7d: {  	_ =	swait.ge [sflag:s22], $0x2000  }
0x7e: {  	[sflag:s22] =	ssyncset.done $0x0  }
0x7f: {  	s13 =	smov.u32 s8;
	[sflag:s22] =	ssyncadd.s32 $0xFFFFE000  }
0x80: {  	s10 =	sshll.u32 s10, $0xF;
	s9 =	sadd.s32 $0x100, s9;
	_ =	swait.ge [sflag:s22], $0x2000  }
0x81: {  	s30 =	sshll.u32 s12, $0x12;
	s12 =	sshll.u32 s12, $0xC;
	[sflag:s22] =	ssyncset.done $0x0  }
0x82: {  	s9 =	sand.u32 $0x700, s9;
	s31 =	sshll.u32 s31, $0x4;
	[sflag:s22] =	ssyncadd.s32 $0xFFFFE000  }
0x83: {  	s12 =	sor.u32 s9, s12;
	s9 =	sshll.u32 s9, $0x7;
	_ =	swait.ge [sflag:s22], $0x2000  }
0x84: {  	s31 =	sor.u32 s10, s31;
	s11 =	sor.u32 s30, s9;
	[sflag:s22] =	ssyncset.done $0x0  }
0x85: {  	s9 =	smov.u32 s13;
	s13 =	sadd.s32 s5, s31;
	[sflag:s22] =	ssyncadd.s32 $0xFFFFE000  }
0x86: {  	[hbm4b:s13+s23] =	stream.strided.scatter [tilespmem:s17], [sflag:$0x3], $0x4000, s16, s23, $0x38;
	[tilespmem:$0x10400] =	vst v63  }
0x87: {  	s30 =	sadd.s32 s31, s7;
	s13 =	simm.s32 @!p0 $0x4  }
0x88: {  	[hbm4b:s30+s23] =	stream.strided.scatter [tilespmem:s19], [sflag:$0x3], $0x4000, s16, s23, $0x38;
	[tilespmem:$0x10400] =	vst v63  }
0x89: {  	_ =	swait.ge @!p0 [sflag:s13], $0x4000  }
0x8a: {  	[sflag:s13] =	ssyncset.done @!p0 $0x0  }
0x8b: {  	[sflag:s13] =	ssyncadd.s32 @!p0 $0xFFFFC000  }
0x8c: {  	_ =	swait.ge @!p0 [sflag:s13], $0x4000  }
0x8d: {  	s12 =	sshrl.u32 s12, $0x3;
	[sflag:s13] =	ssyncset.done @!p0 $0x0  }
0x8e: {  	s31 =	sadd.s32 s3, s12;
	[sflag:s13] =	ssyncadd.s32 @!p0 $0xFFFFC000  }
0x8f: {  	[tilespmem:s24], [sflag:$0x5] =	stream.linear.gather [hbm4b:s31+s2], $0x100, $0x38;
	[tilespmem:$0x10400] =	vst v63  }
0x90: {  	_ =	swait.ge [sflag:s14], $0x100  }
0x91: {  	[sflag:s14] =	ssyncset.done $0x0  }
0x92: {  	s12 =	sadd.s32 s12, s6;
	[sflag:s14] =	ssyncadd.s32 $0xFFFFFF00  }
0x93: {  	[tilespmem:s25], [sflag:$0x5] =	stream.linear.gather [hbm4b:s12+s2], $0x100, $0x38;
	[tilespmem:$0x10400] =	vst v63  }
0x94: {  	_ =	swait.ge [sflag:s14], $0x100  }
0x95: {  	[sflag:s14] =	ssyncset.done $0x0  }
0x96: {  	s13 =	rddreg [dreg:$0x4];
	[sflag:s14] =	ssyncadd.s32 $0xFFFFFF00  }
0x97: {  	[tilespmem:s26], [sflag:$0x2] =	stream.indirect.gather [hbm4b:s4+s16], $0x40, s24, s16, $0xb8;
	[tilespmem:$0x10400] =	vst v63  }
0x98: {  	s30 =	rddreg [dreg:$0x3]  }
0x99: {  	[tilespmem:s13], [sflag:$0x2] =	stream.indirect.gather [hbm4b:s4+s16], $0x40, s30, s16, $0xb8;
	[tilespmem:$0x10400] =	vst v63  }
0x9a: {  	s31 =	rddreg [dreg:$0x6]  }
0x9b: {  	[tilespmem:s28], [sflag:$0x2] =	stream.indirect.gather [hbm4b:s4+s16], $0x40, s25, s16, $0xb8;
	[tilespmem:$0x10400] =	vst v63  }
0x9c: {  	s30 =	rddreg [dreg:$0x5]  }
0x9d: {  	[tilespmem:s31], [sflag:$0x2] =	stream.indirect.gather [hbm4b:s4+s16], $0x40, s30, s16, $0xb8;
	[tilespmem:$0x10400] =	vst v63  }
0x9e: {  	_ =	swait.ge [sflag:s29], $0x2000  }
0x9f: {  	[sflag:s29] =	ssyncset.done $0x0  }
0xa0: {  	[sflag:s29] =	ssyncadd.s32 $0xFFFFE000  }
0xa1: {  	_ =	swait.ge [sflag:s29], $0x2000  }
0xa2: {  	[sflag:s29] =	ssyncset.done $0x0  }
0xa3: {  	[sflag:s29] =	ssyncadd.s32 $0xFFFFE000  }
0xa4: {  	p2 =	seq.s32 s8, $0x0;
	s8 =	sadd.s32 $0x200, s8;
	_ =	swait.ge [sflag:s29], $0x2000  }
0xa5: {  	p1 =	sne.s32 s8, $0x1800;
	[sflag:s29] =	ssyncset.done $0x0  }
.Ltmp0:
0xa6: {  	[sflag:s29] =	ssyncadd.s32 $0xFFFFE000;
	(pc) =	sbr.rel @p1 .LBB2_2-.Ltmp0, $4  }
0xa7: {  	s1 =	sadd.s32 $0x2, s1;
	s11 =	sshrl.u32 s11, $0x3;
	_ =	swait.ge [sflag:s29], $0x2000  }
0xa8: {  	s10 =	sadd.s32 s11, s7;
	p0 =	por p2, p2;
	[sflag:s29] =	ssyncset.done $0x0  }
0xa9: {  	s31 =	sadd.s32 s5, s11;
	s12 =	rddreg [dreg:$0x2];
	[sflag:s29] =	ssyncadd.s32 $0xFFFFE000  }
0xaa: {  	[hbm4b:s31+s23] =	stream.strided.scatter [tilespmem:s26], [sflag:$0x4], $0x4000, s16, s23, $0x38;
	[tilespmem:$0x10400] =	vst v63  }
0xab: {  	s0 =	simm.s32 @!p0 $0x3  }
0xac: {  	[hbm4b:s10+s23] =	stream.strided.scatter [tilespmem:s28], [sflag:$0x4], $0x4000, s16, s23, $0x38;
	[tilespmem:$0x10400] =	vst v63  }
0xad: {  	_ =	swait.ge @!p0 [sflag:s0], $0x4000  }
0xae: {  	s8 =	sshrl.u32 s1, $0x3;
	s9 =	sadd.s32 s9, s12;
	[sflag:s0] =	ssyncset.done @!p0 $0x0  }
0xaf: {  	s13 =	sand.u32 $0x700, s9;
	s11 =	sshll.u32 s8, $0xC;
	[sflag:s0] =	ssyncadd.s32 @!p0 $0xFFFFC000  }
0xb0: {  	s11 =	sor.u32 s13, s11;
	_ =	swait.ge @!p0 [sflag:s0], $0x4000  }
0xb1: {  	s11 =	sshrl.u32 s11, $0x3;
	[sflag:s0] =	ssyncset.done @!p0 $0x0  }
0xb2: {  	s30 =	sadd.s32 s3, s11;
	[sflag:s0] =	ssyncadd.s32 @!p0 $0xFFFFC000  }
0xb3: {  	[tilespmem:s2], [sflag:$0x5] =	stream.linear.gather [hbm4b:s30+s2], $0x100, $0x38;
	[tilespmem:$0x10400] =	vst v63  }
0xb4: {  	_ =	swait.ge [sflag:s14], $0x100  }
0xb5: {  	[sflag:s14] =	ssyncset.done $0x0  }
0xb6: {  	s31 =	sadd.s32 s11, s6;
	[sflag:s14] =	ssyncadd.s32 $0xFFFFFF00  }
0xb7: {  	[tilespmem:s15], [sflag:$0x5] =	stream.linear.gather [hbm4b:s31+s2], $0x100, $0x38;
	[tilespmem:$0x10400] =	vst v63  }
0xb8: {  	_ =	swait.ge [sflag:s14], $0x100  }
0xb9: {  	[sflag:s14] =	ssyncset.done $0x0  }
0xba: {  	[sflag:s14] =	ssyncadd.s32 $0xFFFFFF00  }
0xbb: {  	[tilespmem:s17], [sflag:$0x1] =	stream.indirect.gather [hbm4b:s4+s16], $0x40, s2, s16, $0xb8;
	[tilespmem:$0x10400] =	vst v63  }
0xbc: {  	_ = 	snop  }
0xbd: {  	[tilespmem:s18], [sflag:$0x1] =	stream.indirect.gather [hbm4b:s4+s16], $0x40, s16, s16, $0xb8;
	[tilespmem:$0x10400] =	vst v63  }
0xbe: {  	_ = 	snop  }
0xbf: {  	[tilespmem:s19], [sflag:$0x1] =	stream.indirect.gather [hbm4b:s4+s16], $0x40, s15, s16, $0xb8;
	[tilespmem:$0x10400] =	vst v63  }
0xc0: {  	_ = 	snop  }
0xc1: {  	[tilespmem:s21], [sflag:$0x1] =	stream.indirect.gather [hbm4b:s4+s16], $0x40, s20, s16, $0xb8;
	[tilespmem:$0x10400] =	vst v63  }
0xc2: {  	_ =	swait.ge [sflag:s22], $0x2000  }
0xc3: {  	[sflag:s22] =	ssyncset.done $0x0  }
0xc4: {  	[sflag:s22] =	ssyncadd.s32 $0xFFFFE000  }
0xc5: {  	_ =	swait.ge [sflag:s22], $0x2000  }
0xc6: {  	[sflag:s22] =	ssyncset.done $0x0  }
0xc7: {  	[sflag:s22] =	ssyncadd.s32 $0xFFFFE000  }
0xc8: {  	_ =	swait.ge [sflag:s22], $0x2000  }
0xc9: {  	[sflag:s22] =	ssyncset.done $0x0  }
0xca: {  	[sflag:s22] =	ssyncadd.s32 $0xFFFFE000  }
0xcb: {  	s8 =	sshll.u32 s8, $0xF;
	s11 =	sshll.u32 s13, $0x4;
	_ =	swait.ge [sflag:s22], $0x2000  }
0xcc: {  	s0 =	sor.u32 s8, s11;
	[sflag:s22] =	ssyncset.done $0x0  }
0xcd: {  	s8 =	sadd.s32 s5, s0;
	[sflag:s22] =	ssyncadd.s32 $0xFFFFE000  }
0xce: {  	[hbm4b:s8+s23] =	stream.strided.scatter [tilespmem:s17], [sflag:$0x3], $0x4000, s16, s23, $0x38;
	[tilespmem:$0x10400] =	vst v63  }
0xcf: {  	s0 =	sadd.s32 s0, s7;
	s8 =	simm.s32 @!p0 $0x4  }
0xd0: {  	[hbm4b:s0+s23] =	stream.strided.scatter [tilespmem:s19], [sflag:$0x3], $0x4000, s16, s23, $0x38;
	[tilespmem:$0x10400] =	vst v63  }
0xd1: {  	s12 =	sadd.s32 $0x1, s1;
	_ =	swait.ge @!p0 [sflag:s8], $0x4000  }
0xd2: {  	s13 =	sadd.s32 $0x100, s9;
	s0 =	sshrl.u32 s12, $0x3;
	[sflag:s8] =	ssyncset.done @!p0 $0x0  }
0xd3: {  	s1 =	sand.u32 $0x700, s13;
	s30 =	sshll.u32 s0, $0xC;
	[sflag:s8] =	ssyncadd.s32 @!p0 $0xFFFFC000  }
0xd4: {  	s9 =	sor.u32 s1, s30;
	_ =	swait.ge @!p0 [sflag:s8], $0x4000  }
0xd5: {  	s9 =	sshrl.u32 s9, $0x3;
	[sflag:s8] =	ssyncset.done @!p0 $0x0  }
0xd6: {  	s31 =	sadd.s32 s3, s9;
	[sflag:s8] =	ssyncadd.s32 @!p0 $0xFFFFC000  }
0xd7: {  	[tilespmem:s24], [sflag:$0x5] =	stream.linear.gather [hbm4b:s31+s2], $0x100, $0x38;
	[tilespmem:$0x10400] =	vst v63  }
0xd8: {  	_ =	swait.ge [sflag:s14], $0x100  }
0xd9: {  	[sflag:s14] =	ssyncset.done $0x0  }
0xda: {  	s10 =	sadd.s32 s9, s6;
	[sflag:s14] =	ssyncadd.s32 $0xFFFFFF00  }
0xdb: {  	[tilespmem:s25], [sflag:$0x5] =	stream.linear.gather [hbm4b:s10+s2], $0x100, $0x38;
	[tilespmem:$0x10400] =	vst v63  }
0xdc: {  	_ =	swait.ge [sflag:s14], $0x100  }
0xdd: {  	[sflag:s14] =	ssyncset.done $0x0  }
0xde: {  	s11 =	rddreg [dreg:$0x4];
	[sflag:s14] =	ssyncadd.s32 $0xFFFFFF00  }
0xdf: {  	[tilespmem:s26], [sflag:$0x2] =	stream.indirect.gather [hbm4b:s4+s16], $0x40, s24, s16, $0xb8;
	[tilespmem:$0x10400] =	vst v63  }
0xe0: {  	s12 =	rddreg [dreg:$0x3]  }
0xe1: {  	[tilespmem:s11], [sflag:$0x2] =	stream.indirect.gather [hbm4b:s4+s16], $0x40, s12, s16, $0xb8;
	[tilespmem:$0x10400] =	vst v63  }
0xe2: {  	s13 =	rddreg [dreg:$0x6]  }
0xe3: {  	[tilespmem:s28], [sflag:$0x2] =	stream.indirect.gather [hbm4b:s4+s16], $0x40, s25, s16, $0xb8;
	[tilespmem:$0x10400] =	vst v63  }
0xe4: {  	s30 =	rddreg [dreg:$0x5]  }
0xe5: {  	[tilespmem:s13], [sflag:$0x2] =	stream.indirect.gather [hbm4b:s4+s16], $0x40, s30, s16, $0xb8;
	[tilespmem:$0x10400] =	vst v63  }
0xe6: {  	_ =	swait.ge [sflag:s29], $0x2000  }
0xe7: {  	[sflag:s29] =	ssyncset.done $0x0  }
0xe8: {  	[sflag:s29] =	ssyncadd.s32 $0xFFFFE000  }
0xe9: {  	_ =	swait.ge [sflag:s29], $0x2000  }
0xea: {  	[sflag:s29] =	ssyncset.done $0x0  }
0xeb: {  	[sflag:s29] =	ssyncadd.s32 $0xFFFFE000  }
0xec: {  	_ =	swait.ge [sflag:s29], $0x2000  }
0xed: {  	[sflag:s29] =	ssyncset.done $0x0  }
0xee: {  	s0 =	sshll.u32 s0, $0x12;
	s1 =	sshll.u32 s1, $0x7;
	[sflag:s29] =	ssyncadd.s32 $0xFFFFE000  }
0xef: {  	s0 =	sor.u32 s0, s1;
	_ =	swait.ge [sflag:s29], $0x2000  }
0xf0: {  	s0 =	sshrl.u32 s0, $0x3;
	[sflag:s29] =	ssyncset.done $0x0  }
0xf1: {  	s31 =	sadd.s32 s5, s0;
	[sflag:s29] =	ssyncadd.s32 $0xFFFFE000  }
0xf2: {  	[hbm4b:s31+s23] =	stream.strided.scatter [tilespmem:s26], [sflag:$0x4], $0x4000, s16, s23, $0x38;
	[tilespmem:$0x10400] =	vst v63  }
0xf3: {  	s8 =	simm.s32 $0x3;
	s0 =	sadd.s32 s0, s7  }
0xf4: {  	[hbm4b:s0+s23] =	stream.strided.scatter [tilespmem:s28], [sflag:$0x4], $0x4000, s16, s23, $0x38;
	[tilespmem:$0x10400] =	vst v63  }
0xf5: {  	_ =	swait.ge [sflag:s8], $0x4000  }
0xf6: {  	[sflag:s8] =	ssyncset.done $0x0  }
0xf7: {  	[sflag:s8] =	ssyncadd.s32 $0xFFFFC000  }
0xf8: {  	_ =	swait.ge [sflag:s8], $0x4000  }
0xf9: {  	[sflag:s8] =	ssyncset.done $0x0  }
0xfa: {  	s9 =	rddreg [dreg:$0x9];
	[sflag:s8] =	ssyncadd.s32 $0xFFFFC000  }
0xfb: {  	[tilespmem:s2], [sflag:$0x5] =	stream.linear.gather [hbm4b:s9+s2], $0x100, $0x38;
	[tilespmem:$0x10400] =	vst v63  }
0xfc: {  	_ =	swait.ge [sflag:s14], $0x100  }
0xfd: {  	[sflag:s14] =	ssyncset.done $0x0  }
0xfe: {  	s10 =	rddreg [dreg:$0xa];
	[sflag:s14] =	ssyncadd.s32 $0xFFFFFF00  }
0xff: {  	[tilespmem:s15], [sflag:$0x5] =	stream.linear.gather [hbm4b:s10+s2], $0x100, $0x38;
	[tilespmem:$0x10400] =	vst v63  }
0x100: {  	_ =	swait.ge [sflag:s14], $0x100  }
0x101: {  	[sflag:s14] =	ssyncset.done $0x0  }
0x102: {  	[sflag:s14] =	ssyncadd.s32 $0xFFFFFF00  }
0x103: {  	[tilespmem:s17], [sflag:$0x1] =	stream.indirect.gather [hbm4b:s4+s16], $0x40, s2, s16, $0xb8;
	[tilespmem:$0x10400] =	vst v63  }
0x104: {  	_ = 	snop  }
0x105: {  	[tilespmem:s18], [sflag:$0x1] =	stream.indirect.gather [hbm4b:s4+s16], $0x40, s16, s16, $0xb8;
	[tilespmem:$0x10400] =	vst v63  }
0x106: {  	_ = 	snop  }
0x107: {  	[tilespmem:s19], [sflag:$0x1] =	stream.indirect.gather [hbm4b:s4+s16], $0x40, s15, s16, $0xb8;
	[tilespmem:$0x10400] =	vst v63  }
0x108: {  	_ = 	snop  }
0x109: {  	[tilespmem:s21], [sflag:$0x1] =	stream.indirect.gather [hbm4b:s4+s16], $0x40, s20, s16, $0xb8;
	[tilespmem:$0x10400] =	vst v63  }
0x10a: {  	_ =	swait.ge [sflag:s22], $0x2000  }
0x10b: {  	[sflag:s22] =	ssyncset.done $0x0  }
0x10c: {  	[sflag:s22] =	ssyncadd.s32 $0xFFFFE000  }
0x10d: {  	_ =	swait.ge [sflag:s22], $0x2000  }
0x10e: {  	[sflag:s22] =	ssyncset.done $0x0  }
0x10f: {  	[sflag:s22] =	ssyncadd.s32 $0xFFFFE000  }
0x110: {  	_ =	swait.ge [sflag:s22], $0x2000  }
0x111: {  	[sflag:s22] =	ssyncset.done $0x0  }
0x112: {  	[sflag:s22] =	ssyncadd.s32 $0xFFFFE000  }
0x113: {  	_ =	swait.ge [sflag:s22], $0x2000  }
0x114: {  	[sflag:s22] =	ssyncset.done $0x0  }
0x115: {  	s11 =	rddreg [dreg:$0x7];
	[sflag:s22] =	ssyncadd.s32 $0xFFFFE000  }
0x116: {  	[hbm4b:s11+s23] =	stream.strided.scatter [tilespmem:s17], [sflag:$0x3], $0x4000, s16, s23, $0x38;
	[tilespmem:$0x10400] =	vst v63  }
0x117: {  	s12 =	rddreg [dreg:$0x8]  }
0x118: {  	[hbm4b:s12+s23] =	stream.strided.scatter [tilespmem:s19], [sflag:$0x3], $0x4000, s16, s23, $0x38;
	[tilespmem:$0x10400] =	vst v63  }
0x119: {  	_ =	swait.ge [sflag:s8], $0x4000  }
0x11a: {  	[sflag:s8] =	ssyncset.done $0x0  }
0x11b: {  	[sflag:s8] =	ssyncadd.s32 $0xFFFFC000  }
0x11c: {  	_ =	swait.ge [sflag:s8], $0x4000  }
0x11d: {  	[sflag:s8] =	ssyncset.done $0x0  }
0x11e: {  	s13 =	simm.s32 $0x4;
	[sflag:s8] =	ssyncadd.s32 $0xFFFFC000  }
0x11f: {  	_ =	swait.ge [sflag:s13], $0x4000  }
0x120: {  	[sflag:s13] =	ssyncset.done $0x0  }
0x121: {  	[sflag:s13] =	ssyncadd.s32 $0xFFFFC000  }
0x122: {  	_ =	swait.ge [sflag:s13], $0x4000  }
0x123: {  	s30 =	rddreg [dreg:$0xd]  }
0x124: {  	s31 =	rddreg [dreg:$0xb];
	s8 =	sadd.s32 $0x1, s30  }
0x125: {  	p0 =	sne.s32 s8, s31  }
.Ltmp1:
0x126: {  	_ = 	snop;
	(pc) =	sbr.rel @p0 .LBB2_1-.Ltmp1, $3  }
0x127: {  	_ =	sdelay $0x1  }
0x128: {  	[sflag:s13] =	ssyncset.done $0x0  }
0x129: {  	[sflag:s13] =	ssyncadd.s32 $0xFFFFC000  }
0x12a: {  	_ =	sfence.sel $0x180000  }
0x12b: {  	[bflag:$0x0] =	sbarrier.arrive $0xFFFF  }
0x12c: {  	_ =	strace $0x90000047  }
0x12d: {  	s0 =	stileid.u32;
	[bflag:$0x2] =	sbarrier.arrive $0xFFFF  }
0x12e: {  	p0 =	sne.s32 s0, $0x0;
	s0 =	rddreg [dreg:$0x1]  }
0x12f: {  	s0 =	sadd.s32 @!p0 $0x100000, s0  }
0x130: {  	[sflag:s0] =	ssyncadd.tile.s32 @!p0 $0x1;
	_ =	shalt  }
.Lfunc_end2:
_tile_overlayer_lowered:
.L_overlay_start_2:
0x131: {  	(tag) =	ssettag $0x2  }
0x132: {  	s0 =	rddreg [dreg:$0x0];
	s2 =	stileid.u32  }
0x133: {  	s1 =	rddreg [dreg:$0x1];
	p0 =	sne.s32 s2, $0x0  }
0x134: {  	s3 =	rddreg [dreg:$0x2];
	[bflag:$0x3] =	sbarrier.arrive $0xFFFF;
	s2 =	simm.s32 @!p0 $0x1C05  }
0x135: {  	[timem:s3], [sflag:s2] =	dma.local @!p0 [hbm:s0], s1  }
0x136: {  	s0 =	simm.s32 @!p0 $0x5  }
0x137: {  	_ =	swait.ge @!p0 [sflag:s0], s1  }
0x138: {  	s1 =	ssub.s32 @!p0 $0x0, s1;
	[sflag:s0] =	ssyncset.done @!p0 $0x0  }
0x139: {  	[sflag:s0] =	ssyncadd.s32 @!p0 s1  }
0x13a: {  	[bflag:$0x3] =	sbarrier.arrive $0xFFFF  }
0x13b: {  	_ =	shalt  }

</sc_bundles>
